<compile_context>
chip_gen: v7x
topology: tpu7x:2x2x1
jax: 0.10.2.dev20260603
libtpu: 0.0.44.dev20260713+nightly
codegen_flags: <defaults>
</compile_context>

<pallas_src>
import functools

import jax
import jax.numpy as jnp
from jax import lax
from jax.experimental import pallas as pl
from jax.experimental.pallas import tpu as pltpu
from jax.experimental.pallas import tpu_sc as plsc

N = 10000
D = 128
HD = D // 2
NPAD = 10240
SHARD = NPAD // 16
CH = 80
EPAD = 327680
NROW2D = EPAD // CH
NCH = EPAD // 16 // CH

_SC_PARAMS = pltpu.CompilerParams(
    needs_layout_passes=False, use_tc_tiling_on_sc=False)


def _rsqrt_nr(v):
    s = 0.5 * (1.0 + v)
    for _ in range(24):
        s = 0.5 * (s + v / s)
    return 1.0 / s


def _zero_rows(buf, nrow):
    def zr(i, _):
        for j in range(HD // 16):
            buf[i, pl.ds(j * 16, 16)] = jnp.zeros((16,), jnp.float32)
        return 0
    lax.fori_loop(0, nrow, zr, 0)


def _scale_rows(rows_bf, rows_f, nrm_row):
    def srow(rr, _):
        for q in range(4):
            r = rr * 4 + q
            nsp = plsc.load_gather(nrm_row, [jnp.full((16,), r, jnp.int32)])
            for j in range(HD // 32):
                v = rows_bf[r, pl.ds(j * 32, 32)]
                a, b = plsc.unpack(v, format=plsc.PackFormat.INTERLEAVED,
                                   preferred_element_type=jnp.float32)
                rows_f[r, pl.ds(j * 32, 16)] = a * nsp
                rows_f[r, pl.ds(j * 32 + 16, 16)] = b * nsp
        return 0
    lax.fori_loop(0, CH // 4, srow, 0)


def _agg_loop(feat_h, srcb, dstb, nrmb, rows_bf, rows_f, g0, acc_sh):
    def chunk(ch, _):
        pltpu.async_copy(feat_h.at[srcb.at[ch]], rows_bf, g0).wait()
        _scale_rows(rows_bf, rows_f, nrmb.at[ch])
        pltpu.sync_copy(rows_f, acc_sh.at[dstb.at[ch]], add=True)
        return 0
    lax.fori_loop(0, NCH, chunk, 0)


def _sc_pass_a(src2d, dst2d, w2d, feat4):
    mesh = plsc.VectorSubcoreMesh(core_axis_name="c", subcore_axis_name="s")

    @functools.partial(
        pl.kernel,
        out_type=[
            jax.ShapeDtypeStruct((4 * NPAD, HD), jnp.float32),
            jax.ShapeDtypeStruct((NROW2D, CH), jnp.float32),
            jax.ShapeDtypeStruct((NPAD,), jnp.float32),
        ],
        mesh=mesh,
        compiler_params=_SC_PARAMS,
        scratch_types=[
            pltpu.VMEM((NCH, CH), jnp.int32),
            pltpu.VMEM((NCH, CH), jnp.int32),
            pltpu.VMEM((NCH, CH), jnp.float32),
            pltpu.VMEM((CH, HD), jnp.bfloat16),
            pltpu.VMEM((CH, HD), jnp.float32),
            pltpu.VMEM((128, HD), jnp.float32),
            pltpu.VMEM((SHARD,), jnp.float32),
            pltpu.VMEM((NPAD,), jnp.float32),
            pltpu.VMEM_SHARED((NPAD, HD), jnp.float32),
            pltpu.VMEM_SHARED((NPAD,), jnp.float32),
            pltpu.SemaphoreType.DMA,
        ],
    )
    def k(src_h, dst_h, w_h, feat_h, out_h, norm_h, dis_h,
          srcb, dstb, wb, rows_bf, rows_f, zb, stg, dis_t,
          acc_sh, deg_sh, g0):
        cid = lax.axis_index("c")
        sid = lax.axis_index("s")

        pltpu.sync_copy(src_h.at[pl.ds(sid * NCH, NCH)], srcb)
        pltpu.sync_copy(dst_h.at[pl.ds(sid * NCH, NCH)], dstb)
        pltpu.sync_copy(w_h.at[pl.ds(sid * NCH, NCH)], wb)

        _zero_rows(zb, 128)

        def zstg(i, _):
            stg[pl.ds(i * 16, 16)] = jnp.zeros((16,), jnp.float32)
            return 0
        lax.fori_loop(0, SHARD // 16, zstg, 0)

        for kb in range(SHARD // 128):
            pltpu.sync_copy(zb, acc_sh.at[pl.ds(sid * SHARD + kb * 128, 128)])
        pltpu.sync_copy(stg, deg_sh.at[pl.ds(sid * SHARD, SHARD)])
        plsc.subcore_barrier()

        def degc(g, _):
            ds = [pltpu.async_copy(wb.at[g * 8 + q], deg_sh.at[dstb.at[g * 8 + q]],
                                   g0, add=True) for q in range(8)]
            for d in ds:
                d.wait()
            return 0
        lax.fori_loop(0, NCH // 8, degc, 0)
        plsc.subcore_barrier()

        pltpu.sync_copy(deg_sh.at[pl.ds(sid * SHARD, SHARD)], stg)

        def disc(i, _):
            v = stg[pl.ds(i * 16, 16)] + 1.0
            stg[pl.ds(i * 16, 16)] = _rsqrt_nr(v)
            return 0
        lax.fori_loop(0, SHARD // 16, disc, 0)
        pltpu.sync_copy(stg, deg_sh.at[pl.ds(sid * SHARD, SHARD)])
        plsc.subcore_barrier()
        pltpu.sync_copy(deg_sh, dis_t)

        @pl.when(jnp.logical_and(cid == 0, sid == 0))
        def _():
            pltpu.sync_copy(dis_t, dis_h)

        def normc(ch, _):
            for j in range(CH // 16):
                s16 = srcb[ch, pl.ds(j * 16, 16)]
                d16 = dstb[ch, pl.ds(j * 16, 16)]
                w16 = wb[ch, pl.ds(j * 16, 16)]
                nrm = plsc.load_gather(dis_t, [s16]) * w16 * plsc.load_gather(dis_t, [d16])
                wb[ch, pl.ds(j * 16, 16)] = nrm
            return 0
        lax.fori_loop(0, NCH, normc, 0)

        @pl.when(cid == 0)
        def _():
            pltpu.sync_copy(wb, norm_h.at[pl.ds(sid * NCH, NCH)])

        def offc(delta):
            def f(ch, _):
                for j in range(CH // 16):
                    srcb[ch, pl.ds(j * 16, 16)] = srcb[ch, pl.ds(j * 16, 16)] + delta
                return 0
            lax.fori_loop(0, NCH, f, 0)

        offc(cid * N)

        for phase in range(2):
            if phase == 1:
                offc(2 * N)
            _agg_loop(feat_h, srcb, dstb, wb, rows_bf, rows_f, g0, acc_sh)
            plsc.subcore_barrier()
            pltpu.sync_copy(
                acc_sh.at[pl.ds(sid * SHARD, SHARD)],
                out_h.at[pl.ds((2 * phase + cid) * NPAD + sid * SHARD, SHARD)])
            if phase == 0:
                for kb in range(SHARD // 128):
                    pltpu.sync_copy(zb, acc_sh.at[pl.ds(sid * SHARD + kb * 128, 128)])
                plsc.subcore_barrier()

    return k(src2d, dst2d, w2d, feat4)


def _sc_pass_b(src2d, dst2d, norm2d, rh2):
    mesh = plsc.VectorSubcoreMesh(core_axis_name="c", subcore_axis_name="s")

    @functools.partial(
        pl.kernel,
        out_type=[
            jax.ShapeDtypeStruct((2 * NPAD, HD), jnp.float32),
        ],
        mesh=mesh,
        compiler_params=_SC_PARAMS,
        scratch_types=[
            pltpu.VMEM((NCH, CH), jnp.int32),
            pltpu.VMEM((NCH, CH), jnp.int32),
            pltpu.VMEM((NCH, CH), jnp.float32),
            pltpu.VMEM((CH, HD), jnp.bfloat16),
            pltpu.VMEM((CH, HD), jnp.float32),
            pltpu.VMEM((128, HD), jnp.float32),
            pltpu.VMEM_SHARED((NPAD, HD), jnp.float32),
            pltpu.SemaphoreType.DMA,
        ],
    )
    def k(src_h, dst_h, norm_h, rh_h, out_h,
          srcb, dstb, normb, rows_bf, rows_f, zb, acc_sh, g0):
        cid = lax.axis_index("c")
        sid = lax.axis_index("s")

        pltpu.sync_copy(src_h.at[pl.ds(sid * NCH, NCH)], srcb)
        pltpu.sync_copy(dst_h.at[pl.ds(sid * NCH, NCH)], dstb)
        pltpu.sync_copy(norm_h.at[pl.ds(sid * NCH, NCH)], normb)

        _zero_rows(zb, 128)
        for kb in range(SHARD // 128):
            pltpu.sync_copy(zb, acc_sh.at[pl.ds(sid * SHARD + kb * 128, 128)])

        def offc(ch, _):
            for j in range(CH // 16):
                srcb[ch, pl.ds(j * 16, 16)] = srcb[ch, pl.ds(j * 16, 16)] + cid * N
            return 0
        lax.fori_loop(0, NCH, offc, 0)
        plsc.subcore_barrier()

        _agg_loop(rh_h, srcb, dstb, normb, rows_bf, rows_f, g0, acc_sh)
        plsc.subcore_barrier()
        pltpu.sync_copy(acc_sh.at[pl.ds(sid * SHARD, SHARD)],
                        out_h.at[pl.ds(cid * NPAD + sid * SHARD, SHARD)])

    return k(src2d, dst2d, norm2d, rh2)


def _tc_gates(saggx, saggh, x, h, dis2, w12, b12, w3a, b3):
    BR = 1000

    def body(sx, sh, xb, hb, db, w12r, b12r, w3ar, b3r, u_o, rh_o, cp_o):
        invd = db[...] * db[...]
        aggx = sx[...] + xb[...] * invd
        aggh = sh[...] + hb[...] * invd
        aggc = jnp.concatenate([aggx, aggh], axis=1)
        ru = jax.nn.sigmoid(
            jnp.dot(aggc, w12r[...], preferred_element_type=jnp.float32) + b12r[...])
        u_o[...] = ru[:, D:]
        rh_o[...] = ru[:, :D] * hb[...]
        cp_o[...] = jnp.dot(aggx, w3ar[...], preferred_element_type=jnp.float32) + b3r[...]

    bs_row = pl.BlockSpec((BR, D), lambda i: (i, 0))
    bs_col = pl.BlockSpec((BR, 1), lambda i: (i, 0))

    def full(shape):
        return pl.BlockSpec(shape, lambda i: (0, 0))

    return pl.pallas_call(
        body,
        grid=(N // BR,),
        in_specs=[bs_row, bs_row, bs_row, bs_row, bs_col,
                  full((2 * D, 2 * D)), full((1, 2 * D)), full((D, D)), full((1, D))],
        out_specs=[bs_row, bs_row, bs_row],
        out_shape=[jax.ShapeDtypeStruct((N, D), jnp.float32)] * 3,
    )(saggx, saggh, x, h, dis2, w12, b12, w3a, b3)


def _tc_final(srh, rh, dis2, cpart, u, h, w3b):
    BR = 1000

    def body(sb, rhb, db, cpb, ub, hb, w3br, o):
        invd = db[...] * db[...]
        aggrh = sb[...] + rhb[...] * invd
        c = jnp.tanh(cpb[...] + jnp.dot(aggrh, w3br[...],
                                        preferred_element_type=jnp.float32))
        o[...] = ub[...] * hb[...] + (1.0 - ub[...]) * c

    bs_row = pl.BlockSpec((BR, D), lambda i: (i, 0))
    bs_col = pl.BlockSpec((BR, 1), lambda i: (i, 0))

    return pl.pallas_call(
        body,
        grid=(N // BR,),
        in_specs=[bs_row, bs_row, bs_col, bs_row, bs_row, bs_row,
                  pl.BlockSpec((D, D), lambda i: (0, 0))],
        out_specs=bs_row,
        out_shape=jax.ShapeDtypeStruct((N, D), jnp.float32),
    )(srh, rh, dis2, cpart, u, h, w3b)


def _bf16_colperm():
    k = jnp.arange(HD)
    blk = (k // 32) * 32
    r = k % 32
    return blk + (r % 2) * 16 + r // 2


def kernel(x, edge_index, edge_weight, h, W1, b1, W2, b2, W3, b3):
    src = edge_index[0].astype(jnp.int32)
    dst = edge_index[1].astype(jnp.int32)
    w = edge_weight.astype(jnp.float32)
    pad = EPAD - src.shape[0]
    src2 = jnp.concatenate([src, jnp.zeros((pad,), jnp.int32)]).reshape(NROW2D, CH)
    dst2 = jnp.concatenate([dst, jnp.zeros((pad,), jnp.int32)]).reshape(NROW2D, CH)
    w2 = jnp.concatenate([w, jnp.zeros((pad,), jnp.float32)]).reshape(NROW2D, CH)
    cperm = _bf16_colperm()
    feat4 = jnp.concatenate([x[:, :HD], x[:, HD:], h[:, :HD], h[:, HD:]],
                            axis=0)[:, cperm].astype(jnp.bfloat16)

    out_a, norm2, dis = _sc_pass_a(src2, dst2, w2, feat4)
    saggx = jnp.concatenate([out_a[0:N], out_a[NPAD:NPAD + N]], axis=1)
    saggh = jnp.concatenate([out_a[2 * NPAD:2 * NPAD + N],
                             out_a[3 * NPAD:3 * NPAD + N]], axis=1)
    dis2 = dis[0:N].reshape(N, 1)

    w12 = jnp.concatenate([W1, W2], axis=1)
    b12 = jnp.concatenate([b1, b2]).reshape(1, 2 * D)
    u, rh, cpart = _tc_gates(saggx, saggh, x, h, dis2, w12, b12,
                             W3[:D], b3.reshape(1, D))

    rh2 = jnp.concatenate([rh[:, :HD], rh[:, HD:]],
                          axis=0)[:, cperm].astype(jnp.bfloat16)
    out_b, = _sc_pass_b(src2, dst2, norm2, rh2)
    srh = jnp.concatenate([out_b[0:N], out_b[NPAD:NPAD + N]], axis=1)
    return _tc_final(srh, rh, dis2, cpart, u, h, W3[D:])

# --- scband reference (transcript-rebuilt; emitter-appended) ---
"""Pipeline reference for scband-tgcncell-6966436954285 (READ-ONLY COPY).

The authoritative reference and input builder live on the scoring server;
editing this copy changes nothing except your own understanding.
"""

import jax, jax.numpy as jnp
import numpy as np

N = 10000
E = 320000
D_IN = 128
D_OUT = 128


def _glorot(key, shape):
    fan_in, fan_out = shape[0], shape[1]
    limit = np.sqrt(6.0 / (fan_in + fan_out))
    return jax.random.uniform(key, shape, dtype=jnp.float32, minval=-limit, maxval=limit)


def setup_inputs(seed: int = 0):
    key = jax.random.key(seed)
    ks = jax.random.split(key, 12)
    x = jax.random.normal(ks[0], (N, D_IN), dtype=jnp.float32)
    h = jax.random.normal(ks[1], (N, D_OUT), dtype=jnp.float32)
    edge_index = jax.random.randint(ks[2], (2, E), 0, N)
    edge_weight = jax.random.uniform(ks[3], (E,), dtype=jnp.float32)
    W1 = _glorot(ks[4], (D_IN + D_OUT, D_OUT))
    b1 = jnp.zeros((D_OUT,), dtype=jnp.float32)
    W2 = _glorot(ks[5], (D_IN + D_OUT, D_OUT))
    b2 = jnp.zeros((D_OUT,), dtype=jnp.float32)
    W3 = _glorot(ks[6], (D_IN + D_OUT, D_OUT))
    b3 = jnp.zeros((D_OUT,), dtype=jnp.float32)
    return {"x": x, "edge_index": edge_index, "edge_weight": edge_weight, "h": h,
            "W1": W1, "b1": b1, "W2": W2, "b2": b2, "W3": W3, "b3": b3}


def gcn_conv(feat, edge_index, edge_weight, W, b, num_nodes):
    # PyG GCNConv: add self-loops (weight 1), symmetric normalization, scatter-add to dst
    src = edge_index[0]
    dst = edge_index[1]
    loop = jnp.arange(num_nodes, dtype=src.dtype)
    src_f = jnp.concatenate([src, loop])
    dst_f = jnp.concatenate([dst, loop])
    w_f = jnp.concatenate([edge_weight, jnp.ones((num_nodes,), dtype=edge_weight.dtype)])
    deg = jnp.zeros((num_nodes,), dtype=edge_weight.dtype).at[dst_f].add(w_f)
    deg_inv_sqrt = jnp.where(deg > 0, deg ** -0.5, 0.0)
    norm = deg_inv_sqrt[src_f] * w_f * deg_inv_sqrt[dst_f]
    xw = feat @ W
    msg = xw[src_f] * norm[:, None]
    out = jnp.zeros((num_nodes, W.shape[1]), dtype=xw.dtype).at[dst_f].add(msg)
    return out + b


def reference(x, edge_index, edge_weight, h, W1, b1, W2, b2, W3, b3):
    num_nodes = x.shape[0]
    combined = jnp.concatenate([x, h], axis=1)
    r = jax.nn.sigmoid(gcn_conv(combined, edge_index, edge_weight, W1, b1, num_nodes))
    u = jax.nn.sigmoid(gcn_conv(combined, edge_index, edge_weight, W2, b2, num_nodes))
    combined_r = jnp.concatenate([x, r * h], axis=1)
    c = jnp.tanh(gcn_conv(combined_r, edge_index, edge_weight, W3, b3, num_nodes))
    h_new = u * h + (1.0 - u) * c
    return h_new

if __name__ == "__main__":
    import jax
    _d = setup_inputs()
    print(jax.jit(kernel)(*tuple(_d.values())))

</pallas_src>

<mosaic_0001>
#map = affine_map<(d0, d1) -> (0, 0)>
#map1 = affine_map<(d0, d1) -> (0)>
module attributes {stable_mosaic.version = 14 : i64} {
  func.func @k(%arg0: i32, %arg1: i32, %arg2: memref<4096x80xi32, #tpu.memory_space<hbm>>, %arg3: memref<4096x80xi32, #tpu.memory_space<hbm>>, %arg4: memref<4096x80xf32, #tpu.memory_space<hbm>>, %arg5: memref<40000x64xbf16, #tpu.memory_space<hbm>>, %arg6: memref<40960x64xf32, #tpu.memory_space<hbm>>, %arg7: memref<4096x80xf32, #tpu.memory_space<hbm>>, %arg8: memref<10240xf32, #tpu.memory_space<hbm>>, %arg9: memref<256x80xi32, #tpu.memory_space<vmem>>, %arg10: memref<256x80xi32, #tpu.memory_space<vmem>>, %arg11: memref<256x80xf32, #tpu.memory_space<vmem>>, %arg12: memref<80x64xbf16, #tpu.memory_space<vmem>>, %arg13: memref<80x64xf32, #tpu.memory_space<vmem>>, %arg14: memref<128x64xf32, #tpu.memory_space<vmem>>, %arg15: memref<640xf32, #tpu.memory_space<vmem>>, %arg16: memref<10240xf32, #tpu.memory_space<vmem>>, %arg17: memref<10240x64xf32, #tpu.memory_space<vmem_shared>>, %arg18: memref<10240xf32, #tpu.memory_space<vmem_shared>>, %arg19: memref<!tpu.dma_semaphore, #tpu.memory_space<semaphore_mem>>) attributes {dimension_semantics = [#tpu.dimension_semantics<core_parallel>, #tpu.dimension_semantics<subcore_parallel>], iteration_bounds = array<i64: 2, 16>, scalar_prefetch = 0 : i64, scratch_operands = 11 : i64, tpu.core_type = #tpu.core_type<sc_vector_subcore>, window_params = [{transform_indices = #map}, {transform_indices = #map}, {transform_indices = #map}, {transform_indices = #map}, {transform_indices = #map}, {transform_indices = #map}, {transform_indices = #map1}]} {
    %mul3A = arith.constant 256 : i32
    %mul3A_0 = arith.muli %arg1, %mul3A : i32
    "tpu.region"() ({
      %run_scoped3A = tpu.sem_alloc : memref<!tpu.dma_semaphore, #tpu.memory_space<semaphore_mem>>
      %dma_start3A = arith.constant 0 : i32
      %dma_start3A_146 = tpu.memref_slice %arg2[%mul3A_0, %dma_start3A] : memref<4096x80xi32, #tpu.memory_space<hbm>> -> memref<256x80xi32, #tpu.memory_space<hbm>>
      %dma_start3A_147 = arith.constant 0 : i32
      %dma_start3A_148 = tpu.memref_slice %arg2[%mul3A_0, %dma_start3A_147] : memref<4096x80xi32, #tpu.memory_space<hbm>> -> memref<256x80xi32, #tpu.memory_space<hbm>>
      tpu.enqueue_dma source(%dma_start3A_148 : memref<256x80xi32, #tpu.memory_space<hbm>>) target(%arg9 : memref<256x80xi32, #tpu.memory_space<vmem>>) target_semaphore(%run_scoped3A : memref<!tpu.dma_semaphore, #tpu.memory_space<semaphore_mem>>)
      %dma_wait3A = arith.constant 0 : i32
      %dma_wait3A_149 = tpu.memref_slice %arg2[%mul3A_0, %dma_wait3A] : memref<4096x80xi32, #tpu.memory_space<hbm>> -> memref<256x80xi32, #tpu.memory_space<hbm>>
      %dma_wait3A_150 = arith.constant 0 : i32
      %dma_wait3A_151 = tpu.memref_slice %arg2[%mul3A_0, %dma_wait3A_150] : memref<4096x80xi32, #tpu.memory_space<hbm>> -> memref<256x80xi32, #tpu.memory_space<hbm>>
      tpu.wait_dma2 semaphore(%run_scoped3A : memref<!tpu.dma_semaphore, #tpu.memory_space<semaphore_mem>>) src(%dma_wait3A_151 : memref<256x80xi32, #tpu.memory_space<hbm>>) dst(%arg9 : memref<256x80xi32, #tpu.memory_space<vmem>>)
      tpu.yield
    }) : () -> ()
    %mul3A_1 = arith.constant 256 : i32
    %mul3A_2 = arith.muli %arg1, %mul3A_1 : i32
    "tpu.region"() ({
      %run_scoped3A = tpu.sem_alloc : memref<!tpu.dma_semaphore, #tpu.memory_space<semaphore_mem>>
      %dma_start3A = arith.constant 0 : i32
      %dma_start3A_146 = tpu.memref_slice %arg3[%mul3A_2, %dma_start3A] : memref<4096x80xi32, #tpu.memory_space<hbm>> -> memref<256x80xi32, #tpu.memory_space<hbm>>
      %dma_start3A_147 = arith.constant 0 : i32
      %dma_start3A_148 = tpu.memref_slice %arg3[%mul3A_2, %dma_start3A_147] : memref<4096x80xi32, #tpu.memory_space<hbm>> -> memref<256x80xi32, #tpu.memory_space<hbm>>
      tpu.enqueue_dma source(%dma_start3A_148 : memref<256x80xi32, #tpu.memory_space<hbm>>) target(%arg10 : memref<256x80xi32, #tpu.memory_space<vmem>>) target_semaphore(%run_scoped3A : memref<!tpu.dma_semaphore, #tpu.memory_space<semaphore_mem>>)
      %dma_wait3A = arith.constant 0 : i32
      %dma_wait3A_149 = tpu.memref_slice %arg3[%mul3A_2, %dma_wait3A] : memref<4096x80xi32, #tpu.memory_space<hbm>> -> memref<256x80xi32, #tpu.memory_space<hbm>>
      %dma_wait3A_150 = arith.constant 0 : i32
      %dma_wait3A_151 = tpu.memref_slice %arg3[%mul3A_2, %dma_wait3A_150] : memref<4096x80xi32, #tpu.memory_space<hbm>> -> memref<256x80xi32, #tpu.memory_space<hbm>>
      tpu.wait_dma2 semaphore(%run_scoped3A : memref<!tpu.dma_semaphore, #tpu.memory_space<semaphore_mem>>) src(%dma_wait3A_151 : memref<256x80xi32, #tpu.memory_space<hbm>>) dst(%arg10 : memref<256x80xi32, #tpu.memory_space<vmem>>)
      tpu.yield
    }) : () -> ()
    %mul3A_3 = arith.constant 256 : i32
    %mul3A_4 = arith.muli %arg1, %mul3A_3 : i32
    "tpu.region"() ({
      %run_scoped3A = tpu.sem_alloc : memref<!tpu.dma_semaphore, #tpu.memory_space<semaphore_mem>>
      %dma_start3A = arith.constant 0 : i32
      %dma_start3A_146 = tpu.memref_slice %arg4[%mul3A_4, %dma_start3A] : memref<4096x80xf32, #tpu.memory_space<hbm>> -> memref<256x80xf32, #tpu.memory_space<hbm>>
      %dma_start3A_147 = arith.constant 0 : i32
      %dma_start3A_148 = tpu.memref_slice %arg4[%mul3A_4, %dma_start3A_147] : memref<4096x80xf32, #tpu.memory_space<hbm>> -> memref<256x80xf32, #tpu.memory_space<hbm>>
      tpu.enqueue_dma source(%dma_start3A_148 : memref<256x80xf32, #tpu.memory_space<hbm>>) target(%arg11 : memref<256x80xf32, #tpu.memory_space<vmem>>) target_semaphore(%run_scoped3A : memref<!tpu.dma_semaphore, #tpu.memory_space<semaphore_mem>>)
      %dma_wait3A = arith.constant 0 : i32
      %dma_wait3A_149 = tpu.memref_slice %arg4[%mul3A_4, %dma_wait3A] : memref<4096x80xf32, #tpu.memory_space<hbm>> -> memref<256x80xf32, #tpu.memory_space<hbm>>
      %dma_wait3A_150 = arith.constant 0 : i32
      %dma_wait3A_151 = tpu.memref_slice %arg4[%mul3A_4, %dma_wait3A_150] : memref<4096x80xf32, #tpu.memory_space<hbm>> -> memref<256x80xf32, #tpu.memory_space<hbm>>
      tpu.wait_dma2 semaphore(%run_scoped3A : memref<!tpu.dma_semaphore, #tpu.memory_space<semaphore_mem>>) src(%dma_wait3A_151 : memref<256x80xf32, #tpu.memory_space<hbm>>) dst(%arg11 : memref<256x80xf32, #tpu.memory_space<vmem>>)
      tpu.yield
    }) : () -> ()
    %scan3A = arith.constant 0 : i32
    %scan3A_5 = arith.constant 0 : i32
    %scan3A_6 = arith.constant 128 : i32
    %scan3A_7 = arith.addi %scan3A_5, %scan3A_6 : i32
    %scan3A_8 = arith.constant 1 : i32
    %scan3A_9 = scf.for %scan3A_146 = %scan3A_5 to %scan3A_7 step %scan3A_8 iter_args(%scan3A_147 = %scan3A) -> (i32)  : i32 {
      %broadcast_in_dim3A = arith.constant 0.000000e+00 : f32
      %broadcast_in_dim3A_148 = vector.broadcast %broadcast_in_dim3A : f32 to vector<16xf32>
      %swap3A = arith.index_cast %scan3A_146 : i32 to index
      %swap3A_149 = arith.constant 0 : index
      %swap3A_150 = tpu.vector_load %arg14[%swap3A, %swap3A_149] {strides = array<i32>} : memref<128x64xf32, #tpu.memory_space<vmem>>, vector<16xf32>,
      tpu.vector_store %arg14[%swap3A, %swap3A_149], %broadcast_in_dim3A_148 {strides = array<i32>} : memref<128x64xf32, #tpu.memory_space<vmem>>, vector<16xf32>,
      %broadcast_in_dim3A_151 = arith.constant 0.000000e+00 : f32
      %broadcast_in_dim3A_152 = vector.broadcast %broadcast_in_dim3A_151 : f32 to vector<16xf32>
      %swap3A_153 = arith.index_cast %scan3A_146 : i32 to index
      %swap3A_154 = arith.constant 16 : index
      %swap3A_155 = tpu.vector_load %arg14[%swap3A_153, %swap3A_154] {strides = array<i32>} : memref<128x64xf32, #tpu.memory_space<vmem>>, vector<16xf32>,
      tpu.vector_store %arg14[%swap3A_153, %swap3A_154], %broadcast_in_dim3A_152 {strides = array<i32>} : memref<128x64xf32, #tpu.memory_space<vmem>>, vector<16xf32>,
      %broadcast_in_dim3A_156 = arith.constant 0.000000e+00 : f32
      %broadcast_in_dim3A_157 = vector.broadcast %broadcast_in_dim3A_156 : f32 to vector<16xf32>
      %swap3A_158 = arith.index_cast %scan3A_146 : i32 to index
      %swap3A_159 = arith.constant 32 : index
      %swap3A_160 = tpu.vector_load %arg14[%swap3A_158, %swap3A_159] {strides = array<i32>} : memref<128x64xf32, #tpu.memory_space<vmem>>, vector<16xf32>,
      tpu.vector_store %arg14[%swap3A_158, %swap3A_159], %broadcast_in_dim3A_157 {strides = array<i32>} : memref<128x64xf32, #tpu.memory_space<vmem>>, vector<16xf32>,
      %broadcast_in_dim3A_161 = arith.constant 0.000000e+00 : f32
      %broadcast_in_dim3A_162 = vector.broadcast %broadcast_in_dim3A_161 : f32 to vector<16xf32>
      %swap3A_163 = arith.index_cast %scan3A_146 : i32 to index
      %swap3A_164 = arith.constant 48 : index
      %swap3A_165 = tpu.vector_load %arg14[%swap3A_163, %swap3A_164] {strides = array<i32>} : memref<128x64xf32, #tpu.memory_space<vmem>>, vector<16xf32>,
      tpu.vector_store %arg14[%swap3A_163, %swap3A_164], %broadcast_in_dim3A_162 {strides = array<i32>} : memref<128x64xf32, #tpu.memory_space<vmem>>, vector<16xf32>,
      %scan3A_166 = arith.constant 0 : i32
      scf.yield %scan3A_166 : i32
    }
    %scan3A_10 = arith.constant 128 : i32
    %scan3A_11 = arith.constant 0 : i32
    %scan3A_12 = arith.constant 0 : i32
    %scan3A_13 = arith.constant 40 : i32
    %scan3A_14 = arith.addi %scan3A_12, %scan3A_13 : i32
    %scan3A_15 = arith.constant 1 : i32
    %scan3A_16 = scf.for %scan3A_146 = %scan3A_12 to %scan3A_14 step %scan3A_15 iter_args(%scan3A_147 = %scan3A_11) -> (i32)  : i32 {
      %broadcast_in_dim3A = arith.constant 0.000000e+00 : f32
      %broadcast_in_dim3A_148 = vector.broadcast %broadcast_in_dim3A : f32 to vector<16xf32>
      %mul3A_149 = arith.constant 16 : i32
      %mul3A_150 = arith.muli %scan3A_146, %mul3A_149 : i32
      %swap3A = arith.index_cast %mul3A_150 : i32 to index
      %swap3A_151 = tpu.vector_load %arg15[%swap3A] {strides = array<i32>} : memref<640xf32, #tpu.memory_space<vmem>>, vector<16xf32>,
      tpu.vector_store %arg15[%swap3A], %broadcast_in_dim3A_148 {strides = array<i32>} : memref<640xf32, #tpu.memory_space<vmem>>, vector<16xf32>,
      %scan3A_152 = arith.constant 0 : i32
      scf.yield %scan3A_152 : i32
    }
    %scan3A_17 = arith.constant 40 : i32
    %mul3A_18 = arith.constant 640 : i32
    %mul3A_19 = arith.muli %arg1, %mul3A_18 : i32
    %add3A = arith.constant 0 : i32
    %add3A_20 = arith.addi %mul3A_19, %add3A : i32
    "tpu.region"() ({
      %run_scoped3A = tpu.sem_alloc : memref<!tpu.dma_semaphore, #tpu.memory_space<semaphore_mem>>
      %dma_start3A = arith.constant 0 : i32
      %dma_start3A_146 = tpu.memref_slice %arg17[%add3A_20, %dma_start3A] : memref<10240x64xf32, #tpu.memory_space<vmem_shared>> -> memref<128x64xf32, #tpu.memory_space<vmem_shared>>
      %dma_start3A_147 = arith.constant 0 : i32
      %dma_start3A_148 = tpu.memref_slice %arg17[%add3A_20, %dma_start3A_147] : memref<10240x64xf32, #tpu.memory_space<vmem_shared>> -> memref<128x64xf32, #tpu.memory_space<vmem_shared>>
      tpu.enqueue_dma source(%arg14 : memref<128x64xf32, #tpu.memory_space<vmem>>) target(%dma_start3A_148 : memref<128x64xf32, #tpu.memory_space<vmem_shared>>) target_semaphore(%run_scoped3A : memref<!tpu.dma_semaphore, #tpu.memory_space<semaphore_mem>>)
      %dma_wait3A = arith.constant 0 : i32
      %dma_wait3A_149 = tpu.memref_slice %arg17[%add3A_20, %dma_wait3A] : memref<10240x64xf32, #tpu.memory_space<vmem_shared>> -> memref<128x64xf32, #tpu.memory_space<vmem_shared>>
      %dma_wait3A_150 = arith.constant 0 : i32
      %dma_wait3A_151 = tpu.memref_slice %arg17[%add3A_20, %dma_wait3A_150] : memref<10240x64xf32, #tpu.memory_space<vmem_shared>> -> memref<128x64xf32, #tpu.memory_space<vmem_shared>>
      tpu.wait_dma2 semaphore(%run_scoped3A : memref<!tpu.dma_semaphore, #tpu.memory_space<semaphore_mem>>) src(%arg14 : memref<128x64xf32, #tpu.memory_space<vmem>>) dst(%dma_wait3A_151 : memref<128x64xf32, #tpu.memory_space<vmem_shared>>)
      tpu.yield
    }) : () -> ()
    %mul3A_21 = arith.constant 640 : i32
    %mul3A_22 = arith.muli %arg1, %mul3A_21 : i32
    %add3A_23 = arith.constant 128 : i32
    %add3A_24 = arith.addi %mul3A_22, %add3A_23 : i32
    "tpu.region"() ({
      %run_scoped3A = tpu.sem_alloc : memref<!tpu.dma_semaphore, #tpu.memory_space<semaphore_mem>>
      %dma_start3A = arith.constant 0 : i32
      %dma_start3A_146 = tpu.memref_slice %arg17[%add3A_24, %dma_start3A] : memref<10240x64xf32, #tpu.memory_space<vmem_shared>> -> memref<128x64xf32, #tpu.memory_space<vmem_shared>>
      %dma_start3A_147 = arith.constant 0 : i32
      %dma_start3A_148 = tpu.memref_slice %arg17[%add3A_24, %dma_start3A_147] : memref<10240x64xf32, #tpu.memory_space<vmem_shared>> -> memref<128x64xf32, #tpu.memory_space<vmem_shared>>
      tpu.enqueue_dma source(%arg14 : memref<128x64xf32, #tpu.memory_space<vmem>>) target(%dma_start3A_148 : memref<128x64xf32, #tpu.memory_space<vmem_shared>>) target_semaphore(%run_scoped3A : memref<!tpu.dma_semaphore, #tpu.memory_space<semaphore_mem>>)
      %dma_wait3A = arith.constant 0 : i32
      %dma_wait3A_149 = tpu.memref_slice %arg17[%add3A_24, %dma_wait3A] : memref<10240x64xf32, #tpu.memory_space<vmem_shared>> -> memref<128x64xf32, #tpu.memory_space<vmem_shared>>
      %dma_wait3A_150 = arith.constant 0 : i32
      %dma_wait3A_151 = tpu.memref_slice %arg17[%add3A_24, %dma_wait3A_150] : memref<10240x64xf32, #tpu.memory_space<vmem_shared>> -> memref<128x64xf32, #tpu.memory_space<vmem_shared>>
      tpu.wait_dma2 semaphore(%run_scoped3A : memref<!tpu.dma_semaphore, #tpu.memory_space<semaphore_mem>>) src(%arg14 : memref<128x64xf32, #tpu.memory_space<vmem>>) dst(%dma_wait3A_151 : memref<128x64xf32, #tpu.memory_space<vmem_shared>>)
      tpu.yield
    }) : () -> ()
    %mul3A_25 = arith.constant 640 : i32
    %mul3A_26 = arith.muli %arg1, %mul3A_25 : i32
    %add3A_27 = arith.constant 256 : i32
    %add3A_28 = arith.addi %mul3A_26, %add3A_27 : i32
    "tpu.region"() ({
      %run_scoped3A = tpu.sem_alloc : memref<!tpu.dma_semaphore, #tpu.memory_space<semaphore_mem>>
      %dma_start3A = arith.constant 0 : i32
      %dma_start3A_146 = tpu.memref_slice %arg17[%add3A_28, %dma_start3A] : memref<10240x64xf32, #tpu.memory_space<vmem_shared>> -> memref<128x64xf32, #tpu.memory_space<vmem_shared>>
      %dma_start3A_147 = arith.constant 0 : i32
      %dma_start3A_148 = tpu.memref_slice %arg17[%add3A_28, %dma_start3A_147] : memref<10240x64xf32, #tpu.memory_space<vmem_shared>> -> memref<128x64xf32, #tpu.memory_space<vmem_shared>>
      tpu.enqueue_dma source(%arg14 : memref<128x64xf32, #tpu.memory_space<vmem>>) target(%dma_start3A_148 : memref<128x64xf32, #tpu.memory_space<vmem_shared>>) target_semaphore(%run_scoped3A : memref<!tpu.dma_semaphore, #tpu.memory_space<semaphore_mem>>)
      %dma_wait3A = arith.constant 0 : i32
      %dma_wait3A_149 = tpu.memref_slice %arg17[%add3A_28, %dma_wait3A] : memref<10240x64xf32, #tpu.memory_space<vmem_shared>> -> memref<128x64xf32, #tpu.memory_space<vmem_shared>>
      %dma_wait3A_150 = arith.constant 0 : i32
      %dma_wait3A_151 = tpu.memref_slice %arg17[%add3A_28, %dma_wait3A_150] : memref<10240x64xf32, #tpu.memory_space<vmem_shared>> -> memref<128x64xf32, #tpu.memory_space<vmem_shared>>
      tpu.wait_dma2 semaphore(%run_scoped3A : memref<!tpu.dma_semaphore, #tpu.memory_space<semaphore_mem>>) src(%arg14 : memref<128x64xf32, #tpu.memory_space<vmem>>) dst(%dma_wait3A_151 : memref<128x64xf32, #tpu.memory_space<vmem_shared>>)
      tpu.yield
    }) : () -> ()
    %mul3A_29 = arith.constant 640 : i32
    %mul3A_30 = arith.muli %arg1, %mul3A_29 : i32
    %add3A_31 = arith.constant 384 : i32
    %add3A_32 = arith.addi %mul3A_30, %add3A_31 : i32
    "tpu.region"() ({
      %run_scoped3A = tpu.sem_alloc : memref<!tpu.dma_semaphore, #tpu.memory_space<semaphore_mem>>
      %dma_start3A = arith.constant 0 : i32
      %dma_start3A_146 = tpu.memref_slice %arg17[%add3A_32, %dma_start3A] : memref<10240x64xf32, #tpu.memory_space<vmem_shared>> -> memref<128x64xf32, #tpu.memory_space<vmem_shared>>
      %dma_start3A_147 = arith.constant 0 : i32
      %dma_start3A_148 = tpu.memref_slice %arg17[%add3A_32, %dma_start3A_147] : memref<10240x64xf32, #tpu.memory_space<vmem_shared>> -> memref<128x64xf32, #tpu.memory_space<vmem_shared>>
      tpu.enqueue_dma source(%arg14 : memref<128x64xf32, #tpu.memory_space<vmem>>) target(%dma_start3A_148 : memref<128x64xf32, #tpu.memory_space<vmem_shared>>) target_semaphore(%run_scoped3A : memref<!tpu.dma_semaphore, #tpu.memory_space<semaphore_mem>>)
      %dma_wait3A = arith.constant 0 : i32
      %dma_wait3A_149 = tpu.memref_slice %arg17[%add3A_32, %dma_wait3A] : memref<10240x64xf32, #tpu.memory_space<vmem_shared>> -> memref<128x64xf32, #tpu.memory_space<vmem_shared>>
      %dma_wait3A_150 = arith.constant 0 : i32
      %dma_wait3A_151 = tpu.memref_slice %arg17[%add3A_32, %dma_wait3A_150] : memref<10240x64xf32, #tpu.memory_space<vmem_shared>> -> memref<128x64xf32, #tpu.memory_space<vmem_shared>>
      tpu.wait_dma2 semaphore(%run_scoped3A : memref<!tpu.dma_semaphore, #tpu.memory_space<semaphore_mem>>) src(%arg14 : memref<128x64xf32, #tpu.memory_space<vmem>>) dst(%dma_wait3A_151 : memref<128x64xf32, #tpu.memory_space<vmem_shared>>)
      tpu.yield
    }) : () -> ()
    %mul3A_33 = arith.constant 640 : i32
    %mul3A_34 = arith.muli %arg1, %mul3A_33 : i32
    %add3A_35 = arith.constant 512 : i32
    %add3A_36 = arith.addi %mul3A_34, %add3A_35 : i32
    "tpu.region"() ({
      %run_scoped3A = tpu.sem_alloc : memref<!tpu.dma_semaphore, #tpu.memory_space<semaphore_mem>>
      %dma_start3A = arith.constant 0 : i32
      %dma_start3A_146 = tpu.memref_slice %arg17[%add3A_36, %dma_start3A] : memref<10240x64xf32, #tpu.memory_space<vmem_shared>> -> memref<128x64xf32, #tpu.memory_space<vmem_shared>>
      %dma_start3A_147 = arith.constant 0 : i32
      %dma_start3A_148 = tpu.memref_slice %arg17[%add3A_36, %dma_start3A_147] : memref<10240x64xf32, #tpu.memory_space<vmem_shared>> -> memref<128x64xf32, #tpu.memory_space<vmem_shared>>
      tpu.enqueue_dma source(%arg14 : memref<128x64xf32, #tpu.memory_space<vmem>>) target(%dma_start3A_148 : memref<128x64xf32, #tpu.memory_space<vmem_shared>>) target_semaphore(%run_scoped3A : memref<!tpu.dma_semaphore, #tpu.memory_space<semaphore_mem>>)
      %dma_wait3A = arith.constant 0 : i32
      %dma_wait3A_149 = tpu.memref_slice %arg17[%add3A_36, %dma_wait3A] : memref<10240x64xf32, #tpu.memory_space<vmem_shared>> -> memref<128x64xf32, #tpu.memory_space<vmem_shared>>
      %dma_wait3A_150 = arith.constant 0 : i32
      %dma_wait3A_151 = tpu.memref_slice %arg17[%add3A_36, %dma_wait3A_150] : memref<10240x64xf32, #tpu.memory_space<vmem_shared>> -> memref<128x64xf32, #tpu.memory_space<vmem_shared>>
      tpu.wait_dma2 semaphore(%run_scoped3A : memref<!tpu.dma_semaphore, #tpu.memory_space<semaphore_mem>>) src(%arg14 : memref<128x64xf32, #tpu.memory_space<vmem>>) dst(%dma_wait3A_151 : memref<128x64xf32, #tpu.memory_space<vmem_shared>>)
      tpu.yield
    }) : () -> ()
    %mul3A_37 = arith.constant 640 : i32
    %mul3A_38 = arith.muli %arg1, %mul3A_37 : i32
    "tpu.region"() ({
      %run_scoped3A = tpu.sem_alloc : memref<!tpu.dma_semaphore, #tpu.memory_space<semaphore_mem>>
      %dma_start3A = tpu.memref_slice %arg18[%mul3A_38] : memref<10240xf32, #tpu.memory_space<vmem_shared>> -> memref<640xf32, #tpu.memory_space<vmem_shared>>
      %dma_start3A_146 = tpu.memref_slice %arg18[%mul3A_38] : memref<10240xf32, #tpu.memory_space<vmem_shared>> -> memref<640xf32, #tpu.memory_space<vmem_shared>>
      tpu.enqueue_dma source(%arg15 : memref<640xf32, #tpu.memory_space<vmem>>) target(%dma_start3A_146 : memref<640xf32, #tpu.memory_space<vmem_shared>>) target_semaphore(%run_scoped3A : memref<!tpu.dma_semaphore, #tpu.memory_space<semaphore_mem>>)
      %dma_wait3A = tpu.memref_slice %arg18[%mul3A_38] : memref<10240xf32, #tpu.memory_space<vmem_shared>> -> memref<640xf32, #tpu.memory_space<vmem_shared>>
      %dma_wait3A_147 = tpu.memref_slice %arg18[%mul3A_38] : memref<10240xf32, #tpu.memory_space<vmem_shared>> -> memref<640xf32, #tpu.memory_space<vmem_shared>>
      tpu.wait_dma2 semaphore(%run_scoped3A : memref<!tpu.dma_semaphore, #tpu.memory_space<semaphore_mem>>) src(%arg15 : memref<640xf32, #tpu.memory_space<vmem>>) dst(%dma_wait3A_147 : memref<640xf32, #tpu.memory_space<vmem_shared>>)
      tpu.yield
    }) : () -> ()
    %barrier3A = arith.constant 0 : index
    tpu.barrier barrier_id(%barrier3A)
    %scan3A_39 = arith.constant 0 : i32
    %scan3A_40 = arith.constant 0 : i32
    %scan3A_41 = arith.constant 32 : i32
    %scan3A_42 = arith.addi %scan3A_40, %scan3A_41 : i32
    %scan3A_43 = arith.constant 1 : i32
    %scan3A_44 = scf.for %scan3A_146 = %scan3A_40 to %scan3A_42 step %scan3A_43 iter_args(%scan3A_147 = %scan3A_39) -> (i32)  : i32 {
      %mul3A_148 = arith.constant 8 : i32
      %mul3A_149 = arith.muli %scan3A_146, %mul3A_148 : i32
      %add3A_150 = arith.constant 0 : i32
      %add3A_151 = arith.addi %mul3A_149, %add3A_150 : i32
      %mul3A_152 = arith.constant 8 : i32
      %mul3A_153 = arith.muli %scan3A_146, %mul3A_152 : i32
      %add3A_154 = arith.constant 0 : i32
      %add3A_155 = arith.addi %mul3A_153, %add3A_154 : i32
      %dma_start3A = arith.constant 0 : i32
      %dma_start3A_156 = tpu.memref_slice %arg11[%add3A_151, %dma_start3A] : memref<256x80xf32, #tpu.memory_space<vmem>> -> memref<1x80xf32, #tpu.memory_space<vmem>>
      %dma_start3A_157 = tpu.memref_squeeze %dma_start3A_156 : memref<1x80xf32, #tpu.memory_space<vmem>> -> memref<80xf32, #tpu.memory_space<vmem>>
      %dma_start3A_158 = arith.constant 0 : i32
      %dma_start3A_159 = tpu.memref_slice %arg10[%add3A_155, %dma_start3A_158] : memref<256x80xi32, #tpu.memory_space<vmem>> -> memref<1x80xi32, #tpu.memory_space<vmem>>
      %dma_start3A_160 = tpu.memref_squeeze %dma_start3A_159 : memref<1x80xi32, #tpu.memory_space<vmem>> -> memref<80xi32, #tpu.memory_space<vmem>>
      %dma_start3A_161 = arith.constant 0 : i32
      %dma_start3A_162 = tpu.memref_slice %arg18[%dma_start3A_161] : memref<10240xf32, #tpu.memory_space<vmem_shared>> -> memref<10240xf32, #tpu.memory_space<vmem_shared>>
      tpu.enqueue_indirect_dma source(%dma_start3A_157 : memref<80xf32, #tpu.memory_space<vmem>>) target(%dma_start3A_162 : memref<10240xf32, #tpu.memory_space<vmem_shared>>) offsets(%dma_start3A_160 : memref<80xi32, #tpu.memory_space<vmem>>) semaphore(%arg19 : memref<!tpu.dma_semaphore, #tpu.memory_space<semaphore_mem>>) {add = true}
      %mul3A_163 = arith.constant 8 : i32
      %mul3A_164 = arith.muli %scan3A_146, %mul3A_163 : i32
      %add3A_165 = arith.constant 1 : i32
      %add3A_166 = arith.addi %mul3A_164, %add3A_165 : i32
      %mul3A_167 = arith.constant 8 : i32
      %mul3A_168 = arith.muli %scan3A_146, %mul3A_167 : i32
      %add3A_169 = arith.constant 1 : i32
      %add3A_170 = arith.addi %mul3A_168, %add3A_169 : i32
      %dma_start3A_171 = arith.constant 0 : i32
      %dma_start3A_172 = tpu.memref_slice %arg11[%add3A_166, %dma_start3A_171] : memref<256x80xf32, #tpu.memory_space<vmem>> -> memref<1x80xf32, #tpu.memory_space<vmem>>
      %dma_start3A_173 = tpu.memref_squeeze %dma_start3A_172 : memref<1x80xf32, #tpu.memory_space<vmem>> -> memref<80xf32, #tpu.memory_space<vmem>>
      %dma_start3A_174 = arith.constant 0 : i32
      %dma_start3A_175 = tpu.memref_slice %arg10[%add3A_170, %dma_start3A_174] : memref<256x80xi32, #tpu.memory_space<vmem>> -> memref<1x80xi32, #tpu.memory_space<vmem>>
      %dma_start3A_176 = tpu.memref_squeeze %dma_start3A_175 : memref<1x80xi32, #tpu.memory_space<vmem>> -> memref<80xi32, #tpu.memory_space<vmem>>
      %dma_start3A_177 = arith.constant 0 : i32
      %dma_start3A_178 = tpu.memref_slice %arg18[%dma_start3A_177] : memref<10240xf32, #tpu.memory_space<vmem_shared>> -> memref<10240xf32, #tpu.memory_space<vmem_shared>>
      tpu.enqueue_indirect_dma source(%dma_start3A_173 : memref<80xf32, #tpu.memory_space<vmem>>) target(%dma_start3A_178 : memref<10240xf32, #tpu.memory_space<vmem_shared>>) offsets(%dma_start3A_176 : memref<80xi32, #tpu.memory_space<vmem>>) semaphore(%arg19 : memref<!tpu.dma_semaphore, #tpu.memory_space<semaphore_mem>>) {add = true}
      %mul3A_179 = arith.constant 8 : i32
      %mul3A_180 = arith.muli %scan3A_146, %mul3A_179 : i32
      %add3A_181 = arith.constant 2 : i32
      %add3A_182 = arith.addi %mul3A_180, %add3A_181 : i32
      %mul3A_183 = arith.constant 8 : i32
      %mul3A_184 = arith.muli %scan3A_146, %mul3A_183 : i32
      %add3A_185 = arith.constant 2 : i32
      %add3A_186 = arith.addi %mul3A_184, %add3A_185 : i32
      %dma_start3A_187 = arith.constant 0 : i32
      %dma_start3A_188 = tpu.memref_slice %arg11[%add3A_182, %dma_start3A_187] : memref<256x80xf32, #tpu.memory_space<vmem>> -> memref<1x80xf32, #tpu.memory_space<vmem>>
      %dma_start3A_189 = tpu.memref_squeeze %dma_start3A_188 : memref<1x80xf32, #tpu.memory_space<vmem>> -> memref<80xf32, #tpu.memory_space<vmem>>
      %dma_start3A_190 = arith.constant 0 : i32
      %dma_start3A_191 = tpu.memref_slice %arg10[%add3A_186, %dma_start3A_190] : memref<256x80xi32, #tpu.memory_space<vmem>> -> memref<1x80xi32, #tpu.memory_space<vmem>>
      %dma_start3A_192 = tpu.memref_squeeze %dma_start3A_191 : memref<1x80xi32, #tpu.memory_space<vmem>> -> memref<80xi32, #tpu.memory_space<vmem>>
      %dma_start3A_193 = arith.constant 0 : i32
      %dma_start3A_194 = tpu.memref_slice %arg18[%dma_start3A_193] : memref<10240xf32, #tpu.memory_space<vmem_shared>> -> memref<10240xf32, #tpu.memory_space<vmem_shared>>
      tpu.enqueue_indirect_dma source(%dma_start3A_189 : memref<80xf32, #tpu.memory_space<vmem>>) target(%dma_start3A_194 : memref<10240xf32, #tpu.memory_space<vmem_shared>>) offsets(%dma_start3A_192 : memref<80xi32, #tpu.memory_space<vmem>>) semaphore(%arg19 : memref<!tpu.dma_semaphore, #tpu.memory_space<semaphore_mem>>) {add = true}
      %mul3A_195 = arith.constant 8 : i32
      %mul3A_196 = arith.muli %scan3A_146, %mul3A_195 : i32
      %add3A_197 = arith.constant 3 : i32
      %add3A_198 = arith.addi %mul3A_196, %add3A_197 : i32
      %mul3A_199 = arith.constant 8 : i32
      %mul3A_200 = arith.muli %scan3A_146, %mul3A_199 : i32
      %add3A_201 = arith.constant 3 : i32
      %add3A_202 = arith.addi %mul3A_200, %add3A_201 : i32
      %dma_start3A_203 = arith.constant 0 : i32
      %dma_start3A_204 = tpu.memref_slice %arg11[%add3A_198, %dma_start3A_203] : memref<256x80xf32, #tpu.memory_space<vmem>> -> memref<1x80xf32, #tpu.memory_space<vmem>>
      %dma_start3A_205 = tpu.memref_squeeze %dma_start3A_204 : memref<1x80xf32, #tpu.memory_space<vmem>> -> memref<80xf32, #tpu.memory_space<vmem>>
      %dma_start3A_206 = arith.constant 0 : i32
      %dma_start3A_207 = tpu.memref_slice %arg10[%add3A_202, %dma_start3A_206] : memref<256x80xi32, #tpu.memory_space<vmem>> -> memref<1x80xi32, #tpu.memory_space<vmem>>
      %dma_start3A_208 = tpu.memref_squeeze %dma_start3A_207 : memref<1x80xi32, #tpu.memory_space<vmem>> -> memref<80xi32, #tpu.memory_space<vmem>>
      %dma_start3A_209 = arith.constant 0 : i32
      %dma_start3A_210 = tpu.memref_slice %arg18[%dma_start3A_209] : memref<10240xf32, #tpu.memory_space<vmem_shared>> -> memref<10240xf32, #tpu.memory_space<vmem_shared>>
      tpu.enqueue_indirect_dma source(%dma_start3A_205 : memref<80xf32, #tpu.memory_space<vmem>>) target(%dma_start3A_210 : memref<10240xf32, #tpu.memory_space<vmem_shared>>) offsets(%dma_start3A_208 : memref<80xi32, #tpu.memory_space<vmem>>) semaphore(%arg19 : memref<!tpu.dma_semaphore, #tpu.memory_space<semaphore_mem>>) {add = true}
      %mul3A_211 = arith.constant 8 : i32
      %mul3A_212 = arith.muli %scan3A_146, %mul3A_211 : i32
      %add3A_213 = arith.constant 4 : i32
      %add3A_214 = arith.addi %mul3A_212, %add3A_213 : i32
      %mul3A_215 = arith.constant 8 : i32
      %mul3A_216 = arith.muli %scan3A_146, %mul3A_215 : i32
      %add3A_217 = arith.constant 4 : i32
      %add3A_218 = arith.addi %mul3A_216, %add3A_217 : i32
      %dma_start3A_219 = arith.constant 0 : i32
      %dma_start3A_220 = tpu.memref_slice %arg11[%add3A_214, %dma_start3A_219] : memref<256x80xf32, #tpu.memory_space<vmem>> -> memref<1x80xf32, #tpu.memory_space<vmem>>
      %dma_start3A_221 = tpu.memref_squeeze %dma_start3A_220 : memref<1x80xf32, #tpu.memory_space<vmem>> -> memref<80xf32, #tpu.memory_space<vmem>>
      %dma_start3A_222 = arith.constant 0 : i32
      %dma_start3A_223 = tpu.memref_slice %arg10[%add3A_218, %dma_start3A_222] : memref<256x80xi32, #tpu.memory_space<vmem>> -> memref<1x80xi32, #tpu.memory_space<vmem>>
      %dma_start3A_224 = tpu.memref_squeeze %dma_start3A_223 : memref<1x80xi32, #tpu.memory_space<vmem>> -> memref<80xi32, #tpu.memory_space<vmem>>
      %dma_start3A_225 = arith.constant 0 : i32
      %dma_start3A_226 = tpu.memref_slice %arg18[%dma_start3A_225] : memref<10240xf32, #tpu.memory_space<vmem_shared>> -> memref<10240xf32, #tpu.memory_space<vmem_shared>>
      tpu.enqueue_indirect_dma source(%dma_start3A_221 : memref<80xf32, #tpu.memory_space<vmem>>) target(%dma_start3A_226 : memref<10240xf32, #tpu.memory_space<vmem_shared>>) offsets(%dma_start3A_224 : memref<80xi32, #tpu.memory_space<vmem>>) semaphore(%arg19 : memref<!tpu.dma_semaphore, #tpu.memory_space<semaphore_mem>>) {add = true}
      %mul3A_227 = arith.constant 8 : i32
      %mul3A_228 = arith.muli %scan3A_146, %mul3A_227 : i32
      %add3A_229 = arith.constant 5 : i32
      %add3A_230 = arith.addi %mul3A_228, %add3A_229 : i32
      %mul3A_231 = arith.constant 8 : i32
      %mul3A_232 = arith.muli %scan3A_146, %mul3A_231 : i32
      %add3A_233 = arith.constant 5 : i32
      %add3A_234 = arith.addi %mul3A_232, %add3A_233 : i32
      %dma_start3A_235 = arith.constant 0 : i32
      %dma_start3A_236 = tpu.memref_slice %arg11[%add3A_230, %dma_start3A_235] : memref<256x80xf32, #tpu.memory_space<vmem>> -> memref<1x80xf32, #tpu.memory_space<vmem>>
      %dma_start3A_237 = tpu.memref_squeeze %dma_start3A_236 : memref<1x80xf32, #tpu.memory_space<vmem>> -> memref<80xf32, #tpu.memory_space<vmem>>
      %dma_start3A_238 = arith.constant 0 : i32
      %dma_start3A_239 = tpu.memref_slice %arg10[%add3A_234, %dma_start3A_238] : memref<256x80xi32, #tpu.memory_space<vmem>> -> memref<1x80xi32, #tpu.memory_space<vmem>>
      %dma_start3A_240 = tpu.memref_squeeze %dma_start3A_239 : memref<1x80xi32, #tpu.memory_space<vmem>> -> memref<80xi32, #tpu.memory_space<vmem>>
      %dma_start3A_241 = arith.constant 0 : i32
      %dma_start3A_242 = tpu.memref_slice %arg18[%dma_start3A_241] : memref<10240xf32, #tpu.memory_space<vmem_shared>> -> memref<10240xf32, #tpu.memory_space<vmem_shared>>
      tpu.enqueue_indirect_dma source(%dma_start3A_237 : memref<80xf32, #tpu.memory_space<vmem>>) target(%dma_start3A_242 : memref<10240xf32, #tpu.memory_space<vmem_shared>>) offsets(%dma_start3A_240 : memref<80xi32, #tpu.memory_space<vmem>>) semaphore(%arg19 : memref<!tpu.dma_semaphore, #tpu.memory_space<semaphore_mem>>) {add = true}
      %mul3A_243 = arith.constant 8 : i32
      %mul3A_244 = arith.muli %scan3A_146, %mul3A_243 : i32
      %add3A_245 = arith.constant 6 : i32
      %add3A_246 = arith.addi %mul3A_244, %add3A_245 : i32
      %mul3A_247 = arith.constant 8 : i32
      %mul3A_248 = arith.muli %scan3A_146, %mul3A_247 : i32
      %add3A_249 = arith.constant 6 : i32
      %add3A_250 = arith.addi %mul3A_248, %add3A_249 : i32
      %dma_start3A_251 = arith.constant 0 : i32
      %dma_start3A_252 = tpu.memref_slice %arg11[%add3A_246, %dma_start3A_251] : memref<256x80xf32, #tpu.memory_space<vmem>> -> memref<1x80xf32, #tpu.memory_space<vmem>>
      %dma_start3A_253 = tpu.memref_squeeze %dma_start3A_252 : memref<1x80xf32, #tpu.memory_space<vmem>> -> memref<80xf32, #tpu.memory_space<vmem>>
      %dma_start3A_254 = arith.constant 0 : i32
      %dma_start3A_255 = tpu.memref_slice %arg10[%add3A_250, %dma_start3A_254] : memref<256x80xi32, #tpu.memory_space<vmem>> -> memref<1x80xi32, #tpu.memory_space<vmem>>
      %dma_start3A_256 = tpu.memref_squeeze %dma_start3A_255 : memref<1x80xi32, #tpu.memory_space<vmem>> -> memref<80xi32, #tpu.memory_space<vmem>>
      %dma_start3A_257 = arith.constant 0 : i32
      %dma_start3A_258 = tpu.memref_slice %arg18[%dma_start3A_257] : memref<10240xf32, #tpu.memory_space<vmem_shared>> -> memref<10240xf32, #tpu.memory_space<vmem_shared>>
      tpu.enqueue_indirect_dma source(%dma_start3A_253 : memref<80xf32, #tpu.memory_space<vmem>>) target(%dma_start3A_258 : memref<10240xf32, #tpu.memory_space<vmem_shared>>) offsets(%dma_start3A_256 : memref<80xi32, #tpu.memory_space<vmem>>) semaphore(%arg19 : memref<!tpu.dma_semaphore, #tpu.memory_space<semaphore_mem>>) {add = true}
      %mul3A_259 = arith.constant 8 : i32
      %mul3A_260 = arith.muli %scan3A_146, %mul3A_259 : i32
      %add3A_261 = arith.constant 7 : i32
      %add3A_262 = arith.addi %mul3A_260, %add3A_261 : i32
      %mul3A_263 = arith.constant 8 : i32
      %mul3A_264 = arith.muli %scan3A_146, %mul3A_263 : i32
      %add3A_265 = arith.constant 7 : i32
      %add3A_266 = arith.addi %mul3A_264, %add3A_265 : i32
      %dma_start3A_267 = arith.constant 0 : i32
      %dma_start3A_268 = tpu.memref_slice %arg11[%add3A_262, %dma_start3A_267] : memref<256x80xf32, #tpu.memory_space<vmem>> -> memref<1x80xf32, #tpu.memory_space<vmem>>
      %dma_start3A_269 = tpu.memref_squeeze %dma_start3A_268 : memref<1x80xf32, #tpu.memory_space<vmem>> -> memref<80xf32, #tpu.memory_space<vmem>>
      %dma_start3A_270 = arith.constant 0 : i32
      %dma_start3A_271 = tpu.memref_slice %arg10[%add3A_266, %dma_start3A_270] : memref<256x80xi32, #tpu.memory_space<vmem>> -> memref<1x80xi32, #tpu.memory_space<vmem>>
      %dma_start3A_272 = tpu.memref_squeeze %dma_start3A_271 : memref<1x80xi32, #tpu.memory_space<vmem>> -> memref<80xi32, #tpu.memory_space<vmem>>
      %dma_start3A_273 = arith.constant 0 : i32
      %dma_start3A_274 = tpu.memref_slice %arg18[%dma_start3A_273] : memref<10240xf32, #tpu.memory_space<vmem_shared>> -> memref<10240xf32, #tpu.memory_space<vmem_shared>>
      tpu.enqueue_indirect_dma source(%dma_start3A_269 : memref<80xf32, #tpu.memory_space<vmem>>) target(%dma_start3A_274 : memref<10240xf32, #tpu.memory_space<vmem_shared>>) offsets(%dma_start3A_272 : memref<80xi32, #tpu.memory_space<vmem>>) semaphore(%arg19 : memref<!tpu.dma_semaphore, #tpu.memory_space<semaphore_mem>>) {add = true}
      %dma_wait3A = arith.constant 0 : i32
      %dma_wait3A_275 = tpu.memref_slice %arg11[%add3A_151, %dma_wait3A] : memref<256x80xf32, #tpu.memory_space<vmem>> -> memref<1x80xf32, #tpu.memory_space<vmem>>
      %dma_wait3A_276 = tpu.memref_squeeze %dma_wait3A_275 : memref<1x80xf32, #tpu.memory_space<vmem>> -> memref<80xf32, #tpu.memory_space<vmem>>
      %dma_wait3A_277 = arith.constant 0 : i32
      %dma_wait3A_278 = tpu.memref_slice %arg10[%add3A_155, %dma_wait3A_277] : memref<256x80xi32, #tpu.memory_space<vmem>> -> memref<1x80xi32, #tpu.memory_space<vmem>>
      %dma_wait3A_279 = tpu.memref_squeeze %dma_wait3A_278 : memref<1x80xi32, #tpu.memory_space<vmem>> -> memref<80xi32, #tpu.memory_space<vmem>>
      %dma_wait3A_280 = arith.constant 0 : i32
      %dma_wait3A_281 = tpu.memref_slice %arg18[%dma_wait3A_280] : memref<10240xf32, #tpu.memory_space<vmem_shared>> -> memref<10240xf32, #tpu.memory_space<vmem_shared>>
      tpu.wait_indirect_dma semaphore(%arg19 : memref<!tpu.dma_semaphore, #tpu.memory_space<semaphore_mem>>) src(%dma_wait3A_276 : memref<80xf32, #tpu.memory_space<vmem>>) dst(%dma_wait3A_281 : memref<10240xf32, #tpu.memory_space<vmem_shared>>)
      %dma_wait3A_282 = arith.constant 0 : i32
      %dma_wait3A_283 = tpu.memref_slice %arg11[%add3A_166, %dma_wait3A_282] : memref<256x80xf32, #tpu.memory_space<vmem>> -> memref<1x80xf32, #tpu.memory_space<vmem>>
      %dma_wait3A_284 = tpu.memref_squeeze %dma_wait3A_283 : memref<1x80xf32, #tpu.memory_space<vmem>> -> memref<80xf32, #tpu.memory_space<vmem>>
      %dma_wait3A_285 = arith.constant 0 : i32
      %dma_wait3A_286 = tpu.memref_slice %arg10[%add3A_170, %dma_wait3A_285] : memref<256x80xi32, #tpu.memory_space<vmem>> -> memref<1x80xi32, #tpu.memory_space<vmem>>
      %dma_wait3A_287 = tpu.memref_squeeze %dma_wait3A_286 : memref<1x80xi32, #tpu.memory_space<vmem>> -> memref<80xi32, #tpu.memory_space<vmem>>
      %dma_wait3A_288 = arith.constant 0 : i32
      %dma_wait3A_289 = tpu.memref_slice %arg18[%dma_wait3A_288] : memref<10240xf32, #tpu.memory_space<vmem_shared>> -> memref<10240xf32, #tpu.memory_space<vmem_shared>>
      tpu.wait_indirect_dma semaphore(%arg19 : memref<!tpu.dma_semaphore, #tpu.memory_space<semaphore_mem>>) src(%dma_wait3A_284 : memref<80xf32, #tpu.memory_space<vmem>>) dst(%dma_wait3A_289 : memref<10240xf32, #tpu.memory_space<vmem_shared>>)
      %dma_wait3A_290 = arith.constant 0 : i32
      %dma_wait3A_291 = tpu.memref_slice %arg11[%add3A_182, %dma_wait3A_290] : memref<256x80xf32, #tpu.memory_space<vmem>> -> memref<1x80xf32, #tpu.memory_space<vmem>>
      %dma_wait3A_292 = tpu.memref_squeeze %dma_wait3A_291 : memref<1x80xf32, #tpu.memory_space<vmem>> -> memref<80xf32, #tpu.memory_space<vmem>>
      %dma_wait3A_293 = arith.constant 0 : i32
      %dma_wait3A_294 = tpu.memref_slice %arg10[%add3A_186, %dma_wait3A_293] : memref<256x80xi32, #tpu.memory_space<vmem>> -> memref<1x80xi32, #tpu.memory_space<vmem>>
      %dma_wait3A_295 = tpu.memref_squeeze %dma_wait3A_294 : memref<1x80xi32, #tpu.memory_space<vmem>> -> memref<80xi32, #tpu.memory_space<vmem>>
      %dma_wait3A_296 = arith.constant 0 : i32
      %dma_wait3A_297 = tpu.memref_slice %arg18[%dma_wait3A_296] : memref<10240xf32, #tpu.memory_space<vmem_shared>> -> memref<10240xf32, #tpu.memory_space<vmem_shared>>
      tpu.wait_indirect_dma semaphore(%arg19 : memref<!tpu.dma_semaphore, #tpu.memory_space<semaphore_mem>>) src(%dma_wait3A_292 : memref<80xf32, #tpu.memory_space<vmem>>) dst(%dma_wait3A_297 : memref<10240xf32, #tpu.memory_space<vmem_shared>>)
      %dma_wait3A_298 = arith.constant 0 : i32
      %dma_wait3A_299 = tpu.memref_slice %arg11[%add3A_198, %dma_wait3A_298] : memref<256x80xf32, #tpu.memory_space<vmem>> -> memref<1x80xf32, #tpu.memory_space<vmem>>
      %dma_wait3A_300 = tpu.memref_squeeze %dma_wait3A_299 : memref<1x80xf32, #tpu.memory_space<vmem>> -> memref<80xf32, #tpu.memory_space<vmem>>
      %dma_wait3A_301 = arith.constant 0 : i32
      %dma_wait3A_302 = tpu.memref_slice %arg10[%add3A_202, %dma_wait3A_301] : memref<256x80xi32, #tpu.memory_space<vmem>> -> memref<1x80xi32, #tpu.memory_space<vmem>>
      %dma_wait3A_303 = tpu.memref_squeeze %dma_wait3A_302 : memref<1x80xi32, #tpu.memory_space<vmem>> -> memref<80xi32, #tpu.memory_space<vmem>>
      %dma_wait3A_304 = arith.constant 0 : i32
      %dma_wait3A_305 = tpu.memref_slice %arg18[%dma_wait3A_304] : memref<10240xf32, #tpu.memory_space<vmem_shared>> -> memref<10240xf32, #tpu.memory_space<vmem_shared>>
      tpu.wait_indirect_dma semaphore(%arg19 : memref<!tpu.dma_semaphore, #tpu.memory_space<semaphore_mem>>) src(%dma_wait3A_300 : memref<80xf32, #tpu.memory_space<vmem>>) dst(%dma_wait3A_305 : memref<10240xf32, #tpu.memory_space<vmem_shared>>)
      %dma_wait3A_306 = arith.constant 0 : i32
      %dma_wait3A_307 = tpu.memref_slice %arg11[%add3A_214, %dma_wait3A_306] : memref<256x80xf32, #tpu.memory_space<vmem>> -> memref<1x80xf32, #tpu.memory_space<vmem>>
      %dma_wait3A_308 = tpu.memref_squeeze %dma_wait3A_307 : memref<1x80xf32, #tpu.memory_space<vmem>> -> memref<80xf32, #tpu.memory_space<vmem>>
      %dma_wait3A_309 = arith.constant 0 : i32
      %dma_wait3A_310 = tpu.memref_slice %arg10[%add3A_218, %dma_wait3A_309] : memref<256x80xi32, #tpu.memory_space<vmem>> -> memref<1x80xi32, #tpu.memory_space<vmem>>
      %dma_wait3A_311 = tpu.memref_squeeze %dma_wait3A_310 : memref<1x80xi32, #tpu.memory_space<vmem>> -> memref<80xi32, #tpu.memory_space<vmem>>
      %dma_wait3A_312 = arith.constant 0 : i32
      %dma_wait3A_313 = tpu.memref_slice %arg18[%dma_wait3A_312] : memref<10240xf32, #tpu.memory_space<vmem_shared>> -> memref<10240xf32, #tpu.memory_space<vmem_shared>>
      tpu.wait_indirect_dma semaphore(%arg19 : memref<!tpu.dma_semaphore, #tpu.memory_space<semaphore_mem>>) src(%dma_wait3A_308 : memref<80xf32, #tpu.memory_space<vmem>>) dst(%dma_wait3A_313 : memref<10240xf32, #tpu.memory_space<vmem_shared>>)
      %dma_wait3A_314 = arith.constant 0 : i32
      %dma_wait3A_315 = tpu.memref_slice %arg11[%add3A_230, %dma_wait3A_314] : memref<256x80xf32, #tpu.memory_space<vmem>> -> memref<1x80xf32, #tpu.memory_space<vmem>>
      %dma_wait3A_316 = tpu.memref_squeeze %dma_wait3A_315 : memref<1x80xf32, #tpu.memory_space<vmem>> -> memref<80xf32, #tpu.memory_space<vmem>>
      %dma_wait3A_317 = arith.constant 0 : i32
      %dma_wait3A_318 = tpu.memref_slice %arg10[%add3A_234, %dma_wait3A_317] : memref<256x80xi32, #tpu.memory_space<vmem>> -> memref<1x80xi32, #tpu.memory_space<vmem>>
      %dma_wait3A_319 = tpu.memref_squeeze %dma_wait3A_318 : memref<1x80xi32, #tpu.memory_space<vmem>> -> memref<80xi32, #tpu.memory_space<vmem>>
      %dma_wait3A_320 = arith.constant 0 : i32
      %dma_wait3A_321 = tpu.memref_slice %arg18[%dma_wait3A_320] : memref<10240xf32, #tpu.memory_space<vmem_shared>> -> memref<10240xf32, #tpu.memory_space<vmem_shared>>
      tpu.wait_indirect_dma semaphore(%arg19 : memref<!tpu.dma_semaphore, #tpu.memory_space<semaphore_mem>>) src(%dma_wait3A_316 : memref<80xf32, #tpu.memory_space<vmem>>) dst(%dma_wait3A_321 : memref<10240xf32, #tpu.memory_space<vmem_shared>>)
      %dma_wait3A_322 = arith.constant 0 : i32
      %dma_wait3A_323 = tpu.memref_slice %arg11[%add3A_246, %dma_wait3A_322] : memref<256x80xf32, #tpu.memory_space<vmem>> -> memref<1x80xf32, #tpu.memory_space<vmem>>
      %dma_wait3A_324 = tpu.memref_squeeze %dma_wait3A_323 : memref<1x80xf32, #tpu.memory_space<vmem>> -> memref<80xf32, #tpu.memory_space<vmem>>
      %dma_wait3A_325 = arith.constant 0 : i32
      %dma_wait3A_326 = tpu.memref_slice %arg10[%add3A_250, %dma_wait3A_325] : memref<256x80xi32, #tpu.memory_space<vmem>> -> memref<1x80xi32, #tpu.memory_space<vmem>>
      %dma_wait3A_327 = tpu.memref_squeeze %dma_wait3A_326 : memref<1x80xi32, #tpu.memory_space<vmem>> -> memref<80xi32, #tpu.memory_space<vmem>>
      %dma_wait3A_328 = arith.constant 0 : i32
      %dma_wait3A_329 = tpu.memref_slice %arg18[%dma_wait3A_328] : memref<10240xf32, #tpu.memory_space<vmem_shared>> -> memref<10240xf32, #tpu.memory_space<vmem_shared>>
      tpu.wait_indirect_dma semaphore(%arg19 : memref<!tpu.dma_semaphore, #tpu.memory_space<semaphore_mem>>) src(%dma_wait3A_324 : memref<80xf32, #tpu.memory_space<vmem>>) dst(%dma_wait3A_329 : memref<10240xf32, #tpu.memory_space<vmem_shared>>)
      %dma_wait3A_330 = arith.constant 0 : i32
      %dma_wait3A_331 = tpu.memref_slice %arg11[%add3A_262, %dma_wait3A_330] : memref<256x80xf32, #tpu.memory_space<vmem>> -> memref<1x80xf32, #tpu.memory_space<vmem>>
      %dma_wait3A_332 = tpu.memref_squeeze %dma_wait3A_331 : memref<1x80xf32, #tpu.memory_space<vmem>> -> memref<80xf32, #tpu.memory_space<vmem>>
      %dma_wait3A_333 = arith.constant 0 : i32
      %dma_wait3A_334 = tpu.memref_slice %arg10[%add3A_266, %dma_wait3A_333] : memref<256x80xi32, #tpu.memory_space<vmem>> -> memref<1x80xi32, #tpu.memory_space<vmem>>
      %dma_wait3A_335 = tpu.memref_squeeze %dma_wait3A_334 : memref<1x80xi32, #tpu.memory_space<vmem>> -> memref<80xi32, #tpu.memory_space<vmem>>
      %dma_wait3A_336 = arith.constant 0 : i32
      %dma_wait3A_337 = tpu.memref_slice %arg18[%dma_wait3A_336] : memref<10240xf32, #tpu.memory_space<vmem_shared>> -> memref<10240xf32, #tpu.memory_space<vmem_shared>>
      tpu.wait_indirect_dma semaphore(%arg19 : memref<!tpu.dma_semaphore, #tpu.memory_space<semaphore_mem>>) src(%dma_wait3A_332 : memref<80xf32, #tpu.memory_space<vmem>>) dst(%dma_wait3A_337 : memref<10240xf32, #tpu.memory_space<vmem_shared>>)
      %scan3A_338 = arith.constant 0 : i32
      scf.yield %scan3A_338 : i32
    }
    %scan3A_45 = arith.constant 32 : i32
    %barrier3A_46 = arith.constant 0 : index
    tpu.barrier barrier_id(%barrier3A_46)
    %mul3A_47 = arith.constant 640 : i32
    %mul3A_48 = arith.muli %arg1, %mul3A_47 : i32
    "tpu.region"() ({
      %run_scoped3A = tpu.sem_alloc : memref<!tpu.dma_semaphore, #tpu.memory_space<semaphore_mem>>
      %dma_start3A = tpu.memref_slice %arg18[%mul3A_48] : memref<10240xf32, #tpu.memory_space<vmem_shared>> -> memref<640xf32, #tpu.memory_space<vmem_shared>>
      %dma_start3A_146 = tpu.memref_slice %arg18[%mul3A_48] : memref<10240xf32, #tpu.memory_space<vmem_shared>> -> memref<640xf32, #tpu.memory_space<vmem_shared>>
      tpu.enqueue_dma source(%dma_start3A_146 : memref<640xf32, #tpu.memory_space<vmem_shared>>) target(%arg15 : memref<640xf32, #tpu.memory_space<vmem>>) target_semaphore(%run_scoped3A : memref<!tpu.dma_semaphore, #tpu.memory_space<semaphore_mem>>)
      %dma_wait3A = tpu.memref_slice %arg18[%mul3A_48] : memref<10240xf32, #tpu.memory_space<vmem_shared>> -> memref<640xf32, #tpu.memory_space<vmem_shared>>
      %dma_wait3A_147 = tpu.memref_slice %arg18[%mul3A_48] : memref<10240xf32, #tpu.memory_space<vmem_shared>> -> memref<640xf32, #tpu.memory_space<vmem_shared>>
      tpu.wait_dma2 semaphore(%run_scoped3A : memref<!tpu.dma_semaphore, #tpu.memory_space<semaphore_mem>>) src(%dma_wait3A_147 : memref<640xf32, #tpu.memory_space<vmem_shared>>) dst(%arg15 : memref<640xf32, #tpu.memory_space<vmem>>)
      tpu.yield
    }) : () -> ()
    %scan3A_49 = arith.constant 0 : i32
    %scan3A_50 = arith.constant 0 : i32
    %scan3A_51 = arith.constant 40 : i32
    %scan3A_52 = arith.addi %scan3A_50, %scan3A_51 : i32
    %scan3A_53 = arith.constant 1 : i32
    %scan3A_54 = scf.for %scan3A_146 = %scan3A_50 to %scan3A_52 step %scan3A_53 iter_args(%scan3A_147 = %scan3A_49) -> (i32)  : i32 {
      %mul3A_148 = arith.constant 16 : i32
      %mul3A_149 = arith.muli %scan3A_146, %mul3A_148 : i32
      %get3A = arith.index_cast %mul3A_149 : i32 to index
      %get3A_150 = tpu.vector_load %arg15[%get3A] {strides = array<i32>} : memref<640xf32, #tpu.memory_space<vmem>>, vector<16xf32>,
      %add3A_151 = arith.constant 1.000000e+00 : f32
      %add3A_152 = vector.broadcast %add3A_151 : f32 to vector<16xf32>
      %add3A_153 = arith.addf %get3A_150, %add3A_152 : vector<16xf32>
      %add3A_154 = arith.constant 1.000000e+00 : f32
      %add3A_155 = vector.broadcast %add3A_154 : f32 to vector<16xf32>
      %add3A_156 = arith.addf %add3A_155, %add3A_153 : vector<16xf32>
      %mul3A_157 = arith.constant 5.000000e-01 : f32
      %mul3A_158 = vector.broadcast %mul3A_157 : f32 to vector<16xf32>
      %mul3A_159 = arith.mulf %mul3A_158, %add3A_156 : vector<16xf32>
      %div3A = arith.divf %add3A_153, %mul3A_159 : vector<16xf32>
      %add3A_160 = arith.addf %mul3A_159, %div3A : vector<16xf32>
      %mul3A_161 = arith.constant 5.000000e-01 : f32
      %mul3A_162 = vector.broadcast %mul3A_161 : f32 to vector<16xf32>
      %mul3A_163 = arith.mulf %mul3A_162, %add3A_160 : vector<16xf32>
      %div3A_164 = arith.divf %add3A_153, %mul3A_163 : vector<16xf32>
      %add3A_165 = arith.addf %mul3A_163, %div3A_164 : vector<16xf32>
      %mul3A_166 = arith.constant 5.000000e-01 : f32
      %mul3A_167 = vector.broadcast %mul3A_166 : f32 to vector<16xf32>
      %mul3A_168 = arith.mulf %mul3A_167, %add3A_165 : vector<16xf32>
      %div3A_169 = arith.divf %add3A_153, %mul3A_168 : vector<16xf32>
      %add3A_170 = arith.addf %mul3A_168, %div3A_169 : vector<16xf32>
      %mul3A_171 = arith.constant 5.000000e-01 : f32
      %mul3A_172 = vector.broadcast %mul3A_171 : f32 to vector<16xf32>
      %mul3A_173 = arith.mulf %mul3A_172, %add3A_170 : vector<16xf32>
      %div3A_174 = arith.divf %add3A_153, %mul3A_173 : vector<16xf32>
      %add3A_175 = arith.addf %mul3A_173, %div3A_174 : vector<16xf32>
      %mul3A_176 = arith.constant 5.000000e-01 : f32
      %mul3A_177 = vector.broadcast %mul3A_176 : f32 to vector<16xf32>
      %mul3A_178 = arith.mulf %mul3A_177, %add3A_175 : vector<16xf32>
      %div3A_179 = arith.divf %add3A_153, %mul3A_178 : vector<16xf32>
      %add3A_180 = arith.addf %mul3A_178, %div3A_179 : vector<16xf32>
      %mul3A_181 = arith.constant 5.000000e-01 : f32
      %mul3A_182 = vector.broadcast %mul3A_181 : f32 to vector<16xf32>
      %mul3A_183 = arith.mulf %mul3A_182, %add3A_180 : vector<16xf32>
      %div3A_184 = arith.divf %add3A_153, %mul3A_183 : vector<16xf32>
      %add3A_185 = arith.addf %mul3A_183, %div3A_184 : vector<16xf32>
      %mul3A_186 = arith.constant 5.000000e-01 : f32
      %mul3A_187 = vector.broadcast %mul3A_186 : f32 to vector<16xf32>
      %mul3A_188 = arith.mulf %mul3A_187, %add3A_185 : vector<16xf32>
      %div3A_189 = arith.divf %add3A_153, %mul3A_188 : vector<16xf32>
      %add3A_190 = arith.addf %mul3A_188, %div3A_189 : vector<16xf32>
      %mul3A_191 = arith.constant 5.000000e-01 : f32
      %mul3A_192 = vector.broadcast %mul3A_191 : f32 to vector<16xf32>
      %mul3A_193 = arith.mulf %mul3A_192, %add3A_190 : vector<16xf32>
      %div3A_194 = arith.divf %add3A_153, %mul3A_193 : vector<16xf32>
      %add3A_195 = arith.addf %mul3A_193, %div3A_194 : vector<16xf32>
      %mul3A_196 = arith.constant 5.000000e-01 : f32
      %mul3A_197 = vector.broadcast %mul3A_196 : f32 to vector<16xf32>
      %mul3A_198 = arith.mulf %mul3A_197, %add3A_195 : vector<16xf32>
      %div3A_199 = arith.divf %add3A_153, %mul3A_198 : vector<16xf32>
      %add3A_200 = arith.addf %mul3A_198, %div3A_199 : vector<16xf32>
      %mul3A_201 = arith.constant 5.000000e-01 : f32
      %mul3A_202 = vector.broadcast %mul3A_201 : f32 to vector<16xf32>
      %mul3A_203 = arith.mulf %mul3A_202, %add3A_200 : vector<16xf32>
      %div3A_204 = arith.divf %add3A_153, %mul3A_203 : vector<16xf32>
      %add3A_205 = arith.addf %mul3A_203, %div3A_204 : vector<16xf32>
      %mul3A_206 = arith.constant 5.000000e-01 : f32
      %mul3A_207 = vector.broadcast %mul3A_206 : f32 to vector<16xf32>
      %mul3A_208 = arith.mulf %mul3A_207, %add3A_205 : vector<16xf32>
      %div3A_209 = arith.divf %add3A_153, %mul3A_208 : vector<16xf32>
      %add3A_210 = arith.addf %mul3A_208, %div3A_209 : vector<16xf32>
      %mul3A_211 = arith.constant 5.000000e-01 : f32
      %mul3A_212 = vector.broadcast %mul3A_211 : f32 to vector<16xf32>
      %mul3A_213 = arith.mulf %mul3A_212, %add3A_210 : vector<16xf32>
      %div3A_214 = arith.divf %add3A_153, %mul3A_213 : vector<16xf32>
      %add3A_215 = arith.addf %mul3A_213, %div3A_214 : vector<16xf32>
      %mul3A_216 = arith.constant 5.000000e-01 : f32
      %mul3A_217 = vector.broadcast %mul3A_216 : f32 to vector<16xf32>
      %mul3A_218 = arith.mulf %mul3A_217, %add3A_215 : vector<16xf32>
      %div3A_219 = arith.divf %add3A_153, %mul3A_218 : vector<16xf32>
      %add3A_220 = arith.addf %mul3A_218, %div3A_219 : vector<16xf32>
      %mul3A_221 = arith.constant 5.000000e-01 : f32
      %mul3A_222 = vector.broadcast %mul3A_221 : f32 to vector<16xf32>
      %mul3A_223 = arith.mulf %mul3A_222, %add3A_220 : vector<16xf32>
      %div3A_224 = arith.divf %add3A_153, %mul3A_223 : vector<16xf32>
      %add3A_225 = arith.addf %mul3A_223, %div3A_224 : vector<16xf32>
      %mul3A_226 = arith.constant 5.000000e-01 : f32
      %mul3A_227 = vector.broadcast %mul3A_226 : f32 to vector<16xf32>
      %mul3A_228 = arith.mulf %mul3A_227, %add3A_225 : vector<16xf32>
      %div3A_229 = arith.divf %add3A_153, %mul3A_228 : vector<16xf32>
      %add3A_230 = arith.addf %mul3A_228, %div3A_229 : vector<16xf32>
      %mul3A_231 = arith.constant 5.000000e-01 : f32
      %mul3A_232 = vector.broadcast %mul3A_231 : f32 to vector<16xf32>
      %mul3A_233 = arith.mulf %mul3A_232, %add3A_230 : vector<16xf32>
      %div3A_234 = arith.divf %add3A_153, %mul3A_233 : vector<16xf32>
      %add3A_235 = arith.addf %mul3A_233, %div3A_234 : vector<16xf32>
      %mul3A_236 = arith.constant 5.000000e-01 : f32
      %mul3A_237 = vector.broadcast %mul3A_236 : f32 to vector<16xf32>
      %mul3A_238 = arith.mulf %mul3A_237, %add3A_235 : vector<16xf32>
      %div3A_239 = arith.divf %add3A_153, %mul3A_238 : vector<16xf32>
      %add3A_240 = arith.addf %mul3A_238, %div3A_239 : vector<16xf32>
      %mul3A_241 = arith.constant 5.000000e-01 : f32
      %mul3A_242 = vector.broadcast %mul3A_241 : f32 to vector<16xf32>
      %mul3A_243 = arith.mulf %mul3A_242, %add3A_240 : vector<16xf32>
      %div3A_244 = arith.divf %add3A_153, %mul3A_243 : vector<16xf32>
      %add3A_245 = arith.addf %mul3A_243, %div3A_244 : vector<16xf32>
      %mul3A_246 = arith.constant 5.000000e-01 : f32
      %mul3A_247 = vector.broadcast %mul3A_246 : f32 to vector<16xf32>
      %mul3A_248 = arith.mulf %mul3A_247, %add3A_245 : vector<16xf32>
      %div3A_249 = arith.divf %add3A_153, %mul3A_248 : vector<16xf32>
      %add3A_250 = arith.addf %mul3A_248, %div3A_249 : vector<16xf32>
      %mul3A_251 = arith.constant 5.000000e-01 : f32
      %mul3A_252 = vector.broadcast %mul3A_251 : f32 to vector<16xf32>
      %mul3A_253 = arith.mulf %mul3A_252, %add3A_250 : vector<16xf32>
      %div3A_254 = arith.divf %add3A_153, %mul3A_253 : vector<16xf32>
      %add3A_255 = arith.addf %mul3A_253, %div3A_254 : vector<16xf32>
      %mul3A_256 = arith.constant 5.000000e-01 : f32
      %mul3A_257 = vector.broadcast %mul3A_256 : f32 to vector<16xf32>
      %mul3A_258 = arith.mulf %mul3A_257, %add3A_255 : vector<16xf32>
      %div3A_259 = arith.divf %add3A_153, %mul3A_258 : vector<16xf32>
      %add3A_260 = arith.addf %mul3A_258, %div3A_259 : vector<16xf32>
      %mul3A_261 = arith.constant 5.000000e-01 : f32
      %mul3A_262 = vector.broadcast %mul3A_261 : f32 to vector<16xf32>
      %mul3A_263 = arith.mulf %mul3A_262, %add3A_260 : vector<16xf32>
      %div3A_264 = arith.divf %add3A_153, %mul3A_263 : vector<16xf32>
      %add3A_265 = arith.addf %mul3A_263, %div3A_264 : vector<16xf32>
      %mul3A_266 = arith.constant 5.000000e-01 : f32
      %mul3A_267 = vector.broadcast %mul3A_266 : f32 to vector<16xf32>
      %mul3A_268 = arith.mulf %mul3A_267, %add3A_265 : vector<16xf32>
      %div3A_269 = arith.divf %add3A_153, %mul3A_268 : vector<16xf32>
      %add3A_270 = arith.addf %mul3A_268, %div3A_269 : vector<16xf32>
      %mul3A_271 = arith.constant 5.000000e-01 : f32
      %mul3A_272 = vector.broadcast %mul3A_271 : f32 to vector<16xf32>
      %mul3A_273 = arith.mulf %mul3A_272, %add3A_270 : vector<16xf32>
      %div3A_274 = arith.divf %add3A_153, %mul3A_273 : vector<16xf32>
      %add3A_275 = arith.addf %mul3A_273, %div3A_274 : vector<16xf32>
      %mul3A_276 = arith.constant 5.000000e-01 : f32
      %mul3A_277 = vector.broadcast %mul3A_276 : f32 to vector<16xf32>
      %mul3A_278 = arith.mulf %mul3A_277, %add3A_275 : vector<16xf32>
      %div3A_279 = arith.constant 1.000000e+00 : f32
      %div3A_280 = vector.broadcast %div3A_279 : f32 to vector<16xf32>
      %div3A_281 = arith.divf %div3A_280, %mul3A_278 : vector<16xf32>
      %mul3A_282 = arith.constant 16 : i32
      %mul3A_283 = arith.muli %scan3A_146, %mul3A_282 : i32
      %swap3A = arith.index_cast %mul3A_283 : i32 to index
      %swap3A_284 = tpu.vector_load %arg15[%swap3A] {strides = array<i32>} : memref<640xf32, #tpu.memory_space<vmem>>, vector<16xf32>,
      tpu.vector_store %arg15[%swap3A], %div3A_281 {strides = array<i32>} : memref<640xf32, #tpu.memory_space<vmem>>, vector<16xf32>,
      %scan3A_285 = arith.constant 0 : i32
      scf.yield %scan3A_285 : i32
    }
    %scan3A_55 = arith.constant 40 : i32
    %mul3A_56 = arith.constant 640 : i32
    %mul3A_57 = arith.muli %arg1, %mul3A_56 : i32
    "tpu.region"() ({
      %run_scoped3A = tpu.sem_alloc : memref<!tpu.dma_semaphore, #tpu.memory_space<semaphore_mem>>
      %dma_start3A = tpu.memref_slice %arg18[%mul3A_57] : memref<10240xf32, #tpu.memory_space<vmem_shared>> -> memref<640xf32, #tpu.memory_space<vmem_shared>>
      %dma_start3A_146 = tpu.memref_slice %arg18[%mul3A_57] : memref<10240xf32, #tpu.memory_space<vmem_shared>> -> memref<640xf32, #tpu.memory_space<vmem_shared>>
      tpu.enqueue_dma source(%arg15 : memref<640xf32, #tpu.memory_space<vmem>>) target(%dma_start3A_146 : memref<640xf32, #tpu.memory_space<vmem_shared>>) target_semaphore(%run_scoped3A : memref<!tpu.dma_semaphore, #tpu.memory_space<semaphore_mem>>)
      %dma_wait3A = tpu.memref_slice %arg18[%mul3A_57] : memref<10240xf32, #tpu.memory_space<vmem_shared>> -> memref<640xf32, #tpu.memory_space<vmem_shared>>
      %dma_wait3A_147 = tpu.memref_slice %arg18[%mul3A_57] : memref<10240xf32, #tpu.memory_space<vmem_shared>> -> memref<640xf32, #tpu.memory_space<vmem_shared>>
      tpu.wait_dma2 semaphore(%run_scoped3A : memref<!tpu.dma_semaphore, #tpu.memory_space<semaphore_mem>>) src(%arg15 : memref<640xf32, #tpu.memory_space<vmem>>) dst(%dma_wait3A_147 : memref<640xf32, #tpu.memory_space<vmem_shared>>)
      tpu.yield
    }) : () -> ()
    %barrier3A_58 = arith.constant 0 : index
    tpu.barrier barrier_id(%barrier3A_58)
    "tpu.region"() ({
      %run_scoped3A = tpu.sem_alloc : memref<!tpu.dma_semaphore, #tpu.memory_space<semaphore_mem>>
      tpu.enqueue_dma source(%arg18 : memref<10240xf32, #tpu.memory_space<vmem_shared>>) target(%arg16 : memref<10240xf32, #tpu.memory_space<vmem>>) target_semaphore(%run_scoped3A : memref<!tpu.dma_semaphore, #tpu.memory_space<semaphore_mem>>)
      tpu.wait_dma2 semaphore(%run_scoped3A : memref<!tpu.dma_semaphore, #tpu.memory_space<semaphore_mem>>) src(%arg18 : memref<10240xf32, #tpu.memory_space<vmem_shared>>) dst(%arg16 : memref<10240xf32, #tpu.memory_space<vmem>>)
      tpu.yield
    }) : () -> ()
    %eq3A = arith.constant 0 : i32
    %eq3A_59 = arith.cmpi eq, %arg0, %eq3A : i32
    %eq3A_60 = arith.constant 0 : i32
    %eq3A_61 = arith.cmpi eq, %arg1, %eq3A_60 : i32
    %and3A = arith.andi %eq3A_59, %eq3A_61 : i1
    %convert_element_type3A = arith.extui %and3A : i1 to i32
    %cond3A = arith.constant 0 : i32
    %cond3A_62 = arith.cmpi ne, %convert_element_type3A, %cond3A : i32
    scf.if %cond3A_62 {
      "tpu.region"() ({
        %run_scoped3A = tpu.sem_alloc : memref<!tpu.dma_semaphore, #tpu.memory_space<semaphore_mem>>
        tpu.enqueue_dma source(%arg16 : memref<10240xf32, #tpu.memory_space<vmem>>) target(%arg8 : memref<10240xf32, #tpu.memory_space<hbm>>) target_semaphore(%run_scoped3A : memref<!tpu.dma_semaphore, #tpu.memory_space<semaphore_mem>>)
        tpu.wait_dma2 semaphore(%run_scoped3A : memref<!tpu.dma_semaphore, #tpu.memory_space<semaphore_mem>>) src(%arg16 : memref<10240xf32, #tpu.memory_space<vmem>>) dst(%arg8 : memref<10240xf32, #tpu.memory_space<hbm>>)
        tpu.yield
      }) : () -> ()
    } else {
    }
    %scan3A_63 = arith.constant 0 : i32
    %scan3A_64 = arith.constant 0 : i32
    %scan3A_65 = arith.constant 256 : i32
    %scan3A_66 = arith.addi %scan3A_64, %scan3A_65 : i32
    %scan3A_67 = arith.constant 1 : i32
    %scan3A_68 = scf.for %scan3A_146 = %scan3A_64 to %scan3A_66 step %scan3A_67 iter_args(%scan3A_147 = %scan3A_63) -> (i32)  : i32 {
      %get3A = arith.index_cast %scan3A_146 : i32 to index
      %get3A_148 = arith.constant 0 : index
      %get3A_149 = tpu.vector_load %arg9[%get3A, %get3A_148] {strides = array<i32>} : memref<256x80xi32, #tpu.memory_space<vmem>>, vector<16xi32>,
      %get3A_150 = arith.index_cast %scan3A_146 : i32 to index
      %get3A_151 = arith.constant 0 : index
      %get3A_152 = tpu.vector_load %arg10[%get3A_150, %get3A_151] {strides = array<i32>} : memref<256x80xi32, #tpu.memory_space<vmem>>, vector<16xi32>,
      %get3A_153 = arith.index_cast %scan3A_146 : i32 to index
      %get3A_154 = arith.constant 0 : index
      %get3A_155 = tpu.vector_load %arg11[%get3A_153, %get3A_154] {strides = array<i32>} : memref<256x80xf32, #tpu.memory_space<vmem>>, vector<16xf32>,
      %gather3A = tpu.vector_load_idx %arg16[%get3A_149] : memref<10240xf32, #tpu.memory_space<vmem>>[vector<16xi32>], vector<16xf32>,
      %mul3A_156 = arith.mulf %gather3A, %get3A_155 : vector<16xf32>
      %gather3A_157 = tpu.vector_load_idx %arg16[%get3A_152] : memref<10240xf32, #tpu.memory_space<vmem>>[vector<16xi32>], vector<16xf32>,
      %mul3A_158 = arith.mulf %mul3A_156, %gather3A_157 : vector<16xf32>
      %swap3A = arith.index_cast %scan3A_146 : i32 to index
      %swap3A_159 = arith.constant 0 : index
      %swap3A_160 = tpu.vector_load %arg11[%swap3A, %swap3A_159] {strides = array<i32>} : memref<256x80xf32, #tpu.memory_space<vmem>>, vector<16xf32>,
      tpu.vector_store %arg11[%swap3A, %swap3A_159], %mul3A_158 {strides = array<i32>} : memref<256x80xf32, #tpu.memory_space<vmem>>, vector<16xf32>,
      %get3A_161 = arith.index_cast %scan3A_146 : i32 to index
      %get3A_162 = arith.constant 16 : index
      %get3A_163 = tpu.vector_load %arg9[%get3A_161, %get3A_162] {strides = array<i32>} : memref<256x80xi32, #tpu.memory_space<vmem>>, vector<16xi32>,
      %get3A_164 = arith.index_cast %scan3A_146 : i32 to index
      %get3A_165 = arith.constant 16 : index
      %get3A_166 = tpu.vector_load %arg10[%get3A_164, %get3A_165] {strides = array<i32>} : memref<256x80xi32, #tpu.memory_space<vmem>>, vector<16xi32>,
      %get3A_167 = arith.index_cast %scan3A_146 : i32 to index
      %get3A_168 = arith.constant 16 : index
      %get3A_169 = tpu.vector_load %arg11[%get3A_167, %get3A_168] {strides = array<i32>} : memref<256x80xf32, #tpu.memory_space<vmem>>, vector<16xf32>,
      %gather3A_170 = tpu.vector_load_idx %arg16[%get3A_163] : memref<10240xf32, #tpu.memory_space<vmem>>[vector<16xi32>], vector<16xf32>,
      %mul3A_171 = arith.mulf %gather3A_170, %get3A_169 : vector<16xf32>
      %gather3A_172 = tpu.vector_load_idx %arg16[%get3A_166] : memref<10240xf32, #tpu.memory_space<vmem>>[vector<16xi32>], vector<16xf32>,
      %mul3A_173 = arith.mulf %mul3A_171, %gather3A_172 : vector<16xf32>
      %swap3A_174 = arith.index_cast %scan3A_146 : i32 to index
      %swap3A_175 = arith.constant 16 : index
      %swap3A_176 = tpu.vector_load %arg11[%swap3A_174, %swap3A_175] {strides = array<i32>} : memref<256x80xf32, #tpu.memory_space<vmem>>, vector<16xf32>,
      tpu.vector_store %arg11[%swap3A_174, %swap3A_175], %mul3A_173 {strides = array<i32>} : memref<256x80xf32, #tpu.memory_space<vmem>>, vector<16xf32>,
      %get3A_177 = arith.index_cast %scan3A_146 : i32 to index
      %get3A_178 = arith.constant 32 : index
      %get3A_179 = tpu.vector_load %arg9[%get3A_177, %get3A_178] {strides = array<i32>} : memref<256x80xi32, #tpu.memory_space<vmem>>, vector<16xi32>,
      %get3A_180 = arith.index_cast %scan3A_146 : i32 to index
      %get3A_181 = arith.constant 32 : index
      %get3A_182 = tpu.vector_load %arg10[%get3A_180, %get3A_181] {strides = array<i32>} : memref<256x80xi32, #tpu.memory_space<vmem>>, vector<16xi32>,
      %get3A_183 = arith.index_cast %scan3A_146 : i32 to index
      %get3A_184 = arith.constant 32 : index
      %get3A_185 = tpu.vector_load %arg11[%get3A_183, %get3A_184] {strides = array<i32>} : memref<256x80xf32, #tpu.memory_space<vmem>>, vector<16xf32>,
      %gather3A_186 = tpu.vector_load_idx %arg16[%get3A_179] : memref<10240xf32, #tpu.memory_space<vmem>>[vector<16xi32>], vector<16xf32>,
      %mul3A_187 = arith.mulf %gather3A_186, %get3A_185 : vector<16xf32>
      %gather3A_188 = tpu.vector_load_idx %arg16[%get3A_182] : memref<10240xf32, #tpu.memory_space<vmem>>[vector<16xi32>], vector<16xf32>,
      %mul3A_189 = arith.mulf %mul3A_187, %gather3A_188 : vector<16xf32>
      %swap3A_190 = arith.index_cast %scan3A_146 : i32 to index
      %swap3A_191 = arith.constant 32 : index
      %swap3A_192 = tpu.vector_load %arg11[%swap3A_190, %swap3A_191] {strides = array<i32>} : memref<256x80xf32, #tpu.memory_space<vmem>>, vector<16xf32>,
      tpu.vector_store %arg11[%swap3A_190, %swap3A_191], %mul3A_189 {strides = array<i32>} : memref<256x80xf32, #tpu.memory_space<vmem>>, vector<16xf32>,
      %get3A_193 = arith.index_cast %scan3A_146 : i32 to index
      %get3A_194 = arith.constant 48 : index
      %get3A_195 = tpu.vector_load %arg9[%get3A_193, %get3A_194] {strides = array<i32>} : memref<256x80xi32, #tpu.memory_space<vmem>>, vector<16xi32>,
      %get3A_196 = arith.index_cast %scan3A_146 : i32 to index
      %get3A_197 = arith.constant 48 : index
      %get3A_198 = tpu.vector_load %arg10[%get3A_196, %get3A_197] {strides = array<i32>} : memref<256x80xi32, #tpu.memory_space<vmem>>, vector<16xi32>,
      %get3A_199 = arith.index_cast %scan3A_146 : i32 to index
      %get3A_200 = arith.constant 48 : index
      %get3A_201 = tpu.vector_load %arg11[%get3A_199, %get3A_200] {strides = array<i32>} : memref<256x80xf32, #tpu.memory_space<vmem>>, vector<16xf32>,
      %gather3A_202 = tpu.vector_load_idx %arg16[%get3A_195] : memref<10240xf32, #tpu.memory_space<vmem>>[vector<16xi32>], vector<16xf32>,
      %mul3A_203 = arith.mulf %gather3A_202, %get3A_201 : vector<16xf32>
      %gather3A_204 = tpu.vector_load_idx %arg16[%get3A_198] : memref<10240xf32, #tpu.memory_space<vmem>>[vector<16xi32>], vector<16xf32>,
      %mul3A_205 = arith.mulf %mul3A_203, %gather3A_204 : vector<16xf32>
      %swap3A_206 = arith.index_cast %scan3A_146 : i32 to index
      %swap3A_207 = arith.constant 48 : index
      %swap3A_208 = tpu.vector_load %arg11[%swap3A_206, %swap3A_207] {strides = array<i32>} : memref<256x80xf32, #tpu.memory_space<vmem>>, vector<16xf32>,
      tpu.vector_store %arg11[%swap3A_206, %swap3A_207], %mul3A_205 {strides = array<i32>} : memref<256x80xf32, #tpu.memory_space<vmem>>, vector<16xf32>,
      %get3A_209 = arith.index_cast %scan3A_146 : i32 to index
      %get3A_210 = arith.constant 64 : index
      %get3A_211 = tpu.vector_load %arg9[%get3A_209, %get3A_210] {strides = array<i32>} : memref<256x80xi32, #tpu.memory_space<vmem>>, vector<16xi32>,
      %get3A_212 = arith.index_cast %scan3A_146 : i32 to index
      %get3A_213 = arith.constant 64 : index
      %get3A_214 = tpu.vector_load %arg10[%get3A_212, %get3A_213] {strides = array<i32>} : memref<256x80xi32, #tpu.memory_space<vmem>>, vector<16xi32>,
      %get3A_215 = arith.index_cast %scan3A_146 : i32 to index
      %get3A_216 = arith.constant 64 : index
      %get3A_217 = tpu.vector_load %arg11[%get3A_215, %get3A_216] {strides = array<i32>} : memref<256x80xf32, #tpu.memory_space<vmem>>, vector<16xf32>,
      %gather3A_218 = tpu.vector_load_idx %arg16[%get3A_211] : memref<10240xf32, #tpu.memory_space<vmem>>[vector<16xi32>], vector<16xf32>,
      %mul3A_219 = arith.mulf %gather3A_218, %get3A_217 : vector<16xf32>
      %gather3A_220 = tpu.vector_load_idx %arg16[%get3A_214] : memref<10240xf32, #tpu.memory_space<vmem>>[vector<16xi32>], vector<16xf32>,
      %mul3A_221 = arith.mulf %mul3A_219, %gather3A_220 : vector<16xf32>
      %swap3A_222 = arith.index_cast %scan3A_146 : i32 to index
      %swap3A_223 = arith.constant 64 : index
      %swap3A_224 = tpu.vector_load %arg11[%swap3A_222, %swap3A_223] {strides = array<i32>} : memref<256x80xf32, #tpu.memory_space<vmem>>, vector<16xf32>,
      tpu.vector_store %arg11[%swap3A_222, %swap3A_223], %mul3A_221 {strides = array<i32>} : memref<256x80xf32, #tpu.memory_space<vmem>>, vector<16xf32>,
      %scan3A_225 = arith.constant 0 : i32
      scf.yield %scan3A_225 : i32
    }
    %scan3A_69 = arith.constant 256 : i32
    %eq3A_70 = arith.constant 0 : i32
    %eq3A_71 = arith.cmpi eq, %arg0, %eq3A_70 : i32
    %convert_element_type3A_72 = arith.extui %eq3A_71 : i1 to i32
    %cond3A_73 = arith.constant 0 : i32
    %cond3A_74 = arith.cmpi ne, %convert_element_type3A_72, %cond3A_73 : i32
    scf.if %cond3A_74 {
      %mul3A_146 = arith.constant 256 : i32
      %mul3A_147 = arith.muli %arg1, %mul3A_146 : i32
      "tpu.region"() ({
        %run_scoped3A = tpu.sem_alloc : memref<!tpu.dma_semaphore, #tpu.memory_space<semaphore_mem>>
        %dma_start3A = arith.constant 0 : i32
        %dma_start3A_148 = tpu.memref_slice %arg7[%mul3A_147, %dma_start3A] : memref<4096x80xf32, #tpu.memory_space<hbm>> -> memref<256x80xf32, #tpu.memory_space<hbm>>
        %dma_start3A_149 = arith.constant 0 : i32
        %dma_start3A_150 = tpu.memref_slice %arg7[%mul3A_147, %dma_start3A_149] : memref<4096x80xf32, #tpu.memory_space<hbm>> -> memref<256x80xf32, #tpu.memory_space<hbm>>
        tpu.enqueue_dma source(%arg11 : memref<256x80xf32, #tpu.memory_space<vmem>>) target(%dma_start3A_150 : memref<256x80xf32, #tpu.memory_space<hbm>>) target_semaphore(%run_scoped3A : memref<!tpu.dma_semaphore, #tpu.memory_space<semaphore_mem>>)
        %dma_wait3A = arith.constant 0 : i32
        %dma_wait3A_151 = tpu.memref_slice %arg7[%mul3A_147, %dma_wait3A] : memref<4096x80xf32, #tpu.memory_space<hbm>> -> memref<256x80xf32, #tpu.memory_space<hbm>>
        %dma_wait3A_152 = arith.constant 0 : i32
        %dma_wait3A_153 = tpu.memref_slice %arg7[%mul3A_147, %dma_wait3A_152] : memref<4096x80xf32, #tpu.memory_space<hbm>> -> memref<256x80xf32, #tpu.memory_space<hbm>>
        tpu.wait_dma2 semaphore(%run_scoped3A : memref<!tpu.dma_semaphore, #tpu.memory_space<semaphore_mem>>) src(%arg11 : memref<256x80xf32, #tpu.memory_space<vmem>>) dst(%dma_wait3A_153 : memref<256x80xf32, #tpu.memory_space<hbm>>)
        tpu.yield
      }) : () -> ()
    } else {
    }
    %mul3A_75 = arith.constant 10000 : i32
    %mul3A_76 = arith.muli %arg0, %mul3A_75 : i32
    %scan3A_77 = arith.constant 0 : i32
    %scan3A_78 = arith.constant 0 : i32
    %scan3A_79 = arith.constant 256 : i32
    %scan3A_80 = arith.addi %scan3A_78, %scan3A_79 : i32
    %scan3A_81 = arith.constant 1 : i32
    %scan3A_82 = scf.for %scan3A_146 = %scan3A_78 to %scan3A_80 step %scan3A_81 iter_args(%scan3A_147 = %scan3A_77) -> (i32)  : i32 {
      %get3A = arith.index_cast %scan3A_146 : i32 to index
      %get3A_148 = arith.constant 0 : index
      %get3A_149 = tpu.vector_load %arg9[%get3A, %get3A_148] {strides = array<i32>} : memref<256x80xi32, #tpu.memory_space<vmem>>, vector<16xi32>,
      %add3A_150 = vector.broadcast %mul3A_76 : i32 to vector<16xi32>
      %add3A_151 = arith.addi %get3A_149, %add3A_150 : vector<16xi32>
      %swap3A = arith.index_cast %scan3A_146 : i32 to index
      %swap3A_152 = arith.constant 0 : index
      %swap3A_153 = tpu.vector_load %arg9[%swap3A, %swap3A_152] {strides = array<i32>} : memref<256x80xi32, #tpu.memory_space<vmem>>, vector<16xi32>,
      tpu.vector_store %arg9[%swap3A, %swap3A_152], %add3A_151 {strides = array<i32>} : memref<256x80xi32, #tpu.memory_space<vmem>>, vector<16xi32>,
      %get3A_154 = arith.index_cast %scan3A_146 : i32 to index
      %get3A_155 = arith.constant 16 : index
      %get3A_156 = tpu.vector_load %arg9[%get3A_154, %get3A_155] {strides = array<i32>} : memref<256x80xi32, #tpu.memory_space<vmem>>, vector<16xi32>,
      %add3A_157 = vector.broadcast %mul3A_76 : i32 to vector<16xi32>
      %add3A_158 = arith.addi %get3A_156, %add3A_157 : vector<16xi32>
      %swap3A_159 = arith.index_cast %scan3A_146 : i32 to index
      %swap3A_160 = arith.constant 16 : index
      %swap3A_161 = tpu.vector_load %arg9[%swap3A_159, %swap3A_160] {strides = array<i32>} : memref<256x80xi32, #tpu.memory_space<vmem>>, vector<16xi32>,
      tpu.vector_store %arg9[%swap3A_159, %swap3A_160], %add3A_158 {strides = array<i32>} : memref<256x80xi32, #tpu.memory_space<vmem>>, vector<16xi32>,
      %get3A_162 = arith.index_cast %scan3A_146 : i32 to index
      %get3A_163 = arith.constant 32 : index
      %get3A_164 = tpu.vector_load %arg9[%get3A_162, %get3A_163] {strides = array<i32>} : memref<256x80xi32, #tpu.memory_space<vmem>>, vector<16xi32>,
      %add3A_165 = vector.broadcast %mul3A_76 : i32 to vector<16xi32>
      %add3A_166 = arith.addi %get3A_164, %add3A_165 : vector<16xi32>
      %swap3A_167 = arith.index_cast %scan3A_146 : i32 to index
      %swap3A_168 = arith.constant 32 : index
      %swap3A_169 = tpu.vector_load %arg9[%swap3A_167, %swap3A_168] {strides = array<i32>} : memref<256x80xi32, #tpu.memory_space<vmem>>, vector<16xi32>,
      tpu.vector_store %arg9[%swap3A_167, %swap3A_168], %add3A_166 {strides = array<i32>} : memref<256x80xi32, #tpu.memory_space<vmem>>, vector<16xi32>,
      %get3A_170 = arith.index_cast %scan3A_146 : i32 to index
      %get3A_171 = arith.constant 48 : index
      %get3A_172 = tpu.vector_load %arg9[%get3A_170, %get3A_171] {strides = array<i32>} : memref<256x80xi32, #tpu.memory_space<vmem>>, vector<16xi32>,
      %add3A_173 = vector.broadcast %mul3A_76 : i32 to vector<16xi32>
      %add3A_174 = arith.addi %get3A_172, %add3A_173 : vector<16xi32>
      %swap3A_175 = arith.index_cast %scan3A_146 : i32 to index
      %swap3A_176 = arith.constant 48 : index
      %swap3A_177 = tpu.vector_load %arg9[%swap3A_175, %swap3A_176] {strides = array<i32>} : memref<256x80xi32, #tpu.memory_space<vmem>>, vector<16xi32>,
      tpu.vector_store %arg9[%swap3A_175, %swap3A_176], %add3A_174 {strides = array<i32>} : memref<256x80xi32, #tpu.memory_space<vmem>>, vector<16xi32>,
      %get3A_178 = arith.index_cast %scan3A_146 : i32 to index
      %get3A_179 = arith.constant 64 : index
      %get3A_180 = tpu.vector_load %arg9[%get3A_178, %get3A_179] {strides = array<i32>} : memref<256x80xi32, #tpu.memory_space<vmem>>, vector<16xi32>,
      %add3A_181 = vector.broadcast %mul3A_76 : i32 to vector<16xi32>
      %add3A_182 = arith.addi %get3A_180, %add3A_181 : vector<16xi32>
      %swap3A_183 = arith.index_cast %scan3A_146 : i32 to index
      %swap3A_184 = arith.constant 64 : index
      %swap3A_185 = tpu.vector_load %arg9[%swap3A_183, %swap3A_184] {strides = array<i32>} : memref<256x80xi32, #tpu.memory_space<vmem>>, vector<16xi32>,
      tpu.vector_store %arg9[%swap3A_183, %swap3A_184], %add3A_182 {strides = array<i32>} : memref<256x80xi32, #tpu.memory_space<vmem>>, vector<16xi32>,
      %scan3A_186 = arith.constant 0 : i32
      scf.yield %scan3A_186 : i32
    }
    %scan3A_83 = arith.constant 256 : i32
    %scan3A_84 = arith.constant 0 : i32
    %scan3A_85 = arith.constant 0 : i32
    %scan3A_86 = arith.constant 256 : i32
    %scan3A_87 = arith.addi %scan3A_85, %scan3A_86 : i32
    %scan3A_88 = arith.constant 1 : i32
    %scan3A_89 = scf.for %scan3A_146 = %scan3A_85 to %scan3A_87 step %scan3A_88 iter_args(%scan3A_147 = %scan3A_84) -> (i32)  : i32 {
      %dma_start3A = arith.constant 0 : i32
      %dma_start3A_148 = tpu.memref_slice %arg9[%scan3A_146, %dma_start3A] : memref<256x80xi32, #tpu.memory_space<vmem>> -> memref<1x80xi32, #tpu.memory_space<vmem>>
      %dma_start3A_149 = tpu.memref_squeeze %dma_start3A_148 : memref<1x80xi32, #tpu.memory_space<vmem>> -> memref<80xi32, #tpu.memory_space<vmem>>
      %dma_start3A_150 = arith.constant 0 : i32
      %dma_start3A_151 = arith.constant 0 : i32
      %dma_start3A_152 = tpu.memref_slice %arg5[%dma_start3A_150, %dma_start3A_151] : memref<40000x64xbf16, #tpu.memory_space<hbm>> -> memref<40000x64xbf16, #tpu.memory_space<hbm>>
      tpu.enqueue_indirect_dma source(%dma_start3A_152 : memref<40000x64xbf16, #tpu.memory_space<hbm>>) target(%arg12 : memref<80x64xbf16, #tpu.memory_space<vmem>>) offsets(%dma_start3A_149 : memref<80xi32, #tpu.memory_space<vmem>>) semaphore(%arg19 : memref<!tpu.dma_semaphore, #tpu.memory_space<semaphore_mem>>)
      %dma_wait3A = arith.constant 0 : i32
      %dma_wait3A_153 = tpu.memref_slice %arg9[%scan3A_146, %dma_wait3A] : memref<256x80xi32, #tpu.memory_space<vmem>> -> memref<1x80xi32, #tpu.memory_space<vmem>>
      %dma_wait3A_154 = tpu.memref_squeeze %dma_wait3A_153 : memref<1x80xi32, #tpu.memory_space<vmem>> -> memref<80xi32, #tpu.memory_space<vmem>>
      %dma_wait3A_155 = arith.constant 0 : i32
      %dma_wait3A_156 = arith.constant 0 : i32
      %dma_wait3A_157 = tpu.memref_slice %arg5[%dma_wait3A_155, %dma_wait3A_156] : memref<40000x64xbf16, #tpu.memory_space<hbm>> -> memref<40000x64xbf16, #tpu.memory_space<hbm>>
      tpu.wait_indirect_dma semaphore(%arg19 : memref<!tpu.dma_semaphore, #tpu.memory_space<semaphore_mem>>) src(%dma_wait3A_157 : memref<40000x64xbf16, #tpu.memory_space<hbm>>) dst(%arg12 : memref<80x64xbf16, #tpu.memory_space<vmem>>)
      %scan3A_158 = arith.constant 0 : i32
      %scan3A_159 = arith.constant 0 : i32
      %scan3A_160 = arith.constant 20 : i32
      %scan3A_161 = arith.addi %scan3A_159, %scan3A_160 : i32
      %scan3A_162 = arith.constant 1 : i32
      %scan3A_163 = scf.for %scan3A_166 = %scan3A_159 to %scan3A_161 step %scan3A_162 iter_args(%scan3A_167 = %scan3A_158) -> (i32)  : i32 {
        %mul3A_168 = arith.constant 4 : i32
        %mul3A_169 = arith.muli %scan3A_166, %mul3A_168 : i32
        %add3A_170 = arith.constant 0 : i32
        %add3A_171 = arith.addi %mul3A_169, %add3A_170 : i32
        %broadcast_in_dim3A = vector.broadcast %add3A_171 : i32 to vector<16xi32>
        %gather3A = arith.constant 0 : i32
        %gather3A_172 = tpu.memref_slice %arg11[%scan3A_146, %gather3A] : memref<256x80xf32, #tpu.memory_space<vmem>> -> memref<1x80xf32, #tpu.memory_space<vmem>>
        %gather3A_173 = tpu.memref_squeeze %gather3A_172 : memref<1x80xf32, #tpu.memory_space<vmem>> -> memref<80xf32, #tpu.memory_space<vmem>>
        %gather3A_174 = tpu.vector_load_idx %gather3A_173[%broadcast_in_dim3A] : memref<80xf32, #tpu.memory_space<vmem>>[vector<16xi32>], vector<16xf32>,
        %get3A = arith.index_cast %add3A_171 : i32 to index
        %get3A_175 = arith.constant 0 : index
        %get3A_176 = tpu.vector_load %arg12[%get3A, %get3A_175] {strides = array<i32>} : memref<80x64xbf16, #tpu.memory_space<vmem>>, vector<32xbf16>,
        %unpack3A = tpu.unpack_subelements %get3A_176, 0 {pack_format = #tpu.pack_format<interleaved>} : vector<32xbf16> -> vector<16xf32>
        %unpack3A_177 = tpu.unpack_subelements %get3A_176, 1 {pack_format = #tpu.pack_format<interleaved>} : vector<32xbf16> -> vector<16xf32>
        %mul3A_178 = arith.mulf %unpack3A, %gather3A_174 : vector<16xf32>
        %swap3A = arith.index_cast %add3A_171 : i32 to index
        %swap3A_179 = arith.constant 0 : index
        %swap3A_180 = tpu.vector_load %arg13[%swap3A, %swap3A_179] {strides = array<i32>} : memref<80x64xf32, #tpu.memory_space<vmem>>, vector<16xf32>,
        tpu.vector_store %arg13[%swap3A, %swap3A_179], %mul3A_178 {strides = array<i32>} : memref<80x64xf32, #tpu.memory_space<vmem>>, vector<16xf32>,
        %mul3A_181 = arith.mulf %unpack3A_177, %gather3A_174 : vector<16xf32>
        %swap3A_182 = arith.index_cast %add3A_171 : i32 to index
        %swap3A_183 = arith.constant 16 : index
        %swap3A_184 = tpu.vector_load %arg13[%swap3A_182, %swap3A_183] {strides = array<i32>} : memref<80x64xf32, #tpu.memory_space<vmem>>, vector<16xf32>,
        tpu.vector_store %arg13[%swap3A_182, %swap3A_183], %mul3A_181 {strides = array<i32>} : memref<80x64xf32, #tpu.memory_space<vmem>>, vector<16xf32>,
        %get3A_185 = arith.index_cast %add3A_171 : i32 to index
        %get3A_186 = arith.constant 32 : index
        %get3A_187 = tpu.vector_load %arg12[%get3A_185, %get3A_186] {strides = array<i32>} : memref<80x64xbf16, #tpu.memory_space<vmem>>, vector<32xbf16>,
        %unpack3A_188 = tpu.unpack_subelements %get3A_187, 0 {pack_format = #tpu.pack_format<interleaved>} : vector<32xbf16> -> vector<16xf32>
        %unpack3A_189 = tpu.unpack_subelements %get3A_187, 1 {pack_format = #tpu.pack_format<interleaved>} : vector<32xbf16> -> vector<16xf32>
        %mul3A_190 = arith.mulf %unpack3A_188, %gather3A_174 : vector<16xf32>
        %swap3A_191 = arith.index_cast %add3A_171 : i32 to index
        %swap3A_192 = arith.constant 32 : index
        %swap3A_193 = tpu.vector_load %arg13[%swap3A_191, %swap3A_192] {strides = array<i32>} : memref<80x64xf32, #tpu.memory_space<vmem>>, vector<16xf32>,
        tpu.vector_store %arg13[%swap3A_191, %swap3A_192], %mul3A_190 {strides = array<i32>} : memref<80x64xf32, #tpu.memory_space<vmem>>, vector<16xf32>,
        %mul3A_194 = arith.mulf %unpack3A_189, %gather3A_174 : vector<16xf32>
        %swap3A_195 = arith.index_cast %add3A_171 : i32 to index
        %swap3A_196 = arith.constant 48 : index
        %swap3A_197 = tpu.vector_load %arg13[%swap3A_195, %swap3A_196] {strides = array<i32>} : memref<80x64xf32, #tpu.memory_space<vmem>>, vector<16xf32>,
        tpu.vector_store %arg13[%swap3A_195, %swap3A_196], %mul3A_194 {strides = array<i32>} : memref<80x64xf32, #tpu.memory_space<vmem>>, vector<16xf32>,
        %mul3A_198 = arith.constant 4 : i32
        %mul3A_199 = arith.muli %scan3A_166, %mul3A_198 : i32
        %add3A_200 = arith.constant 1 : i32
        %add3A_201 = arith.addi %mul3A_199, %add3A_200 : i32
        %broadcast_in_dim3A_202 = vector.broadcast %add3A_201 : i32 to vector<16xi32>
        %gather3A_203 = arith.constant 0 : i32
        %gather3A_204 = tpu.memref_slice %arg11[%scan3A_146, %gather3A_203] : memref<256x80xf32, #tpu.memory_space<vmem>> -> memref<1x80xf32, #tpu.memory_space<vmem>>
        %gather3A_205 = tpu.memref_squeeze %gather3A_204 : memref<1x80xf32, #tpu.memory_space<vmem>> -> memref<80xf32, #tpu.memory_space<vmem>>
        %gather3A_206 = tpu.vector_load_idx %gather3A_205[%broadcast_in_dim3A_202] : memref<80xf32, #tpu.memory_space<vmem>>[vector<16xi32>], vector<16xf32>,
        %get3A_207 = arith.index_cast %add3A_201 : i32 to index
        %get3A_208 = arith.constant 0 : index
        %get3A_209 = tpu.vector_load %arg12[%get3A_207, %get3A_208] {strides = array<i32>} : memref<80x64xbf16, #tpu.memory_space<vmem>>, vector<32xbf16>,
        %unpack3A_210 = tpu.unpack_subelements %get3A_209, 0 {pack_format = #tpu.pack_format<interleaved>} : vector<32xbf16> -> vector<16xf32>
        %unpack3A_211 = tpu.unpack_subelements %get3A_209, 1 {pack_format = #tpu.pack_format<interleaved>} : vector<32xbf16> -> vector<16xf32>
        %mul3A_212 = arith.mulf %unpack3A_210, %gather3A_206 : vector<16xf32>
        %swap3A_213 = arith.index_cast %add3A_201 : i32 to index
        %swap3A_214 = arith.constant 0 : index
        %swap3A_215 = tpu.vector_load %arg13[%swap3A_213, %swap3A_214] {strides = array<i32>} : memref<80x64xf32, #tpu.memory_space<vmem>>, vector<16xf32>,
        tpu.vector_store %arg13[%swap3A_213, %swap3A_214], %mul3A_212 {strides = array<i32>} : memref<80x64xf32, #tpu.memory_space<vmem>>, vector<16xf32>,
        %mul3A_216 = arith.mulf %unpack3A_211, %gather3A_206 : vector<16xf32>
        %swap3A_217 = arith.index_cast %add3A_201 : i32 to index
        %swap3A_218 = arith.constant 16 : index
        %swap3A_219 = tpu.vector_load %arg13[%swap3A_217, %swap3A_218] {strides = array<i32>} : memref<80x64xf32, #tpu.memory_space<vmem>>, vector<16xf32>,
        tpu.vector_store %arg13[%swap3A_217, %swap3A_218], %mul3A_216 {strides = array<i32>} : memref<80x64xf32, #tpu.memory_space<vmem>>, vector<16xf32>,
        %get3A_220 = arith.index_cast %add3A_201 : i32 to index
        %get3A_221 = arith.constant 32 : index
        %get3A_222 = tpu.vector_load %arg12[%get3A_220, %get3A_221] {strides = array<i32>} : memref<80x64xbf16, #tpu.memory_space<vmem>>, vector<32xbf16>,
        %unpack3A_223 = tpu.unpack_subelements %get3A_222, 0 {pack_format = #tpu.pack_format<interleaved>} : vector<32xbf16> -> vector<16xf32>
        %unpack3A_224 = tpu.unpack_subelements %get3A_222, 1 {pack_format = #tpu.pack_format<interleaved>} : vector<32xbf16> -> vector<16xf32>
        %mul3A_225 = arith.mulf %unpack3A_223, %gather3A_206 : vector<16xf32>
        %swap3A_226 = arith.index_cast %add3A_201 : i32 to index
        %swap3A_227 = arith.constant 32 : index
        %swap3A_228 = tpu.vector_load %arg13[%swap3A_226, %swap3A_227] {strides = array<i32>} : memref<80x64xf32, #tpu.memory_space<vmem>>, vector<16xf32>,
        tpu.vector_store %arg13[%swap3A_226, %swap3A_227], %mul3A_225 {strides = array<i32>} : memref<80x64xf32, #tpu.memory_space<vmem>>, vector<16xf32>,
        %mul3A_229 = arith.mulf %unpack3A_224, %gather3A_206 : vector<16xf32>
        %swap3A_230 = arith.index_cast %add3A_201 : i32 to index
        %swap3A_231 = arith.constant 48 : index
        %swap3A_232 = tpu.vector_load %arg13[%swap3A_230, %swap3A_231] {strides = array<i32>} : memref<80x64xf32, #tpu.memory_space<vmem>>, vector<16xf32>,
        tpu.vector_store %arg13[%swap3A_230, %swap3A_231], %mul3A_229 {strides = array<i32>} : memref<80x64xf32, #tpu.memory_space<vmem>>, vector<16xf32>,
        %mul3A_233 = arith.constant 4 : i32
        %mul3A_234 = arith.muli %scan3A_166, %mul3A_233 : i32
        %add3A_235 = arith.constant 2 : i32
        %add3A_236 = arith.addi %mul3A_234, %add3A_235 : i32
        %broadcast_in_dim3A_237 = vector.broadcast %add3A_236 : i32 to vector<16xi32>
        %gather3A_238 = arith.constant 0 : i32
        %gather3A_239 = tpu.memref_slice %arg11[%scan3A_146, %gather3A_238] : memref<256x80xf32, #tpu.memory_space<vmem>> -> memref<1x80xf32, #tpu.memory_space<vmem>>
        %gather3A_240 = tpu.memref_squeeze %gather3A_239 : memref<1x80xf32, #tpu.memory_space<vmem>> -> memref<80xf32, #tpu.memory_space<vmem>>
        %gather3A_241 = tpu.vector_load_idx %gather3A_240[%broadcast_in_dim3A_237] : memref<80xf32, #tpu.memory_space<vmem>>[vector<16xi32>], vector<16xf32>,
        %get3A_242 = arith.index_cast %add3A_236 : i32 to index
        %get3A_243 = arith.constant 0 : index
        %get3A_244 = tpu.vector_load %arg12[%get3A_242, %get3A_243] {strides = array<i32>} : memref<80x64xbf16, #tpu.memory_space<vmem>>, vector<32xbf16>,
        %unpack3A_245 = tpu.unpack_subelements %get3A_244, 0 {pack_format = #tpu.pack_format<interleaved>} : vector<32xbf16> -> vector<16xf32>
        %unpack3A_246 = tpu.unpack_subelements %get3A_244, 1 {pack_format = #tpu.pack_format<interleaved>} : vector<32xbf16> -> vector<16xf32>
        %mul3A_247 = arith.mulf %unpack3A_245, %gather3A_241 : vector<16xf32>
        %swap3A_248 = arith.index_cast %add3A_236 : i32 to index
        %swap3A_249 = arith.constant 0 : index
        %swap3A_250 = tpu.vector_load %arg13[%swap3A_248, %swap3A_249] {strides = array<i32>} : memref<80x64xf32, #tpu.memory_space<vmem>>, vector<16xf32>,
        tpu.vector_store %arg13[%swap3A_248, %swap3A_249], %mul3A_247 {strides = array<i32>} : memref<80x64xf32, #tpu.memory_space<vmem>>, vector<16xf32>,
        %mul3A_251 = arith.mulf %unpack3A_246, %gather3A_241 : vector<16xf32>
        %swap3A_252 = arith.index_cast %add3A_236 : i32 to index
        %swap3A_253 = arith.constant 16 : index
        %swap3A_254 = tpu.vector_load %arg13[%swap3A_252, %swap3A_253] {strides = array<i32>} : memref<80x64xf32, #tpu.memory_space<vmem>>, vector<16xf32>,
        tpu.vector_store %arg13[%swap3A_252, %swap3A_253], %mul3A_251 {strides = array<i32>} : memref<80x64xf32, #tpu.memory_space<vmem>>, vector<16xf32>,
        %get3A_255 = arith.index_cast %add3A_236 : i32 to index
        %get3A_256 = arith.constant 32 : index
        %get3A_257 = tpu.vector_load %arg12[%get3A_255, %get3A_256] {strides = array<i32>} : memref<80x64xbf16, #tpu.memory_space<vmem>>, vector<32xbf16>,
        %unpack3A_258 = tpu.unpack_subelements %get3A_257, 0 {pack_format = #tpu.pack_format<interleaved>} : vector<32xbf16> -> vector<16xf32>
        %unpack3A_259 = tpu.unpack_subelements %get3A_257, 1 {pack_format = #tpu.pack_format<interleaved>} : vector<32xbf16> -> vector<16xf32>
        %mul3A_260 = arith.mulf %unpack3A_258, %gather3A_241 : vector<16xf32>
        %swap3A_261 = arith.index_cast %add3A_236 : i32 to index
        %swap3A_262 = arith.constant 32 : index
        %swap3A_263 = tpu.vector_load %arg13[%swap3A_261, %swap3A_262] {strides = array<i32>} : memref<80x64xf32, #tpu.memory_space<vmem>>, vector<16xf32>,
        tpu.vector_store %arg13[%swap3A_261, %swap3A_262], %mul3A_260 {strides = array<i32>} : memref<80x64xf32, #tpu.memory_space<vmem>>, vector<16xf32>,
        %mul3A_264 = arith.mulf %unpack3A_259, %gather3A_241 : vector<16xf32>
        %swap3A_265 = arith.index_cast %add3A_236 : i32 to index
        %swap3A_266 = arith.constant 48 : index
        %swap3A_267 = tpu.vector_load %arg13[%swap3A_265, %swap3A_266] {strides = array<i32>} : memref<80x64xf32, #tpu.memory_space<vmem>>, vector<16xf32>,
        tpu.vector_store %arg13[%swap3A_265, %swap3A_266], %mul3A_264 {strides = array<i32>} : memref<80x64xf32, #tpu.memory_space<vmem>>, vector<16xf32>,
        %mul3A_268 = arith.constant 4 : i32
        %mul3A_269 = arith.muli %scan3A_166, %mul3A_268 : i32
        %add3A_270 = arith.constant 3 : i32
        %add3A_271 = arith.addi %mul3A_269, %add3A_270 : i32
        %broadcast_in_dim3A_272 = vector.broadcast %add3A_271 : i32 to vector<16xi32>
        %gather3A_273 = arith.constant 0 : i32
        %gather3A_274 = tpu.memref_slice %arg11[%scan3A_146, %gather3A_273] : memref<256x80xf32, #tpu.memory_space<vmem>> -> memref<1x80xf32, #tpu.memory_space<vmem>>
        %gather3A_275 = tpu.memref_squeeze %gather3A_274 : memref<1x80xf32, #tpu.memory_space<vmem>> -> memref<80xf32, #tpu.memory_space<vmem>>
        %gather3A_276 = tpu.vector_load_idx %gather3A_275[%broadcast_in_dim3A_272] : memref<80xf32, #tpu.memory_space<vmem>>[vector<16xi32>], vector<16xf32>,
        %get3A_277 = arith.index_cast %add3A_271 : i32 to index
        %get3A_278 = arith.constant 0 : index
        %get3A_279 = tpu.vector_load %arg12[%get3A_277, %get3A_278] {strides = array<i32>} : memref<80x64xbf16, #tpu.memory_space<vmem>>, vector<32xbf16>,
        %unpack3A_280 = tpu.unpack_subelements %get3A_279, 0 {pack_format = #tpu.pack_format<interleaved>} : vector<32xbf16> -> vector<16xf32>
        %unpack3A_281 = tpu.unpack_subelements %get3A_279, 1 {pack_format = #tpu.pack_format<interleaved>} : vector<32xbf16> -> vector<16xf32>
        %mul3A_282 = arith.mulf %unpack3A_280, %gather3A_276 : vector<16xf32>
        %swap3A_283 = arith.index_cast %add3A_271 : i32 to index
        %swap3A_284 = arith.constant 0 : index
        %swap3A_285 = tpu.vector_load %arg13[%swap3A_283, %swap3A_284] {strides = array<i32>} : memref<80x64xf32, #tpu.memory_space<vmem>>, vector<16xf32>,
        tpu.vector_store %arg13[%swap3A_283, %swap3A_284], %mul3A_282 {strides = array<i32>} : memref<80x64xf32, #tpu.memory_space<vmem>>, vector<16xf32>,
        %mul3A_286 = arith.mulf %unpack3A_281, %gather3A_276 : vector<16xf32>
        %swap3A_287 = arith.index_cast %add3A_271 : i32 to index
        %swap3A_288 = arith.constant 16 : index
        %swap3A_289 = tpu.vector_load %arg13[%swap3A_287, %swap3A_288] {strides = array<i32>} : memref<80x64xf32, #tpu.memory_space<vmem>>, vector<16xf32>,
        tpu.vector_store %arg13[%swap3A_287, %swap3A_288], %mul3A_286 {strides = array<i32>} : memref<80x64xf32, #tpu.memory_space<vmem>>, vector<16xf32>,
        %get3A_290 = arith.index_cast %add3A_271 : i32 to index
        %get3A_291 = arith.constant 32 : index
        %get3A_292 = tpu.vector_load %arg12[%get3A_290, %get3A_291] {strides = array<i32>} : memref<80x64xbf16, #tpu.memory_space<vmem>>, vector<32xbf16>,
        %unpack3A_293 = tpu.unpack_subelements %get3A_292, 0 {pack_format = #tpu.pack_format<interleaved>} : vector<32xbf16> -> vector<16xf32>
        %unpack3A_294 = tpu.unpack_subelements %get3A_292, 1 {pack_format = #tpu.pack_format<interleaved>} : vector<32xbf16> -> vector<16xf32>
        %mul3A_295 = arith.mulf %unpack3A_293, %gather3A_276 : vector<16xf32>
        %swap3A_296 = arith.index_cast %add3A_271 : i32 to index
        %swap3A_297 = arith.constant 32 : index
        %swap3A_298 = tpu.vector_load %arg13[%swap3A_296, %swap3A_297] {strides = array<i32>} : memref<80x64xf32, #tpu.memory_space<vmem>>, vector<16xf32>,
        tpu.vector_store %arg13[%swap3A_296, %swap3A_297], %mul3A_295 {strides = array<i32>} : memref<80x64xf32, #tpu.memory_space<vmem>>, vector<16xf32>,
        %mul3A_299 = arith.mulf %unpack3A_294, %gather3A_276 : vector<16xf32>
        %swap3A_300 = arith.index_cast %add3A_271 : i32 to index
        %swap3A_301 = arith.constant 48 : index
        %swap3A_302 = tpu.vector_load %arg13[%swap3A_300, %swap3A_301] {strides = array<i32>} : memref<80x64xf32, #tpu.memory_space<vmem>>, vector<16xf32>,
        tpu.vector_store %arg13[%swap3A_300, %swap3A_301], %mul3A_299 {strides = array<i32>} : memref<80x64xf32, #tpu.memory_space<vmem>>, vector<16xf32>,
        %scan3A_303 = arith.constant 0 : i32
        scf.yield %scan3A_303 : i32
      }
      %scan3A_164 = arith.constant 20 : i32
      "tpu.region"() ({
        %run_scoped3A = tpu.sem_alloc : memref<!tpu.dma_semaphore, #tpu.memory_space<semaphore_mem>>
        %dma_start3A_166 = arith.constant 0 : i32
        %dma_start3A_167 = tpu.memref_slice %arg10[%scan3A_146, %dma_start3A_166] : memref<256x80xi32, #tpu.memory_space<vmem>> -> memref<1x80xi32, #tpu.memory_space<vmem>>
        %dma_start3A_168 = tpu.memref_squeeze %dma_start3A_167 : memref<1x80xi32, #tpu.memory_space<vmem>> -> memref<80xi32, #tpu.memory_space<vmem>>
        %dma_start3A_169 = arith.constant 0 : i32
        %dma_start3A_170 = arith.constant 0 : i32
        %dma_start3A_171 = tpu.memref_slice %arg17[%dma_start3A_169, %dma_start3A_170] : memref<10240x64xf32, #tpu.memory_space<vmem_shared>> -> memref<10240x64xf32, #tpu.memory_space<vmem_shared>>
        tpu.enqueue_indirect_dma source(%arg13 : memref<80x64xf32, #tpu.memory_space<vmem>>) target(%dma_start3A_171 : memref<10240x64xf32, #tpu.memory_space<vmem_shared>>) offsets(%dma_start3A_168 : memref<80xi32, #tpu.memory_space<vmem>>) semaphore(%run_scoped3A : memref<!tpu.dma_semaphore, #tpu.memory_space<semaphore_mem>>) {add = true}
        %dma_wait3A_172 = arith.constant 0 : i32
        %dma_wait3A_173 = tpu.memref_slice %arg10[%scan3A_146, %dma_wait3A_172] : memref<256x80xi32, #tpu.memory_space<vmem>> -> memref<1x80xi32, #tpu.memory_space<vmem>>
        %dma_wait3A_174 = tpu.memref_squeeze %dma_wait3A_173 : memref<1x80xi32, #tpu.memory_space<vmem>> -> memref<80xi32, #tpu.memory_space<vmem>>
        %dma_wait3A_175 = arith.constant 0 : i32
        %dma_wait3A_176 = arith.constant 0 : i32
        %dma_wait3A_177 = tpu.memref_slice %arg17[%dma_wait3A_175, %dma_wait3A_176] : memref<10240x64xf32, #tpu.memory_space<vmem_shared>> -> memref<10240x64xf32, #tpu.memory_space<vmem_shared>>
        tpu.wait_indirect_dma semaphore(%run_scoped3A : memref<!tpu.dma_semaphore, #tpu.memory_space<semaphore_mem>>) src(%arg13 : memref<80x64xf32, #tpu.memory_space<vmem>>) dst(%dma_wait3A_177 : memref<10240x64xf32, #tpu.memory_space<vmem_shared>>)
        tpu.yield
      }) : () -> ()
      %scan3A_165 = arith.constant 0 : i32
      scf.yield %scan3A_165 : i32
    }
    %scan3A_90 = arith.constant 256 : i32
    %barrier3A_91 = arith.constant 0 : index
    tpu.barrier barrier_id(%barrier3A_91)
    %mul3A_92 = arith.constant 640 : i32
    %mul3A_93 = arith.muli %arg1, %mul3A_92 : i32
    %add3A_94 = arith.constant 0 : i32
    %add3A_95 = arith.addi %add3A_94, %arg0 : i32
    %mul3A_96 = arith.constant 10240 : i32
    %mul3A_97 = arith.muli %add3A_95, %mul3A_96 : i32
    %mul3A_98 = arith.constant 640 : i32
    %mul3A_99 = arith.muli %arg1, %mul3A_98 : i32
    %add3A_100 = arith.addi %mul3A_97, %mul3A_99 : i32
    "tpu.region"() ({
      %run_scoped3A = tpu.sem_alloc : memref<!tpu.dma_semaphore, #tpu.memory_space<semaphore_mem>>
      %dma_start3A = arith.constant 0 : i32
      %dma_start3A_146 = tpu.memref_slice %arg6[%add3A_100, %dma_start3A] : memref<40960x64xf32, #tpu.memory_space<hbm>> -> memref<640x64xf32, #tpu.memory_space<hbm>>
      %dma_start3A_147 = arith.constant 0 : i32
      %dma_start3A_148 = tpu.memref_slice %arg17[%mul3A_93, %dma_start3A_147] : memref<10240x64xf32, #tpu.memory_space<vmem_shared>> -> memref<640x64xf32, #tpu.memory_space<vmem_shared>>
      tpu.enqueue_dma source(%dma_start3A_148 : memref<640x64xf32, #tpu.memory_space<vmem_shared>>) target(%dma_start3A_146 : memref<640x64xf32, #tpu.memory_space<hbm>>) target_semaphore(%run_scoped3A : memref<!tpu.dma_semaphore, #tpu.memory_space<semaphore_mem>>)
      %dma_wait3A = arith.constant 0 : i32
      %dma_wait3A_149 = tpu.memref_slice %arg6[%add3A_100, %dma_wait3A] : memref<40960x64xf32, #tpu.memory_space<hbm>> -> memref<640x64xf32, #tpu.memory_space<hbm>>
      %dma_wait3A_150 = arith.constant 0 : i32
      %dma_wait3A_151 = tpu.memref_slice %arg17[%mul3A_93, %dma_wait3A_150] : memref<10240x64xf32, #tpu.memory_space<vmem_shared>> -> memref<640x64xf32, #tpu.memory_space<vmem_shared>>
      tpu.wait_dma2 semaphore(%run_scoped3A : memref<!tpu.dma_semaphore, #tpu.memory_space<semaphore_mem>>) src(%dma_wait3A_151 : memref<640x64xf32, #tpu.memory_space<vmem_shared>>) dst(%dma_wait3A_149 : memref<640x64xf32, #tpu.memory_space<hbm>>)
      tpu.yield
    }) : () -> ()
    %mul3A_101 = arith.constant 640 : i32
    %mul3A_102 = arith.muli %arg1, %mul3A_101 : i32
    %add3A_103 = arith.constant 0 : i32
    %add3A_104 = arith.addi %mul3A_102, %add3A_103 : i32
    "tpu.region"() ({
      %run_scoped3A = tpu.sem_alloc : memref<!tpu.dma_semaphore, #tpu.memory_space<semaphore_mem>>
      %dma_start3A = arith.constant 0 : i32
      %dma_start3A_146 = tpu.memref_slice %arg17[%add3A_104, %dma_start3A] : memref<10240x64xf32, #tpu.memory_space<vmem_shared>> -> memref<128x64xf32, #tpu.memory_space<vmem_shared>>
      %dma_start3A_147 = arith.constant 0 : i32
      %dma_start3A_148 = tpu.memref_slice %arg17[%add3A_104, %dma_start3A_147] : memref<10240x64xf32, #tpu.memory_space<vmem_shared>> -> memref<128x64xf32, #tpu.memory_space<vmem_shared>>
      tpu.enqueue_dma source(%arg14 : memref<128x64xf32, #tpu.memory_space<vmem>>) target(%dma_start3A_148 : memref<128x64xf32, #tpu.memory_space<vmem_shared>>) target_semaphore(%run_scoped3A : memref<!tpu.dma_semaphore, #tpu.memory_space<semaphore_mem>>)
      %dma_wait3A = arith.constant 0 : i32
      %dma_wait3A_149 = tpu.memref_slice %arg17[%add3A_104, %dma_wait3A] : memref<10240x64xf32, #tpu.memory_space<vmem_shared>> -> memref<128x64xf32, #tpu.memory_space<vmem_shared>>
      %dma_wait3A_150 = arith.constant 0 : i32
      %dma_wait3A_151 = tpu.memref_slice %arg17[%add3A_104, %dma_wait3A_150] : memref<10240x64xf32, #tpu.memory_space<vmem_shared>> -> memref<128x64xf32, #tpu.memory_space<vmem_shared>>
      tpu.wait_dma2 semaphore(%run_scoped3A : memref<!tpu.dma_semaphore, #tpu.memory_space<semaphore_mem>>) src(%arg14 : memref<128x64xf32, #tpu.memory_space<vmem>>) dst(%dma_wait3A_151 : memref<128x64xf32, #tpu.memory_space<vmem_shared>>)
      tpu.yield
    }) : () -> ()
    %mul3A_105 = arith.constant 640 : i32
    %mul3A_106 = arith.muli %arg1, %mul3A_105 : i32
    %add3A_107 = arith.constant 128 : i32
    %add3A_108 = arith.addi %mul3A_106, %add3A_107 : i32
    "tpu.region"() ({
      %run_scoped3A = tpu.sem_alloc : memref<!tpu.dma_semaphore, #tpu.memory_space<semaphore_mem>>
      %dma_start3A = arith.constant 0 : i32
      %dma_start3A_146 = tpu.memref_slice %arg17[%add3A_108, %dma_start3A] : memref<10240x64xf32, #tpu.memory_space<vmem_shared>> -> memref<128x64xf32, #tpu.memory_space<vmem_shared>>
      %dma_start3A_147 = arith.constant 0 : i32
      %dma_start3A_148 = tpu.memref_slice %arg17[%add3A_108, %dma_start3A_147] : memref<10240x64xf32, #tpu.memory_space<vmem_shared>> -> memref<128x64xf32, #tpu.memory_space<vmem_shared>>
      tpu.enqueue_dma source(%arg14 : memref<128x64xf32, #tpu.memory_space<vmem>>) target(%dma_start3A_148 : memref<128x64xf32, #tpu.memory_space<vmem_shared>>) target_semaphore(%run_scoped3A : memref<!tpu.dma_semaphore, #tpu.memory_space<semaphore_mem>>)
      %dma_wait3A = arith.constant 0 : i32
      %dma_wait3A_149 = tpu.memref_slice %arg17[%add3A_108, %dma_wait3A] : memref<10240x64xf32, #tpu.memory_space<vmem_shared>> -> memref<128x64xf32, #tpu.memory_space<vmem_shared>>
      %dma_wait3A_150 = arith.constant 0 : i32
      %dma_wait3A_151 = tpu.memref_slice %arg17[%add3A_108, %dma_wait3A_150] : memref<10240x64xf32, #tpu.memory_space<vmem_shared>> -> memref<128x64xf32, #tpu.memory_space<vmem_shared>>
      tpu.wait_dma2 semaphore(%run_scoped3A : memref<!tpu.dma_semaphore, #tpu.memory_space<semaphore_mem>>) src(%arg14 : memref<128x64xf32, #tpu.memory_space<vmem>>) dst(%dma_wait3A_151 : memref<128x64xf32, #tpu.memory_space<vmem_shared>>)
      tpu.yield
    }) : () -> ()
    %mul3A_109 = arith.constant 640 : i32
    %mul3A_110 = arith.muli %arg1, %mul3A_109 : i32
    %add3A_111 = arith.constant 256 : i32
    %add3A_112 = arith.addi %mul3A_110, %add3A_111 : i32
    "tpu.region"() ({
      %run_scoped3A = tpu.sem_alloc : memref<!tpu.dma_semaphore, #tpu.memory_space<semaphore_mem>>
      %dma_start3A = arith.constant 0 : i32
      %dma_start3A_146 = tpu.memref_slice %arg17[%add3A_112, %dma_start3A] : memref<10240x64xf32, #tpu.memory_space<vmem_shared>> -> memref<128x64xf32, #tpu.memory_space<vmem_shared>>
      %dma_start3A_147 = arith.constant 0 : i32
      %dma_start3A_148 = tpu.memref_slice %arg17[%add3A_112, %dma_start3A_147] : memref<10240x64xf32, #tpu.memory_space<vmem_shared>> -> memref<128x64xf32, #tpu.memory_space<vmem_shared>>
      tpu.enqueue_dma source(%arg14 : memref<128x64xf32, #tpu.memory_space<vmem>>) target(%dma_start3A_148 : memref<128x64xf32, #tpu.memory_space<vmem_shared>>) target_semaphore(%run_scoped3A : memref<!tpu.dma_semaphore, #tpu.memory_space<semaphore_mem>>)
      %dma_wait3A = arith.constant 0 : i32
      %dma_wait3A_149 = tpu.memref_slice %arg17[%add3A_112, %dma_wait3A] : memref<10240x64xf32, #tpu.memory_space<vmem_shared>> -> memref<128x64xf32, #tpu.memory_space<vmem_shared>>
      %dma_wait3A_150 = arith.constant 0 : i32
      %dma_wait3A_151 = tpu.memref_slice %arg17[%add3A_112, %dma_wait3A_150] : memref<10240x64xf32, #tpu.memory_space<vmem_shared>> -> memref<128x64xf32, #tpu.memory_space<vmem_shared>>
      tpu.wait_dma2 semaphore(%run_scoped3A : memref<!tpu.dma_semaphore, #tpu.memory_space<semaphore_mem>>) src(%arg14 : memref<128x64xf32, #tpu.memory_space<vmem>>) dst(%dma_wait3A_151 : memref<128x64xf32, #tpu.memory_space<vmem_shared>>)
      tpu.yield
    }) : () -> ()
    %mul3A_113 = arith.constant 640 : i32
    %mul3A_114 = arith.muli %arg1, %mul3A_113 : i32
    %add3A_115 = arith.constant 384 : i32
    %add3A_116 = arith.addi %mul3A_114, %add3A_115 : i32
    "tpu.region"() ({
      %run_scoped3A = tpu.sem_alloc : memref<!tpu.dma_semaphore, #tpu.memory_space<semaphore_mem>>
      %dma_start3A = arith.constant 0 : i32
      %dma_start3A_146 = tpu.memref_slice %arg17[%add3A_116, %dma_start3A] : memref<10240x64xf32, #tpu.memory_space<vmem_shared>> -> memref<128x64xf32, #tpu.memory_space<vmem_shared>>
      %dma_start3A_147 = arith.constant 0 : i32
      %dma_start3A_148 = tpu.memref_slice %arg17[%add3A_116, %dma_start3A_147] : memref<10240x64xf32, #tpu.memory_space<vmem_shared>> -> memref<128x64xf32, #tpu.memory_space<vmem_shared>>
      tpu.enqueue_dma source(%arg14 : memref<128x64xf32, #tpu.memory_space<vmem>>) target(%dma_start3A_148 : memref<128x64xf32, #tpu.memory_space<vmem_shared>>) target_semaphore(%run_scoped3A : memref<!tpu.dma_semaphore, #tpu.memory_space<semaphore_mem>>)
      %dma_wait3A = arith.constant 0 : i32
      %dma_wait3A_149 = tpu.memref_slice %arg17[%add3A_116, %dma_wait3A] : memref<10240x64xf32, #tpu.memory_space<vmem_shared>> -> memref<128x64xf32, #tpu.memory_space<vmem_shared>>
      %dma_wait3A_150 = arith.constant 0 : i32
      %dma_wait3A_151 = tpu.memref_slice %arg17[%add3A_116, %dma_wait3A_150] : memref<10240x64xf32, #tpu.memory_space<vmem_shared>> -> memref<128x64xf32, #tpu.memory_space<vmem_shared>>
      tpu.wait_dma2 semaphore(%run_scoped3A : memref<!tpu.dma_semaphore, #tpu.memory_space<semaphore_mem>>) src(%arg14 : memref<128x64xf32, #tpu.memory_space<vmem>>) dst(%dma_wait3A_151 : memref<128x64xf32, #tpu.memory_space<vmem_shared>>)
      tpu.yield
    }) : () -> ()
    %mul3A_117 = arith.constant 640 : i32
    %mul3A_118 = arith.muli %arg1, %mul3A_117 : i32
    %add3A_119 = arith.constant 512 : i32
    %add3A_120 = arith.addi %mul3A_118, %add3A_119 : i32
    "tpu.region"() ({
      %run_scoped3A = tpu.sem_alloc : memref<!tpu.dma_semaphore, #tpu.memory_space<semaphore_mem>>
      %dma_start3A = arith.constant 0 : i32
      %dma_start3A_146 = tpu.memref_slice %arg17[%add3A_120, %dma_start3A] : memref<10240x64xf32, #tpu.memory_space<vmem_shared>> -> memref<128x64xf32, #tpu.memory_space<vmem_shared>>
      %dma_start3A_147 = arith.constant 0 : i32
      %dma_start3A_148 = tpu.memref_slice %arg17[%add3A_120, %dma_start3A_147] : memref<10240x64xf32, #tpu.memory_space<vmem_shared>> -> memref<128x64xf32, #tpu.memory_space<vmem_shared>>
      tpu.enqueue_dma source(%arg14 : memref<128x64xf32, #tpu.memory_space<vmem>>) target(%dma_start3A_148 : memref<128x64xf32, #tpu.memory_space<vmem_shared>>) target_semaphore(%run_scoped3A : memref<!tpu.dma_semaphore, #tpu.memory_space<semaphore_mem>>)
      %dma_wait3A = arith.constant 0 : i32
      %dma_wait3A_149 = tpu.memref_slice %arg17[%add3A_120, %dma_wait3A] : memref<10240x64xf32, #tpu.memory_space<vmem_shared>> -> memref<128x64xf32, #tpu.memory_space<vmem_shared>>
      %dma_wait3A_150 = arith.constant 0 : i32
      %dma_wait3A_151 = tpu.memref_slice %arg17[%add3A_120, %dma_wait3A_150] : memref<10240x64xf32, #tpu.memory_space<vmem_shared>> -> memref<128x64xf32, #tpu.memory_space<vmem_shared>>
      tpu.wait_dma2 semaphore(%run_scoped3A : memref<!tpu.dma_semaphore, #tpu.memory_space<semaphore_mem>>) src(%arg14 : memref<128x64xf32, #tpu.memory_space<vmem>>) dst(%dma_wait3A_151 : memref<128x64xf32, #tpu.memory_space<vmem_shared>>)
      tpu.yield
    }) : () -> ()
    %barrier3A_121 = arith.constant 0 : index
    tpu.barrier barrier_id(%barrier3A_121)
    %scan3A_122 = arith.constant 0 : i32
    %scan3A_123 = arith.constant 0 : i32
    %scan3A_124 = arith.constant 256 : i32
    %scan3A_125 = arith.addi %scan3A_123, %scan3A_124 : i32
    %scan3A_126 = arith.constant 1 : i32
    %scan3A_127 = scf.for %scan3A_146 = %scan3A_123 to %scan3A_125 step %scan3A_126 iter_args(%scan3A_147 = %scan3A_122) -> (i32)  : i32 {
      %get3A = arith.index_cast %scan3A_146 : i32 to index
      %get3A_148 = arith.constant 0 : index
      %get3A_149 = tpu.vector_load %arg9[%get3A, %get3A_148] {strides = array<i32>} : memref<256x80xi32, #tpu.memory_space<vmem>>, vector<16xi32>,
      %add3A_150 = arith.constant 20000 : i32
      %add3A_151 = vector.broadcast %add3A_150 : i32 to vector<16xi32>
      %add3A_152 = arith.addi %get3A_149, %add3A_151 : vector<16xi32>
      %swap3A = arith.index_cast %scan3A_146 : i32 to index
      %swap3A_153 = arith.constant 0 : index
      %swap3A_154 = tpu.vector_load %arg9[%swap3A, %swap3A_153] {strides = array<i32>} : memref<256x80xi32, #tpu.memory_space<vmem>>, vector<16xi32>,
      tpu.vector_store %arg9[%swap3A, %swap3A_153], %add3A_152 {strides = array<i32>} : memref<256x80xi32, #tpu.memory_space<vmem>>, vector<16xi32>,
      %get3A_155 = arith.index_cast %scan3A_146 : i32 to index
      %get3A_156 = arith.constant 16 : index
      %get3A_157 = tpu.vector_load %arg9[%get3A_155, %get3A_156] {strides = array<i32>} : memref<256x80xi32, #tpu.memory_space<vmem>>, vector<16xi32>,
      %add3A_158 = arith.constant 20000 : i32
      %add3A_159 = vector.broadcast %add3A_158 : i32 to vector<16xi32>
      %add3A_160 = arith.addi %get3A_157, %add3A_159 : vector<16xi32>
      %swap3A_161 = arith.index_cast %scan3A_146 : i32 to index
      %swap3A_162 = arith.constant 16 : index
      %swap3A_163 = tpu.vector_load %arg9[%swap3A_161, %swap3A_162] {strides = array<i32>} : memref<256x80xi32, #tpu.memory_space<vmem>>, vector<16xi32>,
      tpu.vector_store %arg9[%swap3A_161, %swap3A_162], %add3A_160 {strides = array<i32>} : memref<256x80xi32, #tpu.memory_space<vmem>>, vector<16xi32>,
      %get3A_164 = arith.index_cast %scan3A_146 : i32 to index
      %get3A_165 = arith.constant 32 : index
      %get3A_166 = tpu.vector_load %arg9[%get3A_164, %get3A_165] {strides = array<i32>} : memref<256x80xi32, #tpu.memory_space<vmem>>, vector<16xi32>,
      %add3A_167 = arith.constant 20000 : i32
      %add3A_168 = vector.broadcast %add3A_167 : i32 to vector<16xi32>
      %add3A_169 = arith.addi %get3A_166, %add3A_168 : vector<16xi32>
      %swap3A_170 = arith.index_cast %scan3A_146 : i32 to index
      %swap3A_171 = arith.constant 32 : index
      %swap3A_172 = tpu.vector_load %arg9[%swap3A_170, %swap3A_171] {strides = array<i32>} : memref<256x80xi32, #tpu.memory_space<vmem>>, vector<16xi32>,
      tpu.vector_store %arg9[%swap3A_170, %swap3A_171], %add3A_169 {strides = array<i32>} : memref<256x80xi32, #tpu.memory_space<vmem>>, vector<16xi32>,
      %get3A_173 = arith.index_cast %scan3A_146 : i32 to index
      %get3A_174 = arith.constant 48 : index
      %get3A_175 = tpu.vector_load %arg9[%get3A_173, %get3A_174] {strides = array<i32>} : memref<256x80xi32, #tpu.memory_space<vmem>>, vector<16xi32>,
      %add3A_176 = arith.constant 20000 : i32
      %add3A_177 = vector.broadcast %add3A_176 : i32 to vector<16xi32>
      %add3A_178 = arith.addi %get3A_175, %add3A_177 : vector<16xi32>
      %swap3A_179 = arith.index_cast %scan3A_146 : i32 to index
      %swap3A_180 = arith.constant 48 : index
      %swap3A_181 = tpu.vector_load %arg9[%swap3A_179, %swap3A_180] {strides = array<i32>} : memref<256x80xi32, #tpu.memory_space<vmem>>, vector<16xi32>,
      tpu.vector_store %arg9[%swap3A_179, %swap3A_180], %add3A_178 {strides = array<i32>} : memref<256x80xi32, #tpu.memory_space<vmem>>, vector<16xi32>,
      %get3A_182 = arith.index_cast %scan3A_146 : i32 to index
      %get3A_183 = arith.constant 64 : index
      %get3A_184 = tpu.vector_load %arg9[%get3A_182, %get3A_183] {strides = array<i32>} : memref<256x80xi32, #tpu.memory_space<vmem>>, vector<16xi32>,
      %add3A_185 = arith.constant 20000 : i32
      %add3A_186 = vector.broadcast %add3A_185 : i32 to vector<16xi32>
      %add3A_187 = arith.addi %get3A_184, %add3A_186 : vector<16xi32>
      %swap3A_188 = arith.index_cast %scan3A_146 : i32 to index
      %swap3A_189 = arith.constant 64 : index
      %swap3A_190 = tpu.vector_load %arg9[%swap3A_188, %swap3A_189] {strides = array<i32>} : memref<256x80xi32, #tpu.memory_space<vmem>>, vector<16xi32>,
      tpu.vector_store %arg9[%swap3A_188, %swap3A_189], %add3A_187 {strides = array<i32>} : memref<256x80xi32, #tpu.memory_space<vmem>>, vector<16xi32>,
      %scan3A_191 = arith.constant 0 : i32
      scf.yield %scan3A_191 : i32
    }
    %scan3A_128 = arith.constant 256 : i32
    %scan3A_129 = arith.constant 0 : i32
    %scan3A_130 = arith.constant 0 : i32
    %scan3A_131 = arith.constant 256 : i32
    %scan3A_132 = arith.addi %scan3A_130, %scan3A_131 : i32
    %scan3A_133 = arith.constant 1 : i32
    %scan3A_134 = scf.for %scan3A_146 = %scan3A_130 to %scan3A_132 step %scan3A_133 iter_args(%scan3A_147 = %scan3A_129) -> (i32)  : i32 {
      %dma_start3A = arith.constant 0 : i32
      %dma_start3A_148 = tpu.memref_slice %arg9[%scan3A_146, %dma_start3A] : memref<256x80xi32, #tpu.memory_space<vmem>> -> memref<1x80xi32, #tpu.memory_space<vmem>>
      %dma_start3A_149 = tpu.memref_squeeze %dma_start3A_148 : memref<1x80xi32, #tpu.memory_space<vmem>> -> memref<80xi32, #tpu.memory_space<vmem>>
      %dma_start3A_150 = arith.constant 0 : i32
      %dma_start3A_151 = arith.constant 0 : i32
      %dma_start3A_152 = tpu.memref_slice %arg5[%dma_start3A_150, %dma_start3A_151] : memref<40000x64xbf16, #tpu.memory_space<hbm>> -> memref<40000x64xbf16, #tpu.memory_space<hbm>>
      tpu.enqueue_indirect_dma source(%dma_start3A_152 : memref<40000x64xbf16, #tpu.memory_space<hbm>>) target(%arg12 : memref<80x64xbf16, #tpu.memory_space<vmem>>) offsets(%dma_start3A_149 : memref<80xi32, #tpu.memory_space<vmem>>) semaphore(%arg19 : memref<!tpu.dma_semaphore, #tpu.memory_space<semaphore_mem>>)
      %dma_wait3A = arith.constant 0 : i32
      %dma_wait3A_153 = tpu.memref_slice %arg9[%scan3A_146, %dma_wait3A] : memref<256x80xi32, #tpu.memory_space<vmem>> -> memref<1x80xi32, #tpu.memory_space<vmem>>
      %dma_wait3A_154 = tpu.memref_squeeze %dma_wait3A_153 : memref<1x80xi32, #tpu.memory_space<vmem>> -> memref<80xi32, #tpu.memory_space<vmem>>
      %dma_wait3A_155 = arith.constant 0 : i32
      %dma_wait3A_156 = arith.constant 0 : i32
      %dma_wait3A_157 = tpu.memref_slice %arg5[%dma_wait3A_155, %dma_wait3A_156] : memref<40000x64xbf16, #tpu.memory_space<hbm>> -> memref<40000x64xbf16, #tpu.memory_space<hbm>>
      tpu.wait_indirect_dma semaphore(%arg19 : memref<!tpu.dma_semaphore, #tpu.memory_space<semaphore_mem>>) src(%dma_wait3A_157 : memref<40000x64xbf16, #tpu.memory_space<hbm>>) dst(%arg12 : memref<80x64xbf16, #tpu.memory_space<vmem>>)
      %scan3A_158 = arith.constant 0 : i32
      %scan3A_159 = arith.constant 0 : i32
      %scan3A_160 = arith.constant 20 : i32
      %scan3A_161 = arith.addi %scan3A_159, %scan3A_160 : i32
      %scan3A_162 = arith.constant 1 : i32
      %scan3A_163 = scf.for %scan3A_166 = %scan3A_159 to %scan3A_161 step %scan3A_162 iter_args(%scan3A_167 = %scan3A_158) -> (i32)  : i32 {
        %mul3A_168 = arith.constant 4 : i32
        %mul3A_169 = arith.muli %scan3A_166, %mul3A_168 : i32
        %add3A_170 = arith.constant 0 : i32
        %add3A_171 = arith.addi %mul3A_169, %add3A_170 : i32
        %broadcast_in_dim3A = vector.broadcast %add3A_171 : i32 to vector<16xi32>
        %gather3A = arith.constant 0 : i32
        %gather3A_172 = tpu.memref_slice %arg11[%scan3A_146, %gather3A] : memref<256x80xf32, #tpu.memory_space<vmem>> -> memref<1x80xf32, #tpu.memory_space<vmem>>
        %gather3A_173 = tpu.memref_squeeze %gather3A_172 : memref<1x80xf32, #tpu.memory_space<vmem>> -> memref<80xf32, #tpu.memory_space<vmem>>
        %gather3A_174 = tpu.vector_load_idx %gather3A_173[%broadcast_in_dim3A] : memref<80xf32, #tpu.memory_space<vmem>>[vector<16xi32>], vector<16xf32>,
        %get3A = arith.index_cast %add3A_171 : i32 to index
        %get3A_175 = arith.constant 0 : index
        %get3A_176 = tpu.vector_load %arg12[%get3A, %get3A_175] {strides = array<i32>} : memref<80x64xbf16, #tpu.memory_space<vmem>>, vector<32xbf16>,
        %unpack3A = tpu.unpack_subelements %get3A_176, 0 {pack_format = #tpu.pack_format<interleaved>} : vector<32xbf16> -> vector<16xf32>
        %unpack3A_177 = tpu.unpack_subelements %get3A_176, 1 {pack_format = #tpu.pack_format<interleaved>} : vector<32xbf16> -> vector<16xf32>
        %mul3A_178 = arith.mulf %unpack3A, %gather3A_174 : vector<16xf32>
        %swap3A = arith.index_cast %add3A_171 : i32 to index
        %swap3A_179 = arith.constant 0 : index
        %swap3A_180 = tpu.vector_load %arg13[%swap3A, %swap3A_179] {strides = array<i32>} : memref<80x64xf32, #tpu.memory_space<vmem>>, vector<16xf32>,
        tpu.vector_store %arg13[%swap3A, %swap3A_179], %mul3A_178 {strides = array<i32>} : memref<80x64xf32, #tpu.memory_space<vmem>>, vector<16xf32>,
        %mul3A_181 = arith.mulf %unpack3A_177, %gather3A_174 : vector<16xf32>
        %swap3A_182 = arith.index_cast %add3A_171 : i32 to index
        %swap3A_183 = arith.constant 16 : index
        %swap3A_184 = tpu.vector_load %arg13[%swap3A_182, %swap3A_183] {strides = array<i32>} : memref<80x64xf32, #tpu.memory_space<vmem>>, vector<16xf32>,
        tpu.vector_store %arg13[%swap3A_182, %swap3A_183], %mul3A_181 {strides = array<i32>} : memref<80x64xf32, #tpu.memory_space<vmem>>, vector<16xf32>,
        %get3A_185 = arith.index_cast %add3A_171 : i32 to index
        %get3A_186 = arith.constant 32 : index
        %get3A_187 = tpu.vector_load %arg12[%get3A_185, %get3A_186] {strides = array<i32>} : memref<80x64xbf16, #tpu.memory_space<vmem>>, vector<32xbf16>,
        %unpack3A_188 = tpu.unpack_subelements %get3A_187, 0 {pack_format = #tpu.pack_format<interleaved>} : vector<32xbf16> -> vector<16xf32>
        %unpack3A_189 = tpu.unpack_subelements %get3A_187, 1 {pack_format = #tpu.pack_format<interleaved>} : vector<32xbf16> -> vector<16xf32>
        %mul3A_190 = arith.mulf %unpack3A_188, %gather3A_174 : vector<16xf32>
        %swap3A_191 = arith.index_cast %add3A_171 : i32 to index
        %swap3A_192 = arith.constant 32 : index
        %swap3A_193 = tpu.vector_load %arg13[%swap3A_191, %swap3A_192] {strides = array<i32>} : memref<80x64xf32, #tpu.memory_space<vmem>>, vector<16xf32>,
        tpu.vector_store %arg13[%swap3A_191, %swap3A_192], %mul3A_190 {strides = array<i32>} : memref<80x64xf32, #tpu.memory_space<vmem>>, vector<16xf32>,
        %mul3A_194 = arith.mulf %unpack3A_189, %gather3A_174 : vector<16xf32>
        %swap3A_195 = arith.index_cast %add3A_171 : i32 to index
        %swap3A_196 = arith.constant 48 : index
        %swap3A_197 = tpu.vector_load %arg13[%swap3A_195, %swap3A_196] {strides = array<i32>} : memref<80x64xf32, #tpu.memory_space<vmem>>, vector<16xf32>,
        tpu.vector_store %arg13[%swap3A_195, %swap3A_196], %mul3A_194 {strides = array<i32>} : memref<80x64xf32, #tpu.memory_space<vmem>>, vector<16xf32>,
        %mul3A_198 = arith.constant 4 : i32
        %mul3A_199 = arith.muli %scan3A_166, %mul3A_198 : i32
        %add3A_200 = arith.constant 1 : i32
        %add3A_201 = arith.addi %mul3A_199, %add3A_200 : i32
        %broadcast_in_dim3A_202 = vector.broadcast %add3A_201 : i32 to vector<16xi32>
        %gather3A_203 = arith.constant 0 : i32
        %gather3A_204 = tpu.memref_slice %arg11[%scan3A_146, %gather3A_203] : memref<256x80xf32, #tpu.memory_space<vmem>> -> memref<1x80xf32, #tpu.memory_space<vmem>>
        %gather3A_205 = tpu.memref_squeeze %gather3A_204 : memref<1x80xf32, #tpu.memory_space<vmem>> -> memref<80xf32, #tpu.memory_space<vmem>>
        %gather3A_206 = tpu.vector_load_idx %gather3A_205[%broadcast_in_dim3A_202] : memref<80xf32, #tpu.memory_space<vmem>>[vector<16xi32>], vector<16xf32>,
        %get3A_207 = arith.index_cast %add3A_201 : i32 to index
        %get3A_208 = arith.constant 0 : index
        %get3A_209 = tpu.vector_load %arg12[%get3A_207, %get3A_208] {strides = array<i32>} : memref<80x64xbf16, #tpu.memory_space<vmem>>, vector<32xbf16>,
        %unpack3A_210 = tpu.unpack_subelements %get3A_209, 0 {pack_format = #tpu.pack_format<interleaved>} : vector<32xbf16> -> vector<16xf32>
        %unpack3A_211 = tpu.unpack_subelements %get3A_209, 1 {pack_format = #tpu.pack_format<interleaved>} : vector<32xbf16> -> vector<16xf32>
        %mul3A_212 = arith.mulf %unpack3A_210, %gather3A_206 : vector<16xf32>
        %swap3A_213 = arith.index_cast %add3A_201 : i32 to index
        %swap3A_214 = arith.constant 0 : index
        %swap3A_215 = tpu.vector_load %arg13[%swap3A_213, %swap3A_214] {strides = array<i32>} : memref<80x64xf32, #tpu.memory_space<vmem>>, vector<16xf32>,
        tpu.vector_store %arg13[%swap3A_213, %swap3A_214], %mul3A_212 {strides = array<i32>} : memref<80x64xf32, #tpu.memory_space<vmem>>, vector<16xf32>,
        %mul3A_216 = arith.mulf %unpack3A_211, %gather3A_206 : vector<16xf32>
        %swap3A_217 = arith.index_cast %add3A_201 : i32 to index
        %swap3A_218 = arith.constant 16 : index
        %swap3A_219 = tpu.vector_load %arg13[%swap3A_217, %swap3A_218] {strides = array<i32>} : memref<80x64xf32, #tpu.memory_space<vmem>>, vector<16xf32>,
        tpu.vector_store %arg13[%swap3A_217, %swap3A_218], %mul3A_216 {strides = array<i32>} : memref<80x64xf32, #tpu.memory_space<vmem>>, vector<16xf32>,
        %get3A_220 = arith.index_cast %add3A_201 : i32 to index
        %get3A_221 = arith.constant 32 : index
        %get3A_222 = tpu.vector_load %arg12[%get3A_220, %get3A_221] {strides = array<i32>} : memref<80x64xbf16, #tpu.memory_space<vmem>>, vector<32xbf16>,
        %unpack3A_223 = tpu.unpack_subelements %get3A_222, 0 {pack_format = #tpu.pack_format<interleaved>} : vector<32xbf16> -> vector<16xf32>
        %unpack3A_224 = tpu.unpack_subelements %get3A_222, 1 {pack_format = #tpu.pack_format<interleaved>} : vector<32xbf16> -> vector<16xf32>
        %mul3A_225 = arith.mulf %unpack3A_223, %gather3A_206 : vector<16xf32>
        %swap3A_226 = arith.index_cast %add3A_201 : i32 to index
        %swap3A_227 = arith.constant 32 : index
        %swap3A_228 = tpu.vector_load %arg13[%swap3A_226, %swap3A_227] {strides = array<i32>} : memref<80x64xf32, #tpu.memory_space<vmem>>, vector<16xf32>,
        tpu.vector_store %arg13[%swap3A_226, %swap3A_227], %mul3A_225 {strides = array<i32>} : memref<80x64xf32, #tpu.memory_space<vmem>>, vector<16xf32>,
        %mul3A_229 = arith.mulf %unpack3A_224, %gather3A_206 : vector<16xf32>
        %swap3A_230 = arith.index_cast %add3A_201 : i32 to index
        %swap3A_231 = arith.constant 48 : index
        %swap3A_232 = tpu.vector_load %arg13[%swap3A_230, %swap3A_231] {strides = array<i32>} : memref<80x64xf32, #tpu.memory_space<vmem>>, vector<16xf32>,
        tpu.vector_store %arg13[%swap3A_230, %swap3A_231], %mul3A_229 {strides = array<i32>} : memref<80x64xf32, #tpu.memory_space<vmem>>, vector<16xf32>,
        %mul3A_233 = arith.constant 4 : i32
        %mul3A_234 = arith.muli %scan3A_166, %mul3A_233 : i32
        %add3A_235 = arith.constant 2 : i32
        %add3A_236 = arith.addi %mul3A_234, %add3A_235 : i32
        %broadcast_in_dim3A_237 = vector.broadcast %add3A_236 : i32 to vector<16xi32>
        %gather3A_238 = arith.constant 0 : i32
        %gather3A_239 = tpu.memref_slice %arg11[%scan3A_146, %gather3A_238] : memref<256x80xf32, #tpu.memory_space<vmem>> -> memref<1x80xf32, #tpu.memory_space<vmem>>
        %gather3A_240 = tpu.memref_squeeze %gather3A_239 : memref<1x80xf32, #tpu.memory_space<vmem>> -> memref<80xf32, #tpu.memory_space<vmem>>
        %gather3A_241 = tpu.vector_load_idx %gather3A_240[%broadcast_in_dim3A_237] : memref<80xf32, #tpu.memory_space<vmem>>[vector<16xi32>], vector<16xf32>,
        %get3A_242 = arith.index_cast %add3A_236 : i32 to index
        %get3A_243 = arith.constant 0 : index
        %get3A_244 = tpu.vector_load %arg12[%get3A_242, %get3A_243] {strides = array<i32>} : memref<80x64xbf16, #tpu.memory_space<vmem>>, vector<32xbf16>,
        %unpack3A_245 = tpu.unpack_subelements %get3A_244, 0 {pack_format = #tpu.pack_format<interleaved>} : vector<32xbf16> -> vector<16xf32>
        %unpack3A_246 = tpu.unpack_subelements %get3A_244, 1 {pack_format = #tpu.pack_format<interleaved>} : vector<32xbf16> -> vector<16xf32>
        %mul3A_247 = arith.mulf %unpack3A_245, %gather3A_241 : vector<16xf32>
        %swap3A_248 = arith.index_cast %add3A_236 : i32 to index
        %swap3A_249 = arith.constant 0 : index
        %swap3A_250 = tpu.vector_load %arg13[%swap3A_248, %swap3A_249] {strides = array<i32>} : memref<80x64xf32, #tpu.memory_space<vmem>>, vector<16xf32>,
        tpu.vector_store %arg13[%swap3A_248, %swap3A_249], %mul3A_247 {strides = array<i32>} : memref<80x64xf32, #tpu.memory_space<vmem>>, vector<16xf32>,
        %mul3A_251 = arith.mulf %unpack3A_246, %gather3A_241 : vector<16xf32>
        %swap3A_252 = arith.index_cast %add3A_236 : i32 to index
        %swap3A_253 = arith.constant 16 : index
        %swap3A_254 = tpu.vector_load %arg13[%swap3A_252, %swap3A_253] {strides = array<i32>} : memref<80x64xf32, #tpu.memory_space<vmem>>, vector<16xf32>,
        tpu.vector_store %arg13[%swap3A_252, %swap3A_253], %mul3A_251 {strides = array<i32>} : memref<80x64xf32, #tpu.memory_space<vmem>>, vector<16xf32>,
        %get3A_255 = arith.index_cast %add3A_236 : i32 to index
        %get3A_256 = arith.constant 32 : index
        %get3A_257 = tpu.vector_load %arg12[%get3A_255, %get3A_256] {strides = array<i32>} : memref<80x64xbf16, #tpu.memory_space<vmem>>, vector<32xbf16>,
        %unpack3A_258 = tpu.unpack_subelements %get3A_257, 0 {pack_format = #tpu.pack_format<interleaved>} : vector<32xbf16> -> vector<16xf32>
        %unpack3A_259 = tpu.unpack_subelements %get3A_257, 1 {pack_format = #tpu.pack_format<interleaved>} : vector<32xbf16> -> vector<16xf32>
        %mul3A_260 = arith.mulf %unpack3A_258, %gather3A_241 : vector<16xf32>
        %swap3A_261 = arith.index_cast %add3A_236 : i32 to index
        %swap3A_262 = arith.constant 32 : index
        %swap3A_263 = tpu.vector_load %arg13[%swap3A_261, %swap3A_262] {strides = array<i32>} : memref<80x64xf32, #tpu.memory_space<vmem>>, vector<16xf32>,
        tpu.vector_store %arg13[%swap3A_261, %swap3A_262], %mul3A_260 {strides = array<i32>} : memref<80x64xf32, #tpu.memory_space<vmem>>, vector<16xf32>,
        %mul3A_264 = arith.mulf %unpack3A_259, %gather3A_241 : vector<16xf32>
        %swap3A_265 = arith.index_cast %add3A_236 : i32 to index
        %swap3A_266 = arith.constant 48 : index
        %swap3A_267 = tpu.vector_load %arg13[%swap3A_265, %swap3A_266] {strides = array<i32>} : memref<80x64xf32, #tpu.memory_space<vmem>>, vector<16xf32>,
        tpu.vector_store %arg13[%swap3A_265, %swap3A_266], %mul3A_264 {strides = array<i32>} : memref<80x64xf32, #tpu.memory_space<vmem>>, vector<16xf32>,
        %mul3A_268 = arith.constant 4 : i32
        %mul3A_269 = arith.muli %scan3A_166, %mul3A_268 : i32
        %add3A_270 = arith.constant 3 : i32
        %add3A_271 = arith.addi %mul3A_269, %add3A_270 : i32
        %broadcast_in_dim3A_272 = vector.broadcast %add3A_271 : i32 to vector<16xi32>
        %gather3A_273 = arith.constant 0 : i32
        %gather3A_274 = tpu.memref_slice %arg11[%scan3A_146, %gather3A_273] : memref<256x80xf32, #tpu.memory_space<vmem>> -> memref<1x80xf32, #tpu.memory_space<vmem>>
        %gather3A_275 = tpu.memref_squeeze %gather3A_274 : memref<1x80xf32, #tpu.memory_space<vmem>> -> memref<80xf32, #tpu.memory_space<vmem>>
        %gather3A_276 = tpu.vector_load_idx %gather3A_275[%broadcast_in_dim3A_272] : memref<80xf32, #tpu.memory_space<vmem>>[vector<16xi32>], vector<16xf32>,
        %get3A_277 = arith.index_cast %add3A_271 : i32 to index
        %get3A_278 = arith.constant 0 : index
        %get3A_279 = tpu.vector_load %arg12[%get3A_277, %get3A_278] {strides = array<i32>} : memref<80x64xbf16, #tpu.memory_space<vmem>>, vector<32xbf16>,
        %unpack3A_280 = tpu.unpack_subelements %get3A_279, 0 {pack_format = #tpu.pack_format<interleaved>} : vector<32xbf16> -> vector<16xf32>
        %unpack3A_281 = tpu.unpack_subelements %get3A_279, 1 {pack_format = #tpu.pack_format<interleaved>} : vector<32xbf16> -> vector<16xf32>
        %mul3A_282 = arith.mulf %unpack3A_280, %gather3A_276 : vector<16xf32>
        %swap3A_283 = arith.index_cast %add3A_271 : i32 to index
        %swap3A_284 = arith.constant 0 : index
        %swap3A_285 = tpu.vector_load %arg13[%swap3A_283, %swap3A_284] {strides = array<i32>} : memref<80x64xf32, #tpu.memory_space<vmem>>, vector<16xf32>,
        tpu.vector_store %arg13[%swap3A_283, %swap3A_284], %mul3A_282 {strides = array<i32>} : memref<80x64xf32, #tpu.memory_space<vmem>>, vector<16xf32>,
        %mul3A_286 = arith.mulf %unpack3A_281, %gather3A_276 : vector<16xf32>
        %swap3A_287 = arith.index_cast %add3A_271 : i32 to index
        %swap3A_288 = arith.constant 16 : index
        %swap3A_289 = tpu.vector_load %arg13[%swap3A_287, %swap3A_288] {strides = array<i32>} : memref<80x64xf32, #tpu.memory_space<vmem>>, vector<16xf32>,
        tpu.vector_store %arg13[%swap3A_287, %swap3A_288], %mul3A_286 {strides = array<i32>} : memref<80x64xf32, #tpu.memory_space<vmem>>, vector<16xf32>,
        %get3A_290 = arith.index_cast %add3A_271 : i32 to index
        %get3A_291 = arith.constant 32 : index
        %get3A_292 = tpu.vector_load %arg12[%get3A_290, %get3A_291] {strides = array<i32>} : memref<80x64xbf16, #tpu.memory_space<vmem>>, vector<32xbf16>,
        %unpack3A_293 = tpu.unpack_subelements %get3A_292, 0 {pack_format = #tpu.pack_format<interleaved>} : vector<32xbf16> -> vector<16xf32>
        %unpack3A_294 = tpu.unpack_subelements %get3A_292, 1 {pack_format = #tpu.pack_format<interleaved>} : vector<32xbf16> -> vector<16xf32>
        %mul3A_295 = arith.mulf %unpack3A_293, %gather3A_276 : vector<16xf32>
        %swap3A_296 = arith.index_cast %add3A_271 : i32 to index
        %swap3A_297 = arith.constant 32 : index
        %swap3A_298 = tpu.vector_load %arg13[%swap3A_296, %swap3A_297] {strides = array<i32>} : memref<80x64xf32, #tpu.memory_space<vmem>>, vector<16xf32>,
        tpu.vector_store %arg13[%swap3A_296, %swap3A_297], %mul3A_295 {strides = array<i32>} : memref<80x64xf32, #tpu.memory_space<vmem>>, vector<16xf32>,
        %mul3A_299 = arith.mulf %unpack3A_294, %gather3A_276 : vector<16xf32>
        %swap3A_300 = arith.index_cast %add3A_271 : i32 to index
        %swap3A_301 = arith.constant 48 : index
        %swap3A_302 = tpu.vector_load %arg13[%swap3A_300, %swap3A_301] {strides = array<i32>} : memref<80x64xf32, #tpu.memory_space<vmem>>, vector<16xf32>,
        tpu.vector_store %arg13[%swap3A_300, %swap3A_301], %mul3A_299 {strides = array<i32>} : memref<80x64xf32, #tpu.memory_space<vmem>>, vector<16xf32>,
        %scan3A_303 = arith.constant 0 : i32
        scf.yield %scan3A_303 : i32
      }
      %scan3A_164 = arith.constant 20 : i32
      "tpu.region"() ({
        %run_scoped3A = tpu.sem_alloc : memref<!tpu.dma_semaphore, #tpu.memory_space<semaphore_mem>>
        %dma_start3A_166 = arith.constant 0 : i32
        %dma_start3A_167 = tpu.memref_slice %arg10[%scan3A_146, %dma_start3A_166] : memref<256x80xi32, #tpu.memory_space<vmem>> -> memref<1x80xi32, #tpu.memory_space<vmem>>
        %dma_start3A_168 = tpu.memref_squeeze %dma_start3A_167 : memref<1x80xi32, #tpu.memory_space<vmem>> -> memref<80xi32, #tpu.memory_space<vmem>>
        %dma_start3A_169 = arith.constant 0 : i32
        %dma_start3A_170 = arith.constant 0 : i32
        %dma_start3A_171 = tpu.memref_slice %arg17[%dma_start3A_169, %dma_start3A_170] : memref<10240x64xf32, #tpu.memory_space<vmem_shared>> -> memref<10240x64xf32, #tpu.memory_space<vmem_shared>>
        tpu.enqueue_indirect_dma source(%arg13 : memref<80x64xf32, #tpu.memory_space<vmem>>) target(%dma_start3A_171 : memref<10240x64xf32, #tpu.memory_space<vmem_shared>>) offsets(%dma_start3A_168 : memref<80xi32, #tpu.memory_space<vmem>>) semaphore(%run_scoped3A : memref<!tpu.dma_semaphore, #tpu.memory_space<semaphore_mem>>) {add = true}
        %dma_wait3A_172 = arith.constant 0 : i32
        %dma_wait3A_173 = tpu.memref_slice %arg10[%scan3A_146, %dma_wait3A_172] : memref<256x80xi32, #tpu.memory_space<vmem>> -> memref<1x80xi32, #tpu.memory_space<vmem>>
        %dma_wait3A_174 = tpu.memref_squeeze %dma_wait3A_173 : memref<1x80xi32, #tpu.memory_space<vmem>> -> memref<80xi32, #tpu.memory_space<vmem>>
        %dma_wait3A_175 = arith.constant 0 : i32
        %dma_wait3A_176 = arith.constant 0 : i32
        %dma_wait3A_177 = tpu.memref_slice %arg17[%dma_wait3A_175, %dma_wait3A_176] : memref<10240x64xf32, #tpu.memory_space<vmem_shared>> -> memref<10240x64xf32, #tpu.memory_space<vmem_shared>>
        tpu.wait_indirect_dma semaphore(%run_scoped3A : memref<!tpu.dma_semaphore, #tpu.memory_space<semaphore_mem>>) src(%arg13 : memref<80x64xf32, #tpu.memory_space<vmem>>) dst(%dma_wait3A_177 : memref<10240x64xf32, #tpu.memory_space<vmem_shared>>)
        tpu.yield
      }) : () -> ()
      %scan3A_165 = arith.constant 0 : i32
      scf.yield %scan3A_165 : i32
    }
    %scan3A_135 = arith.constant 256 : i32
    %barrier3A_136 = arith.constant 0 : index
    tpu.barrier barrier_id(%barrier3A_136)
    %mul3A_137 = arith.constant 640 : i32
    %mul3A_138 = arith.muli %arg1, %mul3A_137 : i32
    %add3A_139 = arith.constant 2 : i32
    %add3A_140 = arith.addi %add3A_139, %arg0 : i32
    %mul3A_141 = arith.constant 10240 : i32
    %mul3A_142 = arith.muli %add3A_140, %mul3A_141 : i32
    %mul3A_143 = arith.constant 640 : i32
    %mul3A_144 = arith.muli %arg1, %mul3A_143 : i32
    %add3A_145 = arith.addi %mul3A_142, %mul3A_144 : i32
    "tpu.region"() ({
      %run_scoped3A = tpu.sem_alloc : memref<!tpu.dma_semaphore, #tpu.memory_space<semaphore_mem>>
      %dma_start3A = arith.constant 0 : i32
      %dma_start3A_146 = tpu.memref_slice %arg6[%add3A_145, %dma_start3A] : memref<40960x64xf32, #tpu.memory_space<hbm>> -> memref<640x64xf32, #tpu.memory_space<hbm>>
      %dma_start3A_147 = arith.constant 0 : i32
      %dma_start3A_148 = tpu.memref_slice %arg17[%mul3A_138, %dma_start3A_147] : memref<10240x64xf32, #tpu.memory_space<vmem_shared>> -> memref<640x64xf32, #tpu.memory_space<vmem_shared>>
      tpu.enqueue_dma source(%dma_start3A_148 : memref<640x64xf32, #tpu.memory_space<vmem_shared>>) target(%dma_start3A_146 : memref<640x64xf32, #tpu.memory_space<hbm>>) target_semaphore(%run_scoped3A : memref<!tpu.dma_semaphore, #tpu.memory_space<semaphore_mem>>)
      %dma_wait3A = arith.constant 0 : i32
      %dma_wait3A_149 = tpu.memref_slice %arg6[%add3A_145, %dma_wait3A] : memref<40960x64xf32, #tpu.memory_space<hbm>> -> memref<640x64xf32, #tpu.memory_space<hbm>>
      %dma_wait3A_150 = arith.constant 0 : i32
      %dma_wait3A_151 = tpu.memref_slice %arg17[%mul3A_138, %dma_wait3A_150] : memref<10240x64xf32, #tpu.memory_space<vmem_shared>> -> memref<640x64xf32, #tpu.memory_space<vmem_shared>>
      tpu.wait_dma2 semaphore(%run_scoped3A : memref<!tpu.dma_semaphore, #tpu.memory_space<semaphore_mem>>) src(%dma_wait3A_151 : memref<640x64xf32, #tpu.memory_space<vmem_shared>>) dst(%dma_wait3A_149 : memref<640x64xf32, #tpu.memory_space<hbm>>)
      tpu.yield
    }) : () -> ()
    return
  }
}

#map = affine_map<(d0, d1) -> (0, 0)>
module attributes {stable_mosaic.version = 14 : i64} {
  func.func @k(%arg0: i32, %arg1: i32, %arg2: memref<4096x80xi32, #tpu.memory_space<hbm>>, %arg3: memref<4096x80xi32, #tpu.memory_space<hbm>>, %arg4: memref<4096x80xf32, #tpu.memory_space<hbm>>, %arg5: memref<20000x64xbf16, #tpu.memory_space<hbm>>, %arg6: memref<20480x64xf32, #tpu.memory_space<hbm>>, %arg7: memref<256x80xi32, #tpu.memory_space<vmem>>, %arg8: memref<256x80xi32, #tpu.memory_space<vmem>>, %arg9: memref<256x80xf32, #tpu.memory_space<vmem>>, %arg10: memref<80x64xbf16, #tpu.memory_space<vmem>>, %arg11: memref<80x64xf32, #tpu.memory_space<vmem>>, %arg12: memref<128x64xf32, #tpu.memory_space<vmem>>, %arg13: memref<10240x64xf32, #tpu.memory_space<vmem_shared>>, %arg14: memref<!tpu.dma_semaphore, #tpu.memory_space<semaphore_mem>>) attributes {dimension_semantics = [#tpu.dimension_semantics<core_parallel>, #tpu.dimension_semantics<subcore_parallel>], iteration_bounds = array<i64: 2, 16>, scalar_prefetch = 0 : i64, scratch_operands = 8 : i64, tpu.core_type = #tpu.core_type<sc_vector_subcore>, window_params = [{transform_indices = #map}, {transform_indices = #map}, {transform_indices = #map}, {transform_indices = #map}, {transform_indices = #map}]} {
    %mul3A = arith.constant 256 : i32
    %mul3A_0 = arith.muli %arg1, %mul3A : i32
    "tpu.region"() ({
      %run_scoped3A = tpu.sem_alloc : memref<!tpu.dma_semaphore, #tpu.memory_space<semaphore_mem>>
      %dma_start3A = arith.constant 0 : i32
      %dma_start3A_52 = tpu.memref_slice %arg2[%mul3A_0, %dma_start3A] : memref<4096x80xi32, #tpu.memory_space<hbm>> -> memref<256x80xi32, #tpu.memory_space<hbm>>
      %dma_start3A_53 = arith.constant 0 : i32
      %dma_start3A_54 = tpu.memref_slice %arg2[%mul3A_0, %dma_start3A_53] : memref<4096x80xi32, #tpu.memory_space<hbm>> -> memref<256x80xi32, #tpu.memory_space<hbm>>
      tpu.enqueue_dma source(%dma_start3A_54 : memref<256x80xi32, #tpu.memory_space<hbm>>) target(%arg7 : memref<256x80xi32, #tpu.memory_space<vmem>>) target_semaphore(%run_scoped3A : memref<!tpu.dma_semaphore, #tpu.memory_space<semaphore_mem>>)
      %dma_wait3A = arith.constant 0 : i32
      %dma_wait3A_55 = tpu.memref_slice %arg2[%mul3A_0, %dma_wait3A] : memref<4096x80xi32, #tpu.memory_space<hbm>> -> memref<256x80xi32, #tpu.memory_space<hbm>>
      %dma_wait3A_56 = arith.constant 0 : i32
      %dma_wait3A_57 = tpu.memref_slice %arg2[%mul3A_0, %dma_wait3A_56] : memref<4096x80xi32, #tpu.memory_space<hbm>> -> memref<256x80xi32, #tpu.memory_space<hbm>>
      tpu.wait_dma2 semaphore(%run_scoped3A : memref<!tpu.dma_semaphore, #tpu.memory_space<semaphore_mem>>) src(%dma_wait3A_57 : memref<256x80xi32, #tpu.memory_space<hbm>>) dst(%arg7 : memref<256x80xi32, #tpu.memory_space<vmem>>)
      tpu.yield
    }) : () -> ()
    %mul3A_1 = arith.constant 256 : i32
    %mul3A_2 = arith.muli %arg1, %mul3A_1 : i32
    "tpu.region"() ({
      %run_scoped3A = tpu.sem_alloc : memref<!tpu.dma_semaphore, #tpu.memory_space<semaphore_mem>>
      %dma_start3A = arith.constant 0 : i32
      %dma_start3A_52 = tpu.memref_slice %arg3[%mul3A_2, %dma_start3A] : memref<4096x80xi32, #tpu.memory_space<hbm>> -> memref<256x80xi32, #tpu.memory_space<hbm>>
      %dma_start3A_53 = arith.constant 0 : i32
      %dma_start3A_54 = tpu.memref_slice %arg3[%mul3A_2, %dma_start3A_53] : memref<4096x80xi32, #tpu.memory_space<hbm>> -> memref<256x80xi32, #tpu.memory_space<hbm>>
      tpu.enqueue_dma source(%dma_start3A_54 : memref<256x80xi32, #tpu.memory_space<hbm>>) target(%arg8 : memref<256x80xi32, #tpu.memory_space<vmem>>) target_semaphore(%run_scoped3A : memref<!tpu.dma_semaphore, #tpu.memory_space<semaphore_mem>>)
      %dma_wait3A = arith.constant 0 : i32
      %dma_wait3A_55 = tpu.memref_slice %arg3[%mul3A_2, %dma_wait3A] : memref<4096x80xi32, #tpu.memory_space<hbm>> -> memref<256x80xi32, #tpu.memory_space<hbm>>
      %dma_wait3A_56 = arith.constant 0 : i32
      %dma_wait3A_57 = tpu.memref_slice %arg3[%mul3A_2, %dma_wait3A_56] : memref<4096x80xi32, #tpu.memory_space<hbm>> -> memref<256x80xi32, #tpu.memory_space<hbm>>
      tpu.wait_dma2 semaphore(%run_scoped3A : memref<!tpu.dma_semaphore, #tpu.memory_space<semaphore_mem>>) src(%dma_wait3A_57 : memref<256x80xi32, #tpu.memory_space<hbm>>) dst(%arg8 : memref<256x80xi32, #tpu.memory_space<vmem>>)
      tpu.yield
    }) : () -> ()
    %mul3A_3 = arith.constant 256 : i32
    %mul3A_4 = arith.muli %arg1, %mul3A_3 : i32
    "tpu.region"() ({
      %run_scoped3A = tpu.sem_alloc : memref<!tpu.dma_semaphore, #tpu.memory_space<semaphore_mem>>
      %dma_start3A = arith.constant 0 : i32
      %dma_start3A_52 = tpu.memref_slice %arg4[%mul3A_4, %dma_start3A] : memref<4096x80xf32, #tpu.memory_space<hbm>> -> memref<256x80xf32, #tpu.memory_space<hbm>>
      %dma_start3A_53 = arith.constant 0 : i32
      %dma_start3A_54 = tpu.memref_slice %arg4[%mul3A_4, %dma_start3A_53] : memref<4096x80xf32, #tpu.memory_space<hbm>> -> memref<256x80xf32, #tpu.memory_space<hbm>>
      tpu.enqueue_dma source(%dma_start3A_54 : memref<256x80xf32, #tpu.memory_space<hbm>>) target(%arg9 : memref<256x80xf32, #tpu.memory_space<vmem>>) target_semaphore(%run_scoped3A : memref<!tpu.dma_semaphore, #tpu.memory_space<semaphore_mem>>)
      %dma_wait3A = arith.constant 0 : i32
      %dma_wait3A_55 = tpu.memref_slice %arg4[%mul3A_4, %dma_wait3A] : memref<4096x80xf32, #tpu.memory_space<hbm>> -> memref<256x80xf32, #tpu.memory_space<hbm>>
      %dma_wait3A_56 = arith.constant 0 : i32
      %dma_wait3A_57 = tpu.memref_slice %arg4[%mul3A_4, %dma_wait3A_56] : memref<4096x80xf32, #tpu.memory_space<hbm>> -> memref<256x80xf32, #tpu.memory_space<hbm>>
      tpu.wait_dma2 semaphore(%run_scoped3A : memref<!tpu.dma_semaphore, #tpu.memory_space<semaphore_mem>>) src(%dma_wait3A_57 : memref<256x80xf32, #tpu.memory_space<hbm>>) dst(%arg9 : memref<256x80xf32, #tpu.memory_space<vmem>>)
      tpu.yield
    }) : () -> ()
    %scan3A = arith.constant 0 : i32
    %scan3A_5 = arith.constant 0 : i32
    %scan3A_6 = arith.constant 128 : i32
    %scan3A_7 = arith.addi %scan3A_5, %scan3A_6 : i32
    %scan3A_8 = arith.constant 1 : i32
    %scan3A_9 = scf.for %scan3A_52 = %scan3A_5 to %scan3A_7 step %scan3A_8 iter_args(%scan3A_53 = %scan3A) -> (i32)  : i32 {
      %broadcast_in_dim3A = arith.constant 0.000000e+00 : f32
      %broadcast_in_dim3A_54 = vector.broadcast %broadcast_in_dim3A : f32 to vector<16xf32>
      %swap3A = arith.index_cast %scan3A_52 : i32 to index
      %swap3A_55 = arith.constant 0 : index
      %swap3A_56 = tpu.vector_load %arg12[%swap3A, %swap3A_55] {strides = array<i32>} : memref<128x64xf32, #tpu.memory_space<vmem>>, vector<16xf32>,
      tpu.vector_store %arg12[%swap3A, %swap3A_55], %broadcast_in_dim3A_54 {strides = array<i32>} : memref<128x64xf32, #tpu.memory_space<vmem>>, vector<16xf32>,
      %broadcast_in_dim3A_57 = arith.constant 0.000000e+00 : f32
      %broadcast_in_dim3A_58 = vector.broadcast %broadcast_in_dim3A_57 : f32 to vector<16xf32>
      %swap3A_59 = arith.index_cast %scan3A_52 : i32 to index
      %swap3A_60 = arith.constant 16 : index
      %swap3A_61 = tpu.vector_load %arg12[%swap3A_59, %swap3A_60] {strides = array<i32>} : memref<128x64xf32, #tpu.memory_space<vmem>>, vector<16xf32>,
      tpu.vector_store %arg12[%swap3A_59, %swap3A_60], %broadcast_in_dim3A_58 {strides = array<i32>} : memref<128x64xf32, #tpu.memory_space<vmem>>, vector<16xf32>,
      %broadcast_in_dim3A_62 = arith.constant 0.000000e+00 : f32
      %broadcast_in_dim3A_63 = vector.broadcast %broadcast_in_dim3A_62 : f32 to vector<16xf32>
      %swap3A_64 = arith.index_cast %scan3A_52 : i32 to index
      %swap3A_65 = arith.constant 32 : index
      %swap3A_66 = tpu.vector_load %arg12[%swap3A_64, %swap3A_65] {strides = array<i32>} : memref<128x64xf32, #tpu.memory_space<vmem>>, vector<16xf32>,
      tpu.vector_store %arg12[%swap3A_64, %swap3A_65], %broadcast_in_dim3A_63 {strides = array<i32>} : memref<128x64xf32, #tpu.memory_space<vmem>>, vector<16xf32>,
      %broadcast_in_dim3A_67 = arith.constant 0.000000e+00 : f32
      %broadcast_in_dim3A_68 = vector.broadcast %broadcast_in_dim3A_67 : f32 to vector<16xf32>
      %swap3A_69 = arith.index_cast %scan3A_52 : i32 to index
      %swap3A_70 = arith.constant 48 : index
      %swap3A_71 = tpu.vector_load %arg12[%swap3A_69, %swap3A_70] {strides = array<i32>} : memref<128x64xf32, #tpu.memory_space<vmem>>, vector<16xf32>,
      tpu.vector_store %arg12[%swap3A_69, %swap3A_70], %broadcast_in_dim3A_68 {strides = array<i32>} : memref<128x64xf32, #tpu.memory_space<vmem>>, vector<16xf32>,
      %scan3A_72 = arith.constant 0 : i32
      scf.yield %scan3A_72 : i32
    }
    %scan3A_10 = arith.constant 128 : i32
    %mul3A_11 = arith.constant 640 : i32
    %mul3A_12 = arith.muli %arg1, %mul3A_11 : i32
    %add3A = arith.constant 0 : i32
    %add3A_13 = arith.addi %mul3A_12, %add3A : i32
    "tpu.region"() ({
      %run_scoped3A = tpu.sem_alloc : memref<!tpu.dma_semaphore, #tpu.memory_space<semaphore_mem>>
      %dma_start3A = arith.constant 0 : i32
      %dma_start3A_52 = tpu.memref_slice %arg13[%add3A_13, %dma_start3A] : memref<10240x64xf32, #tpu.memory_space<vmem_shared>> -> memref<128x64xf32, #tpu.memory_space<vmem_shared>>
      %dma_start3A_53 = arith.constant 0 : i32
      %dma_start3A_54 = tpu.memref_slice %arg13[%add3A_13, %dma_start3A_53] : memref<10240x64xf32, #tpu.memory_space<vmem_shared>> -> memref<128x64xf32, #tpu.memory_space<vmem_shared>>
      tpu.enqueue_dma source(%arg12 : memref<128x64xf32, #tpu.memory_space<vmem>>) target(%dma_start3A_54 : memref<128x64xf32, #tpu.memory_space<vmem_shared>>) target_semaphore(%run_scoped3A : memref<!tpu.dma_semaphore, #tpu.memory_space<semaphore_mem>>)
      %dma_wait3A = arith.constant 0 : i32
      %dma_wait3A_55 = tpu.memref_slice %arg13[%add3A_13, %dma_wait3A] : memref<10240x64xf32, #tpu.memory_space<vmem_shared>> -> memref<128x64xf32, #tpu.memory_space<vmem_shared>>
      %dma_wait3A_56 = arith.constant 0 : i32
      %dma_wait3A_57 = tpu.memref_slice %arg13[%add3A_13, %dma_wait3A_56] : memref<10240x64xf32, #tpu.memory_space<vmem_shared>> -> memref<128x64xf32, #tpu.memory_space<vmem_shared>>
      tpu.wait_dma2 semaphore(%run_scoped3A : memref<!tpu.dma_semaphore, #tpu.memory_space<semaphore_mem>>) src(%arg12 : memref<128x64xf32, #tpu.memory_space<vmem>>) dst(%dma_wait3A_57 : memref<128x64xf32, #tpu.memory_space<vmem_shared>>)
      tpu.yield
    }) : () -> ()
    %mul3A_14 = arith.constant 640 : i32
    %mul3A_15 = arith.muli %arg1, %mul3A_14 : i32
    %add3A_16 = arith.constant 128 : i32
    %add3A_17 = arith.addi %mul3A_15, %add3A_16 : i32
    "tpu.region"() ({
      %run_scoped3A = tpu.sem_alloc : memref<!tpu.dma_semaphore, #tpu.memory_space<semaphore_mem>>
      %dma_start3A = arith.constant 0 : i32
      %dma_start3A_52 = tpu.memref_slice %arg13[%add3A_17, %dma_start3A] : memref<10240x64xf32, #tpu.memory_space<vmem_shared>> -> memref<128x64xf32, #tpu.memory_space<vmem_shared>>
      %dma_start3A_53 = arith.constant 0 : i32
      %dma_start3A_54 = tpu.memref_slice %arg13[%add3A_17, %dma_start3A_53] : memref<10240x64xf32, #tpu.memory_space<vmem_shared>> -> memref<128x64xf32, #tpu.memory_space<vmem_shared>>
      tpu.enqueue_dma source(%arg12 : memref<128x64xf32, #tpu.memory_space<vmem>>) target(%dma_start3A_54 : memref<128x64xf32, #tpu.memory_space<vmem_shared>>) target_semaphore(%run_scoped3A : memref<!tpu.dma_semaphore, #tpu.memory_space<semaphore_mem>>)
      %dma_wait3A = arith.constant 0 : i32
      %dma_wait3A_55 = tpu.memref_slice %arg13[%add3A_17, %dma_wait3A] : memref<10240x64xf32, #tpu.memory_space<vmem_shared>> -> memref<128x64xf32, #tpu.memory_space<vmem_shared>>
      %dma_wait3A_56 = arith.constant 0 : i32
      %dma_wait3A_57 = tpu.memref_slice %arg13[%add3A_17, %dma_wait3A_56] : memref<10240x64xf32, #tpu.memory_space<vmem_shared>> -> memref<128x64xf32, #tpu.memory_space<vmem_shared>>
      tpu.wait_dma2 semaphore(%run_scoped3A : memref<!tpu.dma_semaphore, #tpu.memory_space<semaphore_mem>>) src(%arg12 : memref<128x64xf32, #tpu.memory_space<vmem>>) dst(%dma_wait3A_57 : memref<128x64xf32, #tpu.memory_space<vmem_shared>>)
      tpu.yield
    }) : () -> ()
    %mul3A_18 = arith.constant 640 : i32
    %mul3A_19 = arith.muli %arg1, %mul3A_18 : i32
    %add3A_20 = arith.constant 256 : i32
    %add3A_21 = arith.addi %mul3A_19, %add3A_20 : i32
    "tpu.region"() ({
      %run_scoped3A = tpu.sem_alloc : memref<!tpu.dma_semaphore, #tpu.memory_space<semaphore_mem>>
      %dma_start3A = arith.constant 0 : i32
      %dma_start3A_52 = tpu.memref_slice %arg13[%add3A_21, %dma_start3A] : memref<10240x64xf32, #tpu.memory_space<vmem_shared>> -> memref<128x64xf32, #tpu.memory_space<vmem_shared>>
      %dma_start3A_53 = arith.constant 0 : i32
      %dma_start3A_54 = tpu.memref_slice %arg13[%add3A_21, %dma_start3A_53] : memref<10240x64xf32, #tpu.memory_space<vmem_shared>> -> memref<128x64xf32, #tpu.memory_space<vmem_shared>>
      tpu.enqueue_dma source(%arg12 : memref<128x64xf32, #tpu.memory_space<vmem>>) target(%dma_start3A_54 : memref<128x64xf32, #tpu.memory_space<vmem_shared>>) target_semaphore(%run_scoped3A : memref<!tpu.dma_semaphore, #tpu.memory_space<semaphore_mem>>)
      %dma_wait3A = arith.constant 0 : i32
      %dma_wait3A_55 = tpu.memref_slice %arg13[%add3A_21, %dma_wait3A] : memref<10240x64xf32, #tpu.memory_space<vmem_shared>> -> memref<128x64xf32, #tpu.memory_space<vmem_shared>>
      %dma_wait3A_56 = arith.constant 0 : i32
      %dma_wait3A_57 = tpu.memref_slice %arg13[%add3A_21, %dma_wait3A_56] : memref<10240x64xf32, #tpu.memory_space<vmem_shared>> -> memref<128x64xf32, #tpu.memory_space<vmem_shared>>
      tpu.wait_dma2 semaphore(%run_scoped3A : memref<!tpu.dma_semaphore, #tpu.memory_space<semaphore_mem>>) src(%arg12 : memref<128x64xf32, #tpu.memory_space<vmem>>) dst(%dma_wait3A_57 : memref<128x64xf32, #tpu.memory_space<vmem_shared>>)
      tpu.yield
    }) : () -> ()
    %mul3A_22 = arith.constant 640 : i32
    %mul3A_23 = arith.muli %arg1, %mul3A_22 : i32
    %add3A_24 = arith.constant 384 : i32
    %add3A_25 = arith.addi %mul3A_23, %add3A_24 : i32
    "tpu.region"() ({
      %run_scoped3A = tpu.sem_alloc : memref<!tpu.dma_semaphore, #tpu.memory_space<semaphore_mem>>
      %dma_start3A = arith.constant 0 : i32
      %dma_start3A_52 = tpu.memref_slice %arg13[%add3A_25, %dma_start3A] : memref<10240x64xf32, #tpu.memory_space<vmem_shared>> -> memref<128x64xf32, #tpu.memory_space<vmem_shared>>
      %dma_start3A_53 = arith.constant 0 : i32
      %dma_start3A_54 = tpu.memref_slice %arg13[%add3A_25, %dma_start3A_53] : memref<10240x64xf32, #tpu.memory_space<vmem_shared>> -> memref<128x64xf32, #tpu.memory_space<vmem_shared>>
      tpu.enqueue_dma source(%arg12 : memref<128x64xf32, #tpu.memory_space<vmem>>) target(%dma_start3A_54 : memref<128x64xf32, #tpu.memory_space<vmem_shared>>) target_semaphore(%run_scoped3A : memref<!tpu.dma_semaphore, #tpu.memory_space<semaphore_mem>>)
      %dma_wait3A = arith.constant 0 : i32
      %dma_wait3A_55 = tpu.memref_slice %arg13[%add3A_25, %dma_wait3A] : memref<10240x64xf32, #tpu.memory_space<vmem_shared>> -> memref<128x64xf32, #tpu.memory_space<vmem_shared>>
      %dma_wait3A_56 = arith.constant 0 : i32
      %dma_wait3A_57 = tpu.memref_slice %arg13[%add3A_25, %dma_wait3A_56] : memref<10240x64xf32, #tpu.memory_space<vmem_shared>> -> memref<128x64xf32, #tpu.memory_space<vmem_shared>>
      tpu.wait_dma2 semaphore(%run_scoped3A : memref<!tpu.dma_semaphore, #tpu.memory_space<semaphore_mem>>) src(%arg12 : memref<128x64xf32, #tpu.memory_space<vmem>>) dst(%dma_wait3A_57 : memref<128x64xf32, #tpu.memory_space<vmem_shared>>)
      tpu.yield
    }) : () -> ()
    %mul3A_26 = arith.constant 640 : i32
    %mul3A_27 = arith.muli %arg1, %mul3A_26 : i32
    %add3A_28 = arith.constant 512 : i32
    %add3A_29 = arith.addi %mul3A_27, %add3A_28 : i32
    "tpu.region"() ({
      %run_scoped3A = tpu.sem_alloc : memref<!tpu.dma_semaphore, #tpu.memory_space<semaphore_mem>>
      %dma_start3A = arith.constant 0 : i32
      %dma_start3A_52 = tpu.memref_slice %arg13[%add3A_29, %dma_start3A] : memref<10240x64xf32, #tpu.memory_space<vmem_shared>> -> memref<128x64xf32, #tpu.memory_space<vmem_shared>>
      %dma_start3A_53 = arith.constant 0 : i32
      %dma_start3A_54 = tpu.memref_slice %arg13[%add3A_29, %dma_start3A_53] : memref<10240x64xf32, #tpu.memory_space<vmem_shared>> -> memref<128x64xf32, #tpu.memory_space<vmem_shared>>
      tpu.enqueue_dma source(%arg12 : memref<128x64xf32, #tpu.memory_space<vmem>>) target(%dma_start3A_54 : memref<128x64xf32, #tpu.memory_space<vmem_shared>>) target_semaphore(%run_scoped3A : memref<!tpu.dma_semaphore, #tpu.memory_space<semaphore_mem>>)
      %dma_wait3A = arith.constant 0 : i32
      %dma_wait3A_55 = tpu.memref_slice %arg13[%add3A_29, %dma_wait3A] : memref<10240x64xf32, #tpu.memory_space<vmem_shared>> -> memref<128x64xf32, #tpu.memory_space<vmem_shared>>
      %dma_wait3A_56 = arith.constant 0 : i32
      %dma_wait3A_57 = tpu.memref_slice %arg13[%add3A_29, %dma_wait3A_56] : memref<10240x64xf32, #tpu.memory_space<vmem_shared>> -> memref<128x64xf32, #tpu.memory_space<vmem_shared>>
      tpu.wait_dma2 semaphore(%run_scoped3A : memref<!tpu.dma_semaphore, #tpu.memory_space<semaphore_mem>>) src(%arg12 : memref<128x64xf32, #tpu.memory_space<vmem>>) dst(%dma_wait3A_57 : memref<128x64xf32, #tpu.memory_space<vmem_shared>>)
      tpu.yield
    }) : () -> ()
    %scan3A_30 = arith.constant 0 : i32
    %scan3A_31 = arith.constant 0 : i32
    %scan3A_32 = arith.constant 256 : i32
    %scan3A_33 = arith.addi %scan3A_31, %scan3A_32 : i32
    %scan3A_34 = arith.constant 1 : i32
    %scan3A_35 = scf.for %scan3A_52 = %scan3A_31 to %scan3A_33 step %scan3A_34 iter_args(%scan3A_53 = %scan3A_30) -> (i32)  : i32 {
      %get3A = arith.index_cast %scan3A_52 : i32 to index
      %get3A_54 = arith.constant 0 : index
      %get3A_55 = tpu.vector_load %arg7[%get3A, %get3A_54] {strides = array<i32>} : memref<256x80xi32, #tpu.memory_space<vmem>>, vector<16xi32>,
      %mul3A_56 = arith.constant 10000 : i32
      %mul3A_57 = arith.muli %arg0, %mul3A_56 : i32
      %add3A_58 = vector.broadcast %mul3A_57 : i32 to vector<16xi32>
      %add3A_59 = arith.addi %get3A_55, %add3A_58 : vector<16xi32>
      %swap3A = arith.index_cast %scan3A_52 : i32 to index
      %swap3A_60 = arith.constant 0 : index
      %swap3A_61 = tpu.vector_load %arg7[%swap3A, %swap3A_60] {strides = array<i32>} : memref<256x80xi32, #tpu.memory_space<vmem>>, vector<16xi32>,
      tpu.vector_store %arg7[%swap3A, %swap3A_60], %add3A_59 {strides = array<i32>} : memref<256x80xi32, #tpu.memory_space<vmem>>, vector<16xi32>,
      %get3A_62 = arith.index_cast %scan3A_52 : i32 to index
      %get3A_63 = arith.constant 16 : index
      %get3A_64 = tpu.vector_load %arg7[%get3A_62, %get3A_63] {strides = array<i32>} : memref<256x80xi32, #tpu.memory_space<vmem>>, vector<16xi32>,
      %mul3A_65 = arith.constant 10000 : i32
      %mul3A_66 = arith.muli %arg0, %mul3A_65 : i32
      %add3A_67 = vector.broadcast %mul3A_66 : i32 to vector<16xi32>
      %add3A_68 = arith.addi %get3A_64, %add3A_67 : vector<16xi32>
      %swap3A_69 = arith.index_cast %scan3A_52 : i32 to index
      %swap3A_70 = arith.constant 16 : index
      %swap3A_71 = tpu.vector_load %arg7[%swap3A_69, %swap3A_70] {strides = array<i32>} : memref<256x80xi32, #tpu.memory_space<vmem>>, vector<16xi32>,
      tpu.vector_store %arg7[%swap3A_69, %swap3A_70], %add3A_68 {strides = array<i32>} : memref<256x80xi32, #tpu.memory_space<vmem>>, vector<16xi32>,
      %get3A_72 = arith.index_cast %scan3A_52 : i32 to index
      %get3A_73 = arith.constant 32 : index
      %get3A_74 = tpu.vector_load %arg7[%get3A_72, %get3A_73] {strides = array<i32>} : memref<256x80xi32, #tpu.memory_space<vmem>>, vector<16xi32>,
      %mul3A_75 = arith.constant 10000 : i32
      %mul3A_76 = arith.muli %arg0, %mul3A_75 : i32
      %add3A_77 = vector.broadcast %mul3A_76 : i32 to vector<16xi32>
      %add3A_78 = arith.addi %get3A_74, %add3A_77 : vector<16xi32>
      %swap3A_79 = arith.index_cast %scan3A_52 : i32 to index
      %swap3A_80 = arith.constant 32 : index
      %swap3A_81 = tpu.vector_load %arg7[%swap3A_79, %swap3A_80] {strides = array<i32>} : memref<256x80xi32, #tpu.memory_space<vmem>>, vector<16xi32>,
      tpu.vector_store %arg7[%swap3A_79, %swap3A_80], %add3A_78 {strides = array<i32>} : memref<256x80xi32, #tpu.memory_space<vmem>>, vector<16xi32>,
      %get3A_82 = arith.index_cast %scan3A_52 : i32 to index
      %get3A_83 = arith.constant 48 : index
      %get3A_84 = tpu.vector_load %arg7[%get3A_82, %get3A_83] {strides = array<i32>} : memref<256x80xi32, #tpu.memory_space<vmem>>, vector<16xi32>,
      %mul3A_85 = arith.constant 10000 : i32
      %mul3A_86 = arith.muli %arg0, %mul3A_85 : i32
      %add3A_87 = vector.broadcast %mul3A_86 : i32 to vector<16xi32>
      %add3A_88 = arith.addi %get3A_84, %add3A_87 : vector<16xi32>
      %swap3A_89 = arith.index_cast %scan3A_52 : i32 to index
      %swap3A_90 = arith.constant 48 : index
      %swap3A_91 = tpu.vector_load %arg7[%swap3A_89, %swap3A_90] {strides = array<i32>} : memref<256x80xi32, #tpu.memory_space<vmem>>, vector<16xi32>,
      tpu.vector_store %arg7[%swap3A_89, %swap3A_90], %add3A_88 {strides = array<i32>} : memref<256x80xi32, #tpu.memory_space<vmem>>, vector<16xi32>,
      %get3A_92 = arith.index_cast %scan3A_52 : i32 to index
      %get3A_93 = arith.constant 64 : index
      %get3A_94 = tpu.vector_load %arg7[%get3A_92, %get3A_93] {strides = array<i32>} : memref<256x80xi32, #tpu.memory_space<vmem>>, vector<16xi32>,
      %mul3A_95 = arith.constant 10000 : i32
      %mul3A_96 = arith.muli %arg0, %mul3A_95 : i32
      %add3A_97 = vector.broadcast %mul3A_96 : i32 to vector<16xi32>
      %add3A_98 = arith.addi %get3A_94, %add3A_97 : vector<16xi32>
      %swap3A_99 = arith.index_cast %scan3A_52 : i32 to index
      %swap3A_100 = arith.constant 64 : index
      %swap3A_101 = tpu.vector_load %arg7[%swap3A_99, %swap3A_100] {strides = array<i32>} : memref<256x80xi32, #tpu.memory_space<vmem>>, vector<16xi32>,
      tpu.vector_store %arg7[%swap3A_99, %swap3A_100], %add3A_98 {strides = array<i32>} : memref<256x80xi32, #tpu.memory_space<vmem>>, vector<16xi32>,
      %scan3A_102 = arith.constant 0 : i32
      scf.yield %scan3A_102 : i32
    }
    %scan3A_36 = arith.constant 256 : i32
    %barrier3A = arith.constant 0 : index
    tpu.barrier barrier_id(%barrier3A)
    %scan3A_37 = arith.constant 0 : i32
    %scan3A_38 = arith.constant 0 : i32
    %scan3A_39 = arith.constant 256 : i32
    %scan3A_40 = arith.addi %scan3A_38, %scan3A_39 : i32
    %scan3A_41 = arith.constant 1 : i32
    %scan3A_42 = scf.for %scan3A_52 = %scan3A_38 to %scan3A_40 step %scan3A_41 iter_args(%scan3A_53 = %scan3A_37) -> (i32)  : i32 {
      %dma_start3A = arith.constant 0 : i32
      %dma_start3A_54 = tpu.memref_slice %arg7[%scan3A_52, %dma_start3A] : memref<256x80xi32, #tpu.memory_space<vmem>> -> memref<1x80xi32, #tpu.memory_space<vmem>>
      %dma_start3A_55 = tpu.memref_squeeze %dma_start3A_54 : memref<1x80xi32, #tpu.memory_space<vmem>> -> memref<80xi32, #tpu.memory_space<vmem>>
      %dma_start3A_56 = arith.constant 0 : i32
      %dma_start3A_57 = arith.constant 0 : i32
      %dma_start3A_58 = tpu.memref_slice %arg5[%dma_start3A_56, %dma_start3A_57] : memref<20000x64xbf16, #tpu.memory_space<hbm>> -> memref<20000x64xbf16, #tpu.memory_space<hbm>>
      tpu.enqueue_indirect_dma source(%dma_start3A_58 : memref<20000x64xbf16, #tpu.memory_space<hbm>>) target(%arg10 : memref<80x64xbf16, #tpu.memory_space<vmem>>) offsets(%dma_start3A_55 : memref<80xi32, #tpu.memory_space<vmem>>) semaphore(%arg14 : memref<!tpu.dma_semaphore, #tpu.memory_space<semaphore_mem>>)
      %dma_wait3A = arith.constant 0 : i32
      %dma_wait3A_59 = tpu.memref_slice %arg7[%scan3A_52, %dma_wait3A] : memref<256x80xi32, #tpu.memory_space<vmem>> -> memref<1x80xi32, #tpu.memory_space<vmem>>
      %dma_wait3A_60 = tpu.memref_squeeze %dma_wait3A_59 : memref<1x80xi32, #tpu.memory_space<vmem>> -> memref<80xi32, #tpu.memory_space<vmem>>
      %dma_wait3A_61 = arith.constant 0 : i32
      %dma_wait3A_62 = arith.constant 0 : i32
      %dma_wait3A_63 = tpu.memref_slice %arg5[%dma_wait3A_61, %dma_wait3A_62] : memref<20000x64xbf16, #tpu.memory_space<hbm>> -> memref<20000x64xbf16, #tpu.memory_space<hbm>>
      tpu.wait_indirect_dma semaphore(%arg14 : memref<!tpu.dma_semaphore, #tpu.memory_space<semaphore_mem>>) src(%dma_wait3A_63 : memref<20000x64xbf16, #tpu.memory_space<hbm>>) dst(%arg10 : memref<80x64xbf16, #tpu.memory_space<vmem>>)
      %scan3A_64 = arith.constant 0 : i32
      %scan3A_65 = arith.constant 0 : i32
      %scan3A_66 = arith.constant 20 : i32
      %scan3A_67 = arith.addi %scan3A_65, %scan3A_66 : i32
      %scan3A_68 = arith.constant 1 : i32
      %scan3A_69 = scf.for %scan3A_72 = %scan3A_65 to %scan3A_67 step %scan3A_68 iter_args(%scan3A_73 = %scan3A_64) -> (i32)  : i32 {
        %mul3A_74 = arith.constant 4 : i32
        %mul3A_75 = arith.muli %scan3A_72, %mul3A_74 : i32
        %add3A_76 = arith.constant 0 : i32
        %add3A_77 = arith.addi %mul3A_75, %add3A_76 : i32
        %broadcast_in_dim3A = vector.broadcast %add3A_77 : i32 to vector<16xi32>
        %gather3A = arith.constant 0 : i32
        %gather3A_78 = tpu.memref_slice %arg9[%scan3A_52, %gather3A] : memref<256x80xf32, #tpu.memory_space<vmem>> -> memref<1x80xf32, #tpu.memory_space<vmem>>
        %gather3A_79 = tpu.memref_squeeze %gather3A_78 : memref<1x80xf32, #tpu.memory_space<vmem>> -> memref<80xf32, #tpu.memory_space<vmem>>
        %gather3A_80 = tpu.vector_load_idx %gather3A_79[%broadcast_in_dim3A] : memref<80xf32, #tpu.memory_space<vmem>>[vector<16xi32>], vector<16xf32>,
        %get3A = arith.index_cast %add3A_77 : i32 to index
        %get3A_81 = arith.constant 0 : index
        %get3A_82 = tpu.vector_load %arg10[%get3A, %get3A_81] {strides = array<i32>} : memref<80x64xbf16, #tpu.memory_space<vmem>>, vector<32xbf16>,
        %unpack3A = tpu.unpack_subelements %get3A_82, 0 {pack_format = #tpu.pack_format<interleaved>} : vector<32xbf16> -> vector<16xf32>
        %unpack3A_83 = tpu.unpack_subelements %get3A_82, 1 {pack_format = #tpu.pack_format<interleaved>} : vector<32xbf16> -> vector<16xf32>
        %mul3A_84 = arith.mulf %unpack3A, %gather3A_80 : vector<16xf32>
        %swap3A = arith.index_cast %add3A_77 : i32 to index
        %swap3A_85 = arith.constant 0 : index
        %swap3A_86 = tpu.vector_load %arg11[%swap3A, %swap3A_85] {strides = array<i32>} : memref<80x64xf32, #tpu.memory_space<vmem>>, vector<16xf32>,
        tpu.vector_store %arg11[%swap3A, %swap3A_85], %mul3A_84 {strides = array<i32>} : memref<80x64xf32, #tpu.memory_space<vmem>>, vector<16xf32>,
        %mul3A_87 = arith.mulf %unpack3A_83, %gather3A_80 : vector<16xf32>
        %swap3A_88 = arith.index_cast %add3A_77 : i32 to index
        %swap3A_89 = arith.constant 16 : index
        %swap3A_90 = tpu.vector_load %arg11[%swap3A_88, %swap3A_89] {strides = array<i32>} : memref<80x64xf32, #tpu.memory_space<vmem>>, vector<16xf32>,
        tpu.vector_store %arg11[%swap3A_88, %swap3A_89], %mul3A_87 {strides = array<i32>} : memref<80x64xf32, #tpu.memory_space<vmem>>, vector<16xf32>,
        %get3A_91 = arith.index_cast %add3A_77 : i32 to index
        %get3A_92 = arith.constant 32 : index
        %get3A_93 = tpu.vector_load %arg10[%get3A_91, %get3A_92] {strides = array<i32>} : memref<80x64xbf16, #tpu.memory_space<vmem>>, vector<32xbf16>,
        %unpack3A_94 = tpu.unpack_subelements %get3A_93, 0 {pack_format = #tpu.pack_format<interleaved>} : vector<32xbf16> -> vector<16xf32>
        %unpack3A_95 = tpu.unpack_subelements %get3A_93, 1 {pack_format = #tpu.pack_format<interleaved>} : vector<32xbf16> -> vector<16xf32>
        %mul3A_96 = arith.mulf %unpack3A_94, %gather3A_80 : vector<16xf32>
        %swap3A_97 = arith.index_cast %add3A_77 : i32 to index
        %swap3A_98 = arith.constant 32 : index
        %swap3A_99 = tpu.vector_load %arg11[%swap3A_97, %swap3A_98] {strides = array<i32>} : memref<80x64xf32, #tpu.memory_space<vmem>>, vector<16xf32>,
        tpu.vector_store %arg11[%swap3A_97, %swap3A_98], %mul3A_96 {strides = array<i32>} : memref<80x64xf32, #tpu.memory_space<vmem>>, vector<16xf32>,
        %mul3A_100 = arith.mulf %unpack3A_95, %gather3A_80 : vector<16xf32>
        %swap3A_101 = arith.index_cast %add3A_77 : i32 to index
        %swap3A_102 = arith.constant 48 : index
        %swap3A_103 = tpu.vector_load %arg11[%swap3A_101, %swap3A_102] {strides = array<i32>} : memref<80x64xf32, #tpu.memory_space<vmem>>, vector<16xf32>,
        tpu.vector_store %arg11[%swap3A_101, %swap3A_102], %mul3A_100 {strides = array<i32>} : memref<80x64xf32, #tpu.memory_space<vmem>>, vector<16xf32>,
        %mul3A_104 = arith.constant 4 : i32
        %mul3A_105 = arith.muli %scan3A_72, %mul3A_104 : i32
        %add3A_106 = arith.constant 1 : i32
        %add3A_107 = arith.addi %mul3A_105, %add3A_106 : i32
        %broadcast_in_dim3A_108 = vector.broadcast %add3A_107 : i32 to vector<16xi32>
        %gather3A_109 = arith.constant 0 : i32
        %gather3A_110 = tpu.memref_slice %arg9[%scan3A_52, %gather3A_109] : memref<256x80xf32, #tpu.memory_space<vmem>> -> memref<1x80xf32, #tpu.memory_space<vmem>>
        %gather3A_111 = tpu.memref_squeeze %gather3A_110 : memref<1x80xf32, #tpu.memory_space<vmem>> -> memref<80xf32, #tpu.memory_space<vmem>>
        %gather3A_112 = tpu.vector_load_idx %gather3A_111[%broadcast_in_dim3A_108] : memref<80xf32, #tpu.memory_space<vmem>>[vector<16xi32>], vector<16xf32>,
        %get3A_113 = arith.index_cast %add3A_107 : i32 to index
        %get3A_114 = arith.constant 0 : index
        %get3A_115 = tpu.vector_load %arg10[%get3A_113, %get3A_114] {strides = array<i32>} : memref<80x64xbf16, #tpu.memory_space<vmem>>, vector<32xbf16>,
        %unpack3A_116 = tpu.unpack_subelements %get3A_115, 0 {pack_format = #tpu.pack_format<interleaved>} : vector<32xbf16> -> vector<16xf32>
        %unpack3A_117 = tpu.unpack_subelements %get3A_115, 1 {pack_format = #tpu.pack_format<interleaved>} : vector<32xbf16> -> vector<16xf32>
        %mul3A_118 = arith.mulf %unpack3A_116, %gather3A_112 : vector<16xf32>
        %swap3A_119 = arith.index_cast %add3A_107 : i32 to index
        %swap3A_120 = arith.constant 0 : index
        %swap3A_121 = tpu.vector_load %arg11[%swap3A_119, %swap3A_120] {strides = array<i32>} : memref<80x64xf32, #tpu.memory_space<vmem>>, vector<16xf32>,
        tpu.vector_store %arg11[%swap3A_119, %swap3A_120], %mul3A_118 {strides = array<i32>} : memref<80x64xf32, #tpu.memory_space<vmem>>, vector<16xf32>,
        %mul3A_122 = arith.mulf %unpack3A_117, %gather3A_112 : vector<16xf32>
        %swap3A_123 = arith.index_cast %add3A_107 : i32 to index
        %swap3A_124 = arith.constant 16 : index
        %swap3A_125 = tpu.vector_load %arg11[%swap3A_123, %swap3A_124] {strides = array<i32>} : memref<80x64xf32, #tpu.memory_space<vmem>>, vector<16xf32>,
        tpu.vector_store %arg11[%swap3A_123, %swap3A_124], %mul3A_122 {strides = array<i32>} : memref<80x64xf32, #tpu.memory_space<vmem>>, vector<16xf32>,
        %get3A_126 = arith.index_cast %add3A_107 : i32 to index
        %get3A_127 = arith.constant 32 : index
        %get3A_128 = tpu.vector_load %arg10[%get3A_126, %get3A_127] {strides = array<i32>} : memref<80x64xbf16, #tpu.memory_space<vmem>>, vector<32xbf16>,
        %unpack3A_129 = tpu.unpack_subelements %get3A_128, 0 {pack_format = #tpu.pack_format<interleaved>} : vector<32xbf16> -> vector<16xf32>
        %unpack3A_130 = tpu.unpack_subelements %get3A_128, 1 {pack_format = #tpu.pack_format<interleaved>} : vector<32xbf16> -> vector<16xf32>
        %mul3A_131 = arith.mulf %unpack3A_129, %gather3A_112 : vector<16xf32>
        %swap3A_132 = arith.index_cast %add3A_107 : i32 to index
        %swap3A_133 = arith.constant 32 : index
        %swap3A_134 = tpu.vector_load %arg11[%swap3A_132, %swap3A_133] {strides = array<i32>} : memref<80x64xf32, #tpu.memory_space<vmem>>, vector<16xf32>,
        tpu.vector_store %arg11[%swap3A_132, %swap3A_133], %mul3A_131 {strides = array<i32>} : memref<80x64xf32, #tpu.memory_space<vmem>>, vector<16xf32>,
        %mul3A_135 = arith.mulf %unpack3A_130, %gather3A_112 : vector<16xf32>
        %swap3A_136 = arith.index_cast %add3A_107 : i32 to index
        %swap3A_137 = arith.constant 48 : index
        %swap3A_138 = tpu.vector_load %arg11[%swap3A_136, %swap3A_137] {strides = array<i32>} : memref<80x64xf32, #tpu.memory_space<vmem>>, vector<16xf32>,
        tpu.vector_store %arg11[%swap3A_136, %swap3A_137], %mul3A_135 {strides = array<i32>} : memref<80x64xf32, #tpu.memory_space<vmem>>, vector<16xf32>,
        %mul3A_139 = arith.constant 4 : i32
        %mul3A_140 = arith.muli %scan3A_72, %mul3A_139 : i32
        %add3A_141 = arith.constant 2 : i32
        %add3A_142 = arith.addi %mul3A_140, %add3A_141 : i32
        %broadcast_in_dim3A_143 = vector.broadcast %add3A_142 : i32 to vector<16xi32>
        %gather3A_144 = arith.constant 0 : i32
        %gather3A_145 = tpu.memref_slice %arg9[%scan3A_52, %gather3A_144] : memref<256x80xf32, #tpu.memory_space<vmem>> -> memref<1x80xf32, #tpu.memory_space<vmem>>
        %gather3A_146 = tpu.memref_squeeze %gather3A_145 : memref<1x80xf32, #tpu.memory_space<vmem>> -> memref<80xf32, #tpu.memory_space<vmem>>
        %gather3A_147 = tpu.vector_load_idx %gather3A_146[%broadcast_in_dim3A_143] : memref<80xf32, #tpu.memory_space<vmem>>[vector<16xi32>], vector<16xf32>,
        %get3A_148 = arith.index_cast %add3A_142 : i32 to index
        %get3A_149 = arith.constant 0 : index
        %get3A_150 = tpu.vector_load %arg10[%get3A_148, %get3A_149] {strides = array<i32>} : memref<80x64xbf16, #tpu.memory_space<vmem>>, vector<32xbf16>,
        %unpack3A_151 = tpu.unpack_subelements %get3A_150, 0 {pack_format = #tpu.pack_format<interleaved>} : vector<32xbf16> -> vector<16xf32>
        %unpack3A_152 = tpu.unpack_subelements %get3A_150, 1 {pack_format = #tpu.pack_format<interleaved>} : vector<32xbf16> -> vector<16xf32>
        %mul3A_153 = arith.mulf %unpack3A_151, %gather3A_147 : vector<16xf32>
        %swap3A_154 = arith.index_cast %add3A_142 : i32 to index
        %swap3A_155 = arith.constant 0 : index
        %swap3A_156 = tpu.vector_load %arg11[%swap3A_154, %swap3A_155] {strides = array<i32>} : memref<80x64xf32, #tpu.memory_space<vmem>>, vector<16xf32>,
        tpu.vector_store %arg11[%swap3A_154, %swap3A_155], %mul3A_153 {strides = array<i32>} : memref<80x64xf32, #tpu.memory_space<vmem>>, vector<16xf32>,
        %mul3A_157 = arith.mulf %unpack3A_152, %gather3A_147 : vector<16xf32>
        %swap3A_158 = arith.index_cast %add3A_142 : i32 to index
        %swap3A_159 = arith.constant 16 : index
        %swap3A_160 = tpu.vector_load %arg11[%swap3A_158, %swap3A_159] {strides = array<i32>} : memref<80x64xf32, #tpu.memory_space<vmem>>, vector<16xf32>,
        tpu.vector_store %arg11[%swap3A_158, %swap3A_159], %mul3A_157 {strides = array<i32>} : memref<80x64xf32, #tpu.memory_space<vmem>>, vector<16xf32>,
        %get3A_161 = arith.index_cast %add3A_142 : i32 to index
        %get3A_162 = arith.constant 32 : index
        %get3A_163 = tpu.vector_load %arg10[%get3A_161, %get3A_162] {strides = array<i32>} : memref<80x64xbf16, #tpu.memory_space<vmem>>, vector<32xbf16>,
        %unpack3A_164 = tpu.unpack_subelements %get3A_163, 0 {pack_format = #tpu.pack_format<interleaved>} : vector<32xbf16> -> vector<16xf32>
        %unpack3A_165 = tpu.unpack_subelements %get3A_163, 1 {pack_format = #tpu.pack_format<interleaved>} : vector<32xbf16> -> vector<16xf32>
        %mul3A_166 = arith.mulf %unpack3A_164, %gather3A_147 : vector<16xf32>
        %swap3A_167 = arith.index_cast %add3A_142 : i32 to index
        %swap3A_168 = arith.constant 32 : index
        %swap3A_169 = tpu.vector_load %arg11[%swap3A_167, %swap3A_168] {strides = array<i32>} : memref<80x64xf32, #tpu.memory_space<vmem>>, vector<16xf32>,
        tpu.vector_store %arg11[%swap3A_167, %swap3A_168], %mul3A_166 {strides = array<i32>} : memref<80x64xf32, #tpu.memory_space<vmem>>, vector<16xf32>,
        %mul3A_170 = arith.mulf %unpack3A_165, %gather3A_147 : vector<16xf32>
        %swap3A_171 = arith.index_cast %add3A_142 : i32 to index
        %swap3A_172 = arith.constant 48 : index
        %swap3A_173 = tpu.vector_load %arg11[%swap3A_171, %swap3A_172] {strides = array<i32>} : memref<80x64xf32, #tpu.memory_space<vmem>>, vector<16xf32>,
        tpu.vector_store %arg11[%swap3A_171, %swap3A_172], %mul3A_170 {strides = array<i32>} : memref<80x64xf32, #tpu.memory_space<vmem>>, vector<16xf32>,
        %mul3A_174 = arith.constant 4 : i32
        %mul3A_175 = arith.muli %scan3A_72, %mul3A_174 : i32
        %add3A_176 = arith.constant 3 : i32
        %add3A_177 = arith.addi %mul3A_175, %add3A_176 : i32
        %broadcast_in_dim3A_178 = vector.broadcast %add3A_177 : i32 to vector<16xi32>
        %gather3A_179 = arith.constant 0 : i32
        %gather3A_180 = tpu.memref_slice %arg9[%scan3A_52, %gather3A_179] : memref<256x80xf32, #tpu.memory_space<vmem>> -> memref<1x80xf32, #tpu.memory_space<vmem>>
        %gather3A_181 = tpu.memref_squeeze %gather3A_180 : memref<1x80xf32, #tpu.memory_space<vmem>> -> memref<80xf32, #tpu.memory_space<vmem>>
        %gather3A_182 = tpu.vector_load_idx %gather3A_181[%broadcast_in_dim3A_178] : memref<80xf32, #tpu.memory_space<vmem>>[vector<16xi32>], vector<16xf32>,
        %get3A_183 = arith.index_cast %add3A_177 : i32 to index
        %get3A_184 = arith.constant 0 : index
        %get3A_185 = tpu.vector_load %arg10[%get3A_183, %get3A_184] {strides = array<i32>} : memref<80x64xbf16, #tpu.memory_space<vmem>>, vector<32xbf16>,
        %unpack3A_186 = tpu.unpack_subelements %get3A_185, 0 {pack_format = #tpu.pack_format<interleaved>} : vector<32xbf16> -> vector<16xf32>
        %unpack3A_187 = tpu.unpack_subelements %get3A_185, 1 {pack_format = #tpu.pack_format<interleaved>} : vector<32xbf16> -> vector<16xf32>
        %mul3A_188 = arith.mulf %unpack3A_186, %gather3A_182 : vector<16xf32>
        %swap3A_189 = arith.index_cast %add3A_177 : i32 to index
        %swap3A_190 = arith.constant 0 : index
        %swap3A_191 = tpu.vector_load %arg11[%swap3A_189, %swap3A_190] {strides = array<i32>} : memref<80x64xf32, #tpu.memory_space<vmem>>, vector<16xf32>,
        tpu.vector_store %arg11[%swap3A_189, %swap3A_190], %mul3A_188 {strides = array<i32>} : memref<80x64xf32, #tpu.memory_space<vmem>>, vector<16xf32>,
        %mul3A_192 = arith.mulf %unpack3A_187, %gather3A_182 : vector<16xf32>
        %swap3A_193 = arith.index_cast %add3A_177 : i32 to index
        %swap3A_194 = arith.constant 16 : index
        %swap3A_195 = tpu.vector_load %arg11[%swap3A_193, %swap3A_194] {strides = array<i32>} : memref<80x64xf32, #tpu.memory_space<vmem>>, vector<16xf32>,
        tpu.vector_store %arg11[%swap3A_193, %swap3A_194], %mul3A_192 {strides = array<i32>} : memref<80x64xf32, #tpu.memory_space<vmem>>, vector<16xf32>,
        %get3A_196 = arith.index_cast %add3A_177 : i32 to index
        %get3A_197 = arith.constant 32 : index
        %get3A_198 = tpu.vector_load %arg10[%get3A_196, %get3A_197] {strides = array<i32>} : memref<80x64xbf16, #tpu.memory_space<vmem>>, vector<32xbf16>,
        %unpack3A_199 = tpu.unpack_subelements %get3A_198, 0 {pack_format = #tpu.pack_format<interleaved>} : vector<32xbf16> -> vector<16xf32>
        %unpack3A_200 = tpu.unpack_subelements %get3A_198, 1 {pack_format = #tpu.pack_format<interleaved>} : vector<32xbf16> -> vector<16xf32>
        %mul3A_201 = arith.mulf %unpack3A_199, %gather3A_182 : vector<16xf32>
        %swap3A_202 = arith.index_cast %add3A_177 : i32 to index
        %swap3A_203 = arith.constant 32 : index
        %swap3A_204 = tpu.vector_load %arg11[%swap3A_202, %swap3A_203] {strides = array<i32>} : memref<80x64xf32, #tpu.memory_space<vmem>>, vector<16xf32>,
        tpu.vector_store %arg11[%swap3A_202, %swap3A_203], %mul3A_201 {strides = array<i32>} : memref<80x64xf32, #tpu.memory_space<vmem>>, vector<16xf32>,
        %mul3A_205 = arith.mulf %unpack3A_200, %gather3A_182 : vector<16xf32>
        %swap3A_206 = arith.index_cast %add3A_177 : i32 to index
        %swap3A_207 = arith.constant 48 : index
        %swap3A_208 = tpu.vector_load %arg11[%swap3A_206, %swap3A_207] {strides = array<i32>} : memref<80x64xf32, #tpu.memory_space<vmem>>, vector<16xf32>,
        tpu.vector_store %arg11[%swap3A_206, %swap3A_207], %mul3A_205 {strides = array<i32>} : memref<80x64xf32, #tpu.memory_space<vmem>>, vector<16xf32>,
        %scan3A_209 = arith.constant 0 : i32
        scf.yield %scan3A_209 : i32
      }
      %scan3A_70 = arith.constant 20 : i32
      "tpu.region"() ({
        %run_scoped3A = tpu.sem_alloc : memref<!tpu.dma_semaphore, #tpu.memory_space<semaphore_mem>>
        %dma_start3A_72 = arith.constant 0 : i32
        %dma_start3A_73 = tpu.memref_slice %arg8[%scan3A_52, %dma_start3A_72] : memref<256x80xi32, #tpu.memory_space<vmem>> -> memref<1x80xi32, #tpu.memory_space<vmem>>
        %dma_start3A_74 = tpu.memref_squeeze %dma_start3A_73 : memref<1x80xi32, #tpu.memory_space<vmem>> -> memref<80xi32, #tpu.memory_space<vmem>>
        %dma_start3A_75 = arith.constant 0 : i32
        %dma_start3A_76 = arith.constant 0 : i32
        %dma_start3A_77 = tpu.memref_slice %arg13[%dma_start3A_75, %dma_start3A_76] : memref<10240x64xf32, #tpu.memory_space<vmem_shared>> -> memref<10240x64xf32, #tpu.memory_space<vmem_shared>>
        tpu.enqueue_indirect_dma source(%arg11 : memref<80x64xf32, #tpu.memory_space<vmem>>) target(%dma_start3A_77 : memref<10240x64xf32, #tpu.memory_space<vmem_shared>>) offsets(%dma_start3A_74 : memref<80xi32, #tpu.memory_space<vmem>>) semaphore(%run_scoped3A : memref<!tpu.dma_semaphore, #tpu.memory_space<semaphore_mem>>) {add = true}
        %dma_wait3A_78 = arith.constant 0 : i32
        %dma_wait3A_79 = tpu.memref_slice %arg8[%scan3A_52, %dma_wait3A_78] : memref<256x80xi32, #tpu.memory_space<vmem>> -> memref<1x80xi32, #tpu.memory_space<vmem>>
        %dma_wait3A_80 = tpu.memref_squeeze %dma_wait3A_79 : memref<1x80xi32, #tpu.memory_space<vmem>> -> memref<80xi32, #tpu.memory_space<vmem>>
        %dma_wait3A_81 = arith.constant 0 : i32
        %dma_wait3A_82 = arith.constant 0 : i32
        %dma_wait3A_83 = tpu.memref_slice %arg13[%dma_wait3A_81, %dma_wait3A_82] : memref<10240x64xf32, #tpu.memory_space<vmem_shared>> -> memref<10240x64xf32, #tpu.memory_space<vmem_shared>>
        tpu.wait_indirect_dma semaphore(%run_scoped3A : memref<!tpu.dma_semaphore, #tpu.memory_space<semaphore_mem>>) src(%arg11 : memref<80x64xf32, #tpu.memory_space<vmem>>) dst(%dma_wait3A_83 : memref<10240x64xf32, #tpu.memory_space<vmem_shared>>)
        tpu.yield
      }) : () -> ()
      %scan3A_71 = arith.constant 0 : i32
      scf.yield %scan3A_71 : i32
    }
    %scan3A_43 = arith.constant 256 : i32
    %barrier3A_44 = arith.constant 0 : index
    tpu.barrier barrier_id(%barrier3A_44)
    %mul3A_45 = arith.constant 640 : i32
    %mul3A_46 = arith.muli %arg1, %mul3A_45 : i32
    %mul3A_47 = arith.constant 10240 : i32
    %mul3A_48 = arith.muli %arg0, %mul3A_47 : i32
    %mul3A_49 = arith.constant 640 : i32
    %mul3A_50 = arith.muli %arg1, %mul3A_49 : i32
    %add3A_51 = arith.addi %mul3A_48, %mul3A_50 : i32
    "tpu.region"() ({
      %run_scoped3A = tpu.sem_alloc : memref<!tpu.dma_semaphore, #tpu.memory_space<semaphore_mem>>
      %dma_start3A = arith.constant 0 : i32
      %dma_start3A_52 = tpu.memref_slice %arg6[%add3A_51, %dma_start3A] : memref<20480x64xf32, #tpu.memory_space<hbm>> -> memref<640x64xf32, #tpu.memory_space<hbm>>
      %dma_start3A_53 = arith.constant 0 : i32
      %dma_start3A_54 = tpu.memref_slice %arg13[%mul3A_46, %dma_start3A_53] : memref<10240x64xf32, #tpu.memory_space<vmem_shared>> -> memref<640x64xf32, #tpu.memory_space<vmem_shared>>
      tpu.enqueue_dma source(%dma_start3A_54 : memref<640x64xf32, #tpu.memory_space<vmem_shared>>) target(%dma_start3A_52 : memref<640x64xf32, #tpu.memory_space<hbm>>) target_semaphore(%run_scoped3A : memref<!tpu.dma_semaphore, #tpu.memory_space<semaphore_mem>>)
      %dma_wait3A = arith.constant 0 : i32
      %dma_wait3A_55 = tpu.memref_slice %arg6[%add3A_51, %dma_wait3A] : memref<20480x64xf32, #tpu.memory_space<hbm>> -> memref<640x64xf32, #tpu.memory_space<hbm>>
      %dma_wait3A_56 = arith.constant 0 : i32
      %dma_wait3A_57 = tpu.memref_slice %arg13[%mul3A_46, %dma_wait3A_56] : memref<10240x64xf32, #tpu.memory_space<vmem_shared>> -> memref<640x64xf32, #tpu.memory_space<vmem_shared>>
      tpu.wait_dma2 semaphore(%run_scoped3A : memref<!tpu.dma_semaphore, #tpu.memory_space<semaphore_mem>>) src(%dma_wait3A_57 : memref<640x64xf32, #tpu.memory_space<vmem_shared>>) dst(%dma_wait3A_55 : memref<640x64xf32, #tpu.memory_space<hbm>>)
      tpu.yield
    }) : () -> ()
    return
  }
}

module attributes {stable_mosaic.version = 14 : i64} {
  func.func @body(%arg0: i32, %arg1: memref<1000x128xf32, #tpu.memory_space<vmem>>, %arg2: memref<1000x128xf32, #tpu.memory_space<vmem>>, %arg3: memref<1000x128xf32, #tpu.memory_space<vmem>>, %arg4: memref<1000x128xf32, #tpu.memory_space<vmem>>, %arg5: memref<1000x1xf32, #tpu.memory_space<vmem>>, %arg6: memref<256x256xf32, #tpu.memory_space<vmem>>, %arg7: memref<1x256xf32, #tpu.memory_space<vmem>>, %arg8: memref<128x128xf32, #tpu.memory_space<vmem>>, %arg9: memref<1x128xf32, #tpu.memory_space<vmem>>, %arg10: memref<1000x128xf32, #tpu.memory_space<vmem>>, %arg11: memref<1000x128xf32, #tpu.memory_space<vmem>>, %arg12: memref<1000x128xf32, #tpu.memory_space<vmem>>) attributes {dimension_semantics = [#tpu.dimension_semantics<arbitrary>], iteration_bounds = array<i64: 10>, scalar_prefetch = 0 : i64, scratch_operands = 0 : i64, tpu.core_type = #tpu.core_type<tc>, window_params = [{transform_indices = @transform_0, window_bounds = array<i64: 1000, 128>}, {transform_indices = @transform_1, window_bounds = array<i64: 1000, 128>}, {transform_indices = @transform_2, window_bounds = array<i64: 1000, 128>}, {transform_indices = @transform_3, window_bounds = array<i64: 1000, 128>}, {transform_indices = @transform_4, window_bounds = array<i64: 1000, 1>}, {pipeline_mode = #tpu.pipeline_mode<synchronous>, transform_indices = @transform_5, window_bounds = array<i64: 256, 256>}, {pipeline_mode = #tpu.pipeline_mode<synchronous>, transform_indices = @transform_6, window_bounds = array<i64: 1, 256>}, {pipeline_mode = #tpu.pipeline_mode<synchronous>, transform_indices = @transform_7, window_bounds = array<i64: 128, 128>}, {pipeline_mode = #tpu.pipeline_mode<synchronous>, transform_indices = @transform_8, window_bounds = array<i64: 1, 128>}, {transform_indices = @transform_9, window_bounds = array<i64: 1000, 128>}, {transform_indices = @transform_10, window_bounds = array<i64: 1000, 128>}, {transform_indices = @transform_11, window_bounds = array<i64: 1000, 128>}]} {
    %get3A = arith.constant 0 : index
    %get3A_0 = arith.constant 0 : index
    %get3A_1 = vector.load %arg5[%get3A, %get3A_0] : memref<1000x1xf32, #tpu.memory_space<vmem>>, vector<1000x1xf32>
    %get3A_2 = arith.constant 0 : index
    %get3A_3 = arith.constant 0 : index
    %get3A_4 = vector.load %arg5[%get3A_2, %get3A_3] : memref<1000x1xf32, #tpu.memory_space<vmem>>, vector<1000x1xf32>
    %mul3A = arith.mulf %get3A_1, %get3A_4 : vector<1000x1xf32>
    %get3A_5 = arith.constant 0 : index
    %get3A_6 = arith.constant 0 : index
    %get3A_7 = vector.load %arg1[%get3A_5, %get3A_6] : memref<1000x128xf32, #tpu.memory_space<vmem>>, vector<1000x128xf32>
    %get3A_8 = arith.constant 0 : index
    %get3A_9 = arith.constant 0 : index
    %get3A_10 = vector.load %arg3[%get3A_8, %get3A_9] : memref<1000x128xf32, #tpu.memory_space<vmem>>, vector<1000x128xf32>
    %mul3A_11 = vector.broadcast %mul3A : vector<1000x1xf32> to vector<1000x128xf32>
    %mul3A_12 = arith.mulf %get3A_10, %mul3A_11 : vector<1000x128xf32>
    %add3A = arith.addf %get3A_7, %mul3A_12 : vector<1000x128xf32>
    %get3A_13 = arith.constant 0 : index
    %get3A_14 = arith.constant 0 : index
    %get3A_15 = vector.load %arg2[%get3A_13, %get3A_14] : memref<1000x128xf32, #tpu.memory_space<vmem>>, vector<1000x128xf32>
    %get3A_16 = arith.constant 0 : index
    %get3A_17 = arith.constant 0 : index
    %get3A_18 = vector.load %arg4[%get3A_16, %get3A_17] : memref<1000x128xf32, #tpu.memory_space<vmem>>, vector<1000x128xf32>
    %mul3A_19 = vector.broadcast %mul3A : vector<1000x1xf32> to vector<1000x128xf32>
    %mul3A_20 = arith.mulf %get3A_18, %mul3A_19 : vector<1000x128xf32>
    %add3A_21 = arith.addf %get3A_15, %mul3A_20 : vector<1000x128xf32>
    %concatenate3A = tpu.concatenate %add3A, %add3A_21 in 1 : vector<1000x128xf32>, vector<1000x128xf32> -> vector<1000x256xf32>
    %get3A_22 = arith.constant 0 : index
    %get3A_23 = arith.constant 0 : index
    %get3A_24 = vector.load %arg6[%get3A_22, %get3A_23] : memref<256x256xf32, #tpu.memory_space<vmem>>, vector<256x256xf32>
    %dot_general3A = arith.constant dense<0.000000e+00> : vector<1000x256xf32>
    %dot_general3A_25 = tpu.matmul %concatenate3A, %get3A_24, %dot_general3A {dimension_numbers = #tpu.dot_dimension_numbers<[1], [0], [0], [1], [0, 0, 1, 1], [], []>, transpose_lhs_hint = false} : vector<1000x256xf32>, vector<256x256xf32>, vector<1000x256xf32> -> vector<1000x256xf32>
    %get3A_26 = arith.constant 0 : index
    %get3A_27 = arith.constant 0 : index
    %get3A_28 = vector.load %arg7[%get3A_26, %get3A_27] : memref<1x256xf32, #tpu.memory_space<vmem>>, vector<1x256xf32>
    %add3A_29 = vector.broadcast %get3A_28 : vector<1x256xf32> to vector<1000x256xf32>
    %add3A_30 = arith.addf %dot_general3A_25, %add3A_29 : vector<1000x256xf32>
    %logistic3A = arith.negf %add3A_30 : vector<1000x256xf32>
    %logistic3A_31 = math.exp %logistic3A : vector<1000x256xf32>
    %logistic3A_32 = arith.constant 1.000000e+00 : f32
    %logistic3A_33 = vector.broadcast %logistic3A_32 : f32 to vector<1000x256xf32>
    %logistic3A_34 = arith.addf %logistic3A_33, %logistic3A_31 : vector<1000x256xf32>
    %logistic3A_35 = arith.divf %logistic3A_33, %logistic3A_34 : vector<1000x256xf32>
    %slice3A = vector.extract_strided_slice %logistic3A_35 {offsets = [0, 128], sizes = [1000, 128], strides = [1, 1]} : vector<1000x256xf32> to vector<1000x128xf32>
    %swap3A = arith.constant 0 : index
    %swap3A_36 = arith.constant 0 : index
    %swap3A_37 = vector.load %arg10[%swap3A, %swap3A_36] : memref<1000x128xf32, #tpu.memory_space<vmem>>, vector<1000x128xf32>
    tpu.vector_store %arg10[%swap3A, %swap3A_36], %slice3A {strides = array<i32>} : memref<1000x128xf32, #tpu.memory_space<vmem>>, vector<1000x128xf32>,
    %slice3A_38 = vector.extract_strided_slice %logistic3A_35 {offsets = [0, 0], sizes = [1000, 128], strides = [1, 1]} : vector<1000x256xf32> to vector<1000x128xf32>
    %get3A_39 = arith.constant 0 : index
    %get3A_40 = arith.constant 0 : index
    %get3A_41 = vector.load %arg4[%get3A_39, %get3A_40] : memref<1000x128xf32, #tpu.memory_space<vmem>>, vector<1000x128xf32>
    %mul3A_42 = arith.mulf %slice3A_38, %get3A_41 : vector<1000x128xf32>
    %swap3A_43 = arith.constant 0 : index
    %swap3A_44 = arith.constant 0 : index
    %swap3A_45 = vector.load %arg11[%swap3A_43, %swap3A_44] : memref<1000x128xf32, #tpu.memory_space<vmem>>, vector<1000x128xf32>
    tpu.vector_store %arg11[%swap3A_43, %swap3A_44], %mul3A_42 {strides = array<i32>} : memref<1000x128xf32, #tpu.memory_space<vmem>>, vector<1000x128xf32>,
    %get3A_46 = arith.constant 0 : index
    %get3A_47 = arith.constant 0 : index
    %get3A_48 = vector.load %arg8[%get3A_46, %get3A_47] : memref<128x128xf32, #tpu.memory_space<vmem>>, vector<128x128xf32>
    %dot_general3A_49 = arith.constant dense<0.000000e+00> : vector<1000x128xf32>
    %dot_general3A_50 = tpu.matmul %add3A, %get3A_48, %dot_general3A_49 {dimension_numbers = #tpu.dot_dimension_numbers<[1], [0], [0], [1], [0, 0, 1, 1], [], []>, transpose_lhs_hint = false} : vector<1000x128xf32>, vector<128x128xf32>, vector<1000x128xf32> -> vector<1000x128xf32>
    %get3A_51 = arith.constant 0 : index
    %get3A_52 = arith.constant 0 : index
    %get3A_53 = vector.load %arg9[%get3A_51, %get3A_52] : memref<1x128xf32, #tpu.memory_space<vmem>>, vector<1x128xf32>
    %add3A_54 = vector.broadcast %get3A_53 : vector<1x128xf32> to vector<1000x128xf32>
    %add3A_55 = arith.addf %dot_general3A_50, %add3A_54 : vector<1000x128xf32>
    %swap3A_56 = arith.constant 0 : index
    %swap3A_57 = arith.constant 0 : index
    %swap3A_58 = vector.load %arg12[%swap3A_56, %swap3A_57] : memref<1000x128xf32, #tpu.memory_space<vmem>>, vector<1000x128xf32>
    tpu.vector_store %arg12[%swap3A_56, %swap3A_57], %add3A_55 {strides = array<i32>} : memref<1000x128xf32, #tpu.memory_space<vmem>>, vector<1000x128xf32>,
    return
  }
  func.func @transform_0(%arg0: i32) -> (i32, i32) {
    %c0_i32 = arith.constant 0 : i32
    %c0_i32_0 = arith.constant 0 : i32
    return %arg0, %c0_i32 : i32, i32
  }
  func.func @transform_1(%arg0: i32) -> (i32, i32) {
    %c0_i32 = arith.constant 0 : i32
    %c0_i32_0 = arith.constant 0 : i32
    return %arg0, %c0_i32 : i32, i32
  }
  func.func @transform_2(%arg0: i32) -> (i32, i32) {
    %c0_i32 = arith.constant 0 : i32
    %c0_i32_0 = arith.constant 0 : i32
    return %arg0, %c0_i32 : i32, i32
  }
  func.func @transform_3(%arg0: i32) -> (i32, i32) {
    %c0_i32 = arith.constant 0 : i32
    %c0_i32_0 = arith.constant 0 : i32
    return %arg0, %c0_i32 : i32, i32
  }
  func.func @transform_4(%arg0: i32) -> (i32, i32) {
    %c0_i32 = arith.constant 0 : i32
    %c0_i32_0 = arith.constant 0 : i32
    return %arg0, %c0_i32 : i32, i32
  }
  func.func @transform_5(%arg0: i32) -> (i32, i32) {
    %c0_i32 = arith.constant 0 : i32
    %c0_i32_0 = arith.constant 0 : i32
    %c0_i32_1 = arith.constant 0 : i32
    return %c0_i32, %c0_i32_0 : i32, i32
  }
  func.func @transform_6(%arg0: i32) -> (i32, i32) {
    %c0_i32 = arith.constant 0 : i32
    %c0_i32_0 = arith.constant 0 : i32
    %c0_i32_1 = arith.constant 0 : i32
    return %c0_i32, %c0_i32_0 : i32, i32
  }
  func.func @transform_7(%arg0: i32) -> (i32, i32) {
    %c0_i32 = arith.constant 0 : i32
    %c0_i32_0 = arith.constant 0 : i32
    %c0_i32_1 = arith.constant 0 : i32
    return %c0_i32, %c0_i32_0 : i32, i32
  }
  func.func @transform_8(%arg0: i32) -> (i32, i32) {
    %c0_i32 = arith.constant 0 : i32
    %c0_i32_0 = arith.constant 0 : i32
    %c0_i32_1 = arith.constant 0 : i32
    return %c0_i32, %c0_i32_0 : i32, i32
  }
  func.func @transform_9(%arg0: i32) -> (i32, i32) {
    %c0_i32 = arith.constant 0 : i32
    %c0_i32_0 = arith.constant 0 : i32
    return %arg0, %c0_i32 : i32, i32
  }
  func.func @transform_10(%arg0: i32) -> (i32, i32) {
    %c0_i32 = arith.constant 0 : i32
    %c0_i32_0 = arith.constant 0 : i32
    return %arg0, %c0_i32 : i32, i32
  }
  func.func @transform_11(%arg0: i32) -> (i32, i32) {
    %c0_i32 = arith.constant 0 : i32
    %c0_i32_0 = arith.constant 0 : i32
    return %arg0, %c0_i32 : i32, i32
  }
}

module attributes {stable_mosaic.version = 14 : i64} {
  func.func @body(%arg0: i32, %arg1: memref<1000x128xf32, #tpu.memory_space<vmem>>, %arg2: memref<1000x128xf32, #tpu.memory_space<vmem>>, %arg3: memref<1000x1xf32, #tpu.memory_space<vmem>>, %arg4: memref<1000x128xf32, #tpu.memory_space<vmem>>, %arg5: memref<1000x128xf32, #tpu.memory_space<vmem>>, %arg6: memref<1000x128xf32, #tpu.memory_space<vmem>>, %arg7: memref<128x128xf32, #tpu.memory_space<vmem>>, %arg8: memref<1000x128xf32, #tpu.memory_space<vmem>>) attributes {dimension_semantics = [#tpu.dimension_semantics<arbitrary>], iteration_bounds = array<i64: 10>, scalar_prefetch = 0 : i64, scratch_operands = 0 : i64, tpu.core_type = #tpu.core_type<tc>, window_params = [{transform_indices = @transform_0, window_bounds = array<i64: 1000, 128>}, {transform_indices = @transform_1, window_bounds = array<i64: 1000, 128>}, {transform_indices = @transform_2, window_bounds = array<i64: 1000, 1>}, {transform_indices = @transform_3, window_bounds = array<i64: 1000, 128>}, {transform_indices = @transform_4, window_bounds = array<i64: 1000, 128>}, {transform_indices = @transform_5, window_bounds = array<i64: 1000, 128>}, {pipeline_mode = #tpu.pipeline_mode<synchronous>, transform_indices = @transform_6, window_bounds = array<i64: 128, 128>}, {transform_indices = @transform_7, window_bounds = array<i64: 1000, 128>}]} {
    %get3A = arith.constant 0 : index
    %get3A_0 = arith.constant 0 : index
    %get3A_1 = vector.load %arg3[%get3A, %get3A_0] : memref<1000x1xf32, #tpu.memory_space<vmem>>, vector<1000x1xf32>
    %get3A_2 = arith.constant 0 : index
    %get3A_3 = arith.constant 0 : index
    %get3A_4 = vector.load %arg3[%get3A_2, %get3A_3] : memref<1000x1xf32, #tpu.memory_space<vmem>>, vector<1000x1xf32>
    %mul3A = arith.mulf %get3A_1, %get3A_4 : vector<1000x1xf32>
    %get3A_5 = arith.constant 0 : index
    %get3A_6 = arith.constant 0 : index
    %get3A_7 = vector.load %arg1[%get3A_5, %get3A_6] : memref<1000x128xf32, #tpu.memory_space<vmem>>, vector<1000x128xf32>
    %get3A_8 = arith.constant 0 : index
    %get3A_9 = arith.constant 0 : index
    %get3A_10 = vector.load %arg2[%get3A_8, %get3A_9] : memref<1000x128xf32, #tpu.memory_space<vmem>>, vector<1000x128xf32>
    %mul3A_11 = vector.broadcast %mul3A : vector<1000x1xf32> to vector<1000x128xf32>
    %mul3A_12 = arith.mulf %get3A_10, %mul3A_11 : vector<1000x128xf32>
    %add3A = arith.addf %get3A_7, %mul3A_12 : vector<1000x128xf32>
    %get3A_13 = arith.constant 0 : index
    %get3A_14 = arith.constant 0 : index
    %get3A_15 = vector.load %arg4[%get3A_13, %get3A_14] : memref<1000x128xf32, #tpu.memory_space<vmem>>, vector<1000x128xf32>
    %get3A_16 = arith.constant 0 : index
    %get3A_17 = arith.constant 0 : index
    %get3A_18 = vector.load %arg7[%get3A_16, %get3A_17] : memref<128x128xf32, #tpu.memory_space<vmem>>, vector<128x128xf32>
    %dot_general3A = arith.constant dense<0.000000e+00> : vector<1000x128xf32>
    %dot_general3A_19 = tpu.matmul %add3A, %get3A_18, %dot_general3A {dimension_numbers = #tpu.dot_dimension_numbers<[1], [0], [0], [1], [0, 0, 1, 1], [], []>, transpose_lhs_hint = false} : vector<1000x128xf32>, vector<128x128xf32>, vector<1000x128xf32> -> vector<1000x128xf32>
    %add3A_20 = arith.addf %get3A_15, %dot_general3A_19 : vector<1000x128xf32>
    %tanh3A = math.tanh %add3A_20 : vector<1000x128xf32>
    %get3A_21 = arith.constant 0 : index
    %get3A_22 = arith.constant 0 : index
    %get3A_23 = vector.load %arg5[%get3A_21, %get3A_22] : memref<1000x128xf32, #tpu.memory_space<vmem>>, vector<1000x128xf32>
    %get3A_24 = arith.constant 0 : index
    %get3A_25 = arith.constant 0 : index
    %get3A_26 = vector.load %arg6[%get3A_24, %get3A_25] : memref<1000x128xf32, #tpu.memory_space<vmem>>, vector<1000x128xf32>
    %mul3A_27 = arith.mulf %get3A_23, %get3A_26 : vector<1000x128xf32>
    %get3A_28 = arith.constant 0 : index
    %get3A_29 = arith.constant 0 : index
    %get3A_30 = vector.load %arg5[%get3A_28, %get3A_29] : memref<1000x128xf32, #tpu.memory_space<vmem>>, vector<1000x128xf32>
    %sub3A = arith.constant 1.000000e+00 : f32
    %sub3A_31 = vector.broadcast %sub3A : f32 to vector<1000x128xf32>
    %sub3A_32 = arith.subf %sub3A_31, %get3A_30 : vector<1000x128xf32>
    %mul3A_33 = arith.mulf %sub3A_32, %tanh3A : vector<1000x128xf32>
    %add3A_34 = arith.addf %mul3A_27, %mul3A_33 : vector<1000x128xf32>
    %swap3A = arith.constant 0 : index
    %swap3A_35 = arith.constant 0 : index
    %swap3A_36 = vector.load %arg8[%swap3A, %swap3A_35] : memref<1000x128xf32, #tpu.memory_space<vmem>>, vector<1000x128xf32>
    tpu.vector_store %arg8[%swap3A, %swap3A_35], %add3A_34 {strides = array<i32>} : memref<1000x128xf32, #tpu.memory_space<vmem>>, vector<1000x128xf32>,
    return
  }
  func.func @transform_0(%arg0: i32) -> (i32, i32) {
    %c0_i32 = arith.constant 0 : i32
    %c0_i32_0 = arith.constant 0 : i32
    return %arg0, %c0_i32 : i32, i32
  }
  func.func @transform_1(%arg0: i32) -> (i32, i32) {
    %c0_i32 = arith.constant 0 : i32
    %c0_i32_0 = arith.constant 0 : i32
    return %arg0, %c0_i32 : i32, i32
  }
  func.func @transform_2(%arg0: i32) -> (i32, i32) {
    %c0_i32 = arith.constant 0 : i32
    %c0_i32_0 = arith.constant 0 : i32
    return %arg0, %c0_i32 : i32, i32
  }
  func.func @transform_3(%arg0: i32) -> (i32, i32) {
    %c0_i32 = arith.constant 0 : i32
    %c0_i32_0 = arith.constant 0 : i32
    return %arg0, %c0_i32 : i32, i32
  }
  func.func @transform_4(%arg0: i32) -> (i32, i32) {
    %c0_i32 = arith.constant 0 : i32
    %c0_i32_0 = arith.constant 0 : i32
    return %arg0, %c0_i32 : i32, i32
  }
  func.func @transform_5(%arg0: i32) -> (i32, i32) {
    %c0_i32 = arith.constant 0 : i32
    %c0_i32_0 = arith.constant 0 : i32
    return %arg0, %c0_i32 : i32, i32
  }
  func.func @transform_6(%arg0: i32) -> (i32, i32) {
    %c0_i32 = arith.constant 0 : i32
    %c0_i32_0 = arith.constant 0 : i32
    %c0_i32_1 = arith.constant 0 : i32
    return %c0_i32, %c0_i32_0 : i32, i32
  }
  func.func @transform_7(%arg0: i32) -> (i32, i32) {
    %c0_i32 = arith.constant 0 : i32
    %c0_i32_0 = arith.constant 0 : i32
    return %arg0, %c0_i32 : i32, i32
  }
}

</mosaic_0001>

<sc_bundles>
// kernel: kernel.6.cloned.1.call-start
scs
__scs_entry_jumppad:
0x0: {  	(pc) =	sbr.rel $0x88, $3  }
0x1: {  	(tag) =	ssettag $0x0;
	lr =	simm.s32 $0x1  }
0x2: {  	[smem:$0x3F97] =	sst lr;
	_ =	strace $0xD0000000  }
0x3: {  	_ = 	snop  }
0x4: {  	_ = 	snop  }
0x5: {  	_ = 	snop  }
0x6: {  	_ = 	snop  }
0x7: {  	_ = 	snop  }
__scs_overlays_trampoline_lowered:
0x8: {  	[smem:$0x3FA6] =	sst s0  }
0x9: {  	[smem:$0x3FA7] =	sst s1  }
0xa: {  	[smem:$0x3FA8] =	sst s2  }
0xb: {  	[smem:$0x3FA9] =	sst s3  }
0xc: {  	[smem:$0x3FAA] =	sst s4  }
0xd: {  	[smem:$0x3FAB] =	sst s5  }
0xe: {  	[smem:$0x3FAC] =	sst s6  }
0xf: {  	[smem:$0x3FAD] =	sst s7  }
0x10: {  	[smem:$0x3FAE] =	sst s8  }
0x11: {  	[smem:$0x3FAF] =	sst s9;
	s0 =	simm.s32 @!p0 $0x0  }
0x12: {  	s1 =	sld [smem:$0x3F95];
	s0 =	simm.s32 @p0 $0x1  }
0x13: {  	[smem:$0x3FB0] =	sst s0;
	s0 =	simm.s32 @!p1 $0x0  }
0x14: {  	s2 =	sld [smem:$0x3F94];
	s0 =	simm.s32 @p1 $0x1  }
0x15: {  	[smem:$0x3FB1] =	sst s0;
	s0 =	simm.s32 @!p2 $0x0  }
0x16: {  	s3 =	sld [smem:$0x3FDB];
	s0 =	simm.s32 @p2 $0x1  }
0x17: {  	s4 =	simm.s32 $0x1BF5;
	[smem:$0x3FB3] =	sst s0  }
0x18: {  	s0 =	sld [smem:$0x3F96];
	_ =	swait.ge [sflag:s4], $0x0  }
0x19: {  	s7 =	sld [smem:$0x3F97]  }
0x1a: {  	s8 =	sadd.s32 $0xFFFFE003, lr  }
0x1b: {  	s9 =	sadd.s32 $0xFFFFFEF7, lr;
	s5 =	simm.s32 $0xFFFFFFFF;
	p2 =	slt.u32 s8, $0xFFFFF086  }
0x1c: {  	p1 =	slt.u32 s9, $0xF7A;
	s5 =	simm.s32 @!p2 $0x0  }
0x1d: {  	s5 =	simm.s32 @p1 $0x1;
	p0 =	seq.s32 s7, s2  }
0x1e: {  	s7 =	smul.u32 @!p0 $0xF7A, s2;
	p2 =	seq.s32 @!p0 s5, $0x0  }
0x1f: {  	s9 =	smul.u32 $0xF7A, s1;
	s8 =	simm.s32 @!p0 $0x1BF5;
	p2 =	por !p2, p0  }
0x20: {  	[sflag:s8] =	ssyncset.s32 @!p0 $0xFFFFF086;
	s6 =	sadd.s32 @!p0 s3, s7;
	s7 =	simm.s32 @!p0 $0x108  }
0x21: {  	s3 =	sadd.s32 s3, s9;
	s6 =	sadd.s32 @!p0 $0x88, s6;
	s7 =	simm.s32 @p2 $0x1082  }
0x22: {  	[simem:s7], [sflag:s8] =	dma.local @!p0 [hbm:s6], $0xF7A  }
0x23: {  	s9 =	sor.u32 $0xD0000000, s2;
	s6 =	simm.s32 $0x108;
	_ =	swait.ge @!p0 [sflag:s8], $0x0  }
0x24: {  	s3 =	sadd.s32 $0x88, s3;
	s6 =	simm.s32 @!p1 $0x1082;
	[sflag:s4] =	ssyncset.s32 $0xFFFFF086  }
0x25: {  	[simem:s6], [sflag:s4] =	dma.local [hbm:s3], $0xF7A  }
0x26: {  	[smem:$0x3F97] =	sst s1;
	(tag) =	ssettag s2;
	_ =	strace s9  }
0x27: {  	s1 =	sld [smem:$0x3FA7]  }
0x28: {  	s2 =	sld [smem:$0x3FA8]  }
0x29: {  	s4 =	sld [smem:$0x3FAA]  }
0x2a: {  	p0 =	seq.s32 s5, $0x0;
	s5 =	sld [smem:$0x3FAB]  }
0x2b: {  	s6 =	sld [smem:$0x3FAC]  }
0x2c: {  	s7 =	sld [smem:$0x3FAD]  }
0x2d: {  	s3 =	simm.s32 $0x108;
	s8 =	sld [smem:$0x3FAE]  }
0x2e: {  	s3 =	simm.s32 @!p0 $0x1082;
	s9 =	sld [smem:$0x3FAF]  }
0x2f: {  	lr =	sadd.s32 s0, s3;
	s0 =	sld [smem:$0x3FA6]  }
0x30: {  	s3 =	sld [smem:$0x3FA9]  }
0x31: {  	[smem:$0x3FB2] =	sst s10  }
0x32: {  	s10 =	sld [smem:$0x3FB0];
	_ =	sdelay $0x3  }
0x33: {  	p0 =	seq.s32 s10, $0x1;
	s10 =	sld [smem:$0x3FB2];
	_ =	sdelay $0x3  }
0x34: {  	[smem:$0x3FB2] =	sst s10  }
0x35: {  	s10 =	sld [smem:$0x3FB1];
	_ =	sdelay $0x3  }
0x36: {  	p1 =	seq.s32 s10, $0x1;
	s10 =	sld [smem:$0x3FB2];
	_ =	sdelay $0x3  }
0x37: {  	[smem:$0x3FB2] =	sst s10  }
0x38: {  	s10 =	sld [smem:$0x3FB3]  }
0x39: {  	_ = 	snop;
	(pc) =	sbr.ind lr, $3  }
0x3a: {  	_ = 	snop  }
0x3b: {  	_ = 	snop  }
0x3c: {  	p2 =	seq.s32 s10, $0x1;
	s10 =	sld [smem:$0x3FB2]  }
0x3d: {  	_ =	shalt  }
0x3e: {  	_ =	shalt  }
0x3f: {  	_ =	shalt  }
0x40: {  	_ =	shalt  }
0x41: {  	_ =	shalt  }
0x42: {  	_ =	shalt  }
0x43: {  	_ =	shalt  }
0x44: {  	_ =	shalt  }
0x45: {  	_ =	shalt  }
0x46: {  	_ =	shalt  }
0x47: {  	_ =	shalt  }
0x48: {  	_ =	shalt  }
0x49: {  	_ =	shalt  }
0x4a: {  	_ =	shalt  }
0x4b: {  	_ =	shalt  }
0x4c: {  	_ =	shalt  }
0x4d: {  	_ =	shalt  }
0x4e: {  	_ =	shalt  }
0x4f: {  	_ =	shalt  }
0x50: {  	_ =	shalt  }
0x51: {  	_ =	shalt  }
0x52: {  	_ =	shalt  }
0x53: {  	_ =	shalt  }
0x54: {  	_ =	shalt  }
0x55: {  	_ =	shalt  }
0x56: {  	_ =	shalt  }
0x57: {  	_ =	shalt  }
0x58: {  	_ =	shalt  }
0x59: {  	_ =	shalt  }
0x5a: {  	_ =	shalt  }
0x5b: {  	_ =	shalt  }
0x5c: {  	_ =	shalt  }
0x5d: {  	_ =	shalt  }
0x5e: {  	_ =	shalt  }
0x5f: {  	_ =	shalt  }
0x60: {  	_ =	shalt  }
0x61: {  	_ =	shalt  }
0x62: {  	_ =	shalt  }
0x63: {  	_ =	shalt  }
0x64: {  	_ =	shalt  }
0x65: {  	_ =	shalt  }
0x66: {  	_ =	shalt  }
0x67: {  	_ =	shalt  }
0x68: {  	_ =	shalt  }
0x69: {  	_ =	shalt  }
0x6a: {  	_ =	shalt  }
0x6b: {  	_ =	shalt  }
0x6c: {  	_ =	shalt  }
0x6d: {  	_ =	shalt  }
0x6e: {  	_ =	shalt  }
0x6f: {  	_ =	shalt  }
0x70: {  	_ =	shalt  }
0x71: {  	_ =	shalt  }
0x72: {  	_ =	shalt  }
0x73: {  	_ =	shalt  }
0x74: {  	_ =	shalt  }
0x75: {  	_ =	shalt  }
0x76: {  	_ =	shalt  }
0x77: {  	_ =	shalt  }
0x78: {  	_ =	shalt  }
0x79: {  	_ =	shalt  }
0x7a: {  	_ =	shalt  }
0x7b: {  	_ =	shalt  }
0x7c: {  	_ =	shalt  }
0x7d: {  	_ =	shalt  }
0x7e: {  	_ =	shalt  }
0x7f: {  	_ =	shalt  }
0x80: {  	_ =	shalt  }
0x81: {  	_ =	shalt  }
0x82: {  	_ =	shalt  }
0x83: {  	_ =	shalt  }
0x84: {  	_ =	shalt  }
0x85: {  	_ =	shalt  }
0x86: {  	_ =	shalt  }
0x87: {  	_ =	shalt  }
.Lfunc_end0:
.L_simem_size_0:
called_computation_lowered:
.L_overlay_start_0:
0x88: {  	s2 =	sld [smem:$0x3FD9]  }
0x89: {  	s3 =	sld [smem:$0x3FFE];
	_ =	sdelay $0x1  }
0x8a: {  	s1 =	srdreg.scid  }
0x8b: {  	s0 =	sand.u32 $0x1, s1  }
0x8c: {  	s17 =	sshll.u32 s0, $0xA;
	s2 =	sadd.s32 s3, s2  }
0x8d: {  	s2 =	sadd.s32 s2, s17  }
0x8e: {  	[smem:$0x3FBE] =	sst s2  }
0x8f: {  	_ = 	snop  }
0x90: {  	s2 =	sld [smem:$0x3FD0];
	(tm) =	ssettm $0x1  }
0x91: {  	s18 =	sld [smem:$0x3FFB];
	_ =	sdelay $0x3  }
0x92: {  	_ =	strace s18  }
0x93: {  	s3 =	sld [smem:$0x3FFC];
	_ =	sdelay $0x3  }
0x94: {  	_ =	strace s3  }
0x95: {  	s3 =	sld [smem:$0x3FFD];
	_ =	sdelay $0x3  }
0x96: {  	_ =	strace s3  }
0x97: {  	_ =	strace $0x8FFFFFFF  }
0x98: {  	s19 =	sld [smem:$0x3FDB];
	_ =	sdelay $0x1  }
0x99: {  	s4 =	simm.s32 $_scs_section_size  }
0x9a: {  	s5 =	simm.s32 $_size__tile_overlayer_lowered;
	s6 =	simm.s32 $_tile_overlayer_lowered  }
0x9b: {  	s22 =	simm.s32 $0x1BFF;
	s21 =	sshll.u32 s6, $0x1;
	s3 =	sadd.s32 s4, s19  }
0x9c: {  	s7 =	simm.s32 $0x0;
	s20 =	sshll.u32 s5, $0x1;
	s5 =	sadd.s32 s21, s3  }
0x9d: {  	[timem:s7], [sflag:s22] =	dma.local [hbm:s5], s20  }
0x9e: {  	_ =	swait.ge [sflag:s22], s20  }
0x9f: {  	s4 =	ssub.s32 $0x0, s20;
	[sflag:s22] =	ssyncset.done $0x0  }
0xa0: {  	[sflag:s22] =	ssyncadd.s32 s4;
	_ =	sdelay $0x1  }
0xa1: {  	s23 =	simm.s32 $0x1B8B  }
0xa2: {  	_ =	swait.ge [sflag:s23], $0x1  }
0xa3: {  	[sflag:s23] =	ssyncset.done $0x0  }
0xa4: {  	s25 =	simm.s32 $0x1B8E;
	s24 =	sld [smem:$0x3FFE];
	[sflag:s23] =	ssyncadd.s32 $0xFFFFFFFF  }
0xa5: {  	s26 =	simm.s32 $execute0_lowered;
	[smem:$0x3FD2] =	sst s25  }
0xa6: {  	s5 =	sshll.u32 s26, $0x1;
	_ =	strace $0x80000046;
	[dreg:$0x1] =	wrdreg $0xFFFFFFFF  }
0xa7: {  	s28 =	simm.s32 $_size_execute0_lowered;
	s3 =	sadd.s32 s3, s5;
	[dreg:$0x0] =	wrdreg $0x0  }
0xa8: {  	s5 =	sshll.u32 s28, $0x1;
	[dreg:$0x2] =	wrdreg s3  }
0xa9: {  	[dreg:$0x3] =	wrdreg s5  }
0xaa: {  	[dreg:$0x4] =	wrdreg $0xC0  }
0xab: {  	_ =	task [dreg:s7], $0x5FFFF  }
0xac: {  	[dreg:$0x1] =	wrdreg $0xFFFFFFFF  }
0xad: {  	[dreg:$0x0] =	wrdreg $0x60  }
0xae: {  	[dreg:$0x2] =	wrdreg s24  }
0xaf: {  	[dreg:$0x3] =	wrdreg s2  }
0xb0: {  	[dreg:$0x4] =	wrdreg $0x158800  }
0xb1: {  	[dreg:$0x5] =	wrdreg $0x1F8800  }
0xb2: {  	[dreg:$0x6] =	wrdreg $0x9  }
0xb3: {  	_ =	task.clear_ibuf [dreg:s7], $0x7FFFF;
	_ =	strace $0x90000046  }
0xb4: {  	s29 =	simm.s32 $0x9;
	_ =	strace $0x80000048  }
0xb5: {  	_ =	swait.ge [sflag:s29], $0x1  }
0xb6: {  	[sflag:s29] =	ssyncadd.s32 $0xFFFFFFFF  }
0xb7: {  	_ =	strace $0x90000048  }
0xb8: {  	_ =	sfence  }
0xb9: {  	s30 =	sld [smem:$0x0];
	_ =	sdelay $0x2  }
0xba: {  	s31 =	sshll.u32 s1, $0xD;
	s1 =	sshrl.u32 s1, $0x2  }
0xbb: {  	s3 =	sand.u32 $0x4000, s31;
	s1 =	sadd.s32 s1, s30  }
0xbc: {  	s0 =	sor.u32 s3, s0;
	s1 =	sshll.u32 s1, $0x11  }
0xbd: {  	s0 =	sor.u32 s1, s0  }
0xbe: {  	s0 =	sadd.s32 $0x8F2B, s0  }
0xbf: {  	[sflag:s0] =	ssyncadd.remote.s32 $0x1  }
0xc0: {  	_ =	sfence.sel $0xFFFF  }
0xc1: {  	[dreg:$0x0] =	wrdreg $0xFFFFFFFF;
	(pc) =	sbr.abs _section_cstart, $3  }
0xc2: {  	[dreg:$0x1] =	wrdreg $0xFFFFFFFF  }
0xc3: {  	_ =	task.clear_ibuf [dreg:s7], $0x2FFFF;
	_ =	strace $0x9FFFFFFF  }
0xc4: {  	(tm) =	ssettm $0x7FFFFFFF  }
0xc5: {  	_ =	shalt  }
tec
execute0_lowered:
.L_overlay_start_1:
0x0: {  	(tag) =	ssettag $0x1  }
0x1: {  	s0 =	rddreg [dreg:$0x0]  }
0x2: {  	s1 =	rddreg [dreg:$0x1]  }
0x3: {  	s2 =	srdreg.scid;
	s3 =	rddreg [dreg:$0x2]  }
0x4: {  	s16 =	stileid.u32;
	s4 =	rddreg [dreg:$0x3]  }
0x5: {  	s5 =	simm.s32 $0x0;
	s23 =	simm.s32 $0x10E00;
	s24 =	simm.s32 $0x12E00  }
0x6: {  	s25 =	simm.s32 $0x50;
	s28 =	simm.s32 $0x13080;
	s6 =	smul.u32 $0x280, s16  }
0x7: {  	s29 =	simm.s32 $0xF000;
	s30 =	simm.s32 $0xFA00;
	s8 =	smul.u32 $0xA00, s16  }
0x8: {  	s2 =	sand.u32 $0x1, s2;
	[smem:$0x7FF] =	sst s5;
	s10 =	smul.u32 $0x28000, s16  }
0x9: {  	s31 =	simm.s32 $0x0;
	s7 =	smul.u32 $0x2800, s2;
	_ =	strace $0x80000047  }
0xa: {  	s9 =	ssub.s32 $0x2, s2;
	s21 =	sor.u32 s16, s2;
	s22 =	smul.u32 $0x2710, s2  }
0xb: {  	p1 =	sne.s32 s2, $0x0;
	s8 =	sadd.s32 s8, s0;
	s15 =	sshrl.u32 s9, $0x1  }
0xc: {  	s18 =	sshrl.u32 s10, $0x2;
	p0 =	sne.s32 s21, $0x0;
	s17 =	sadd.s32 $0xDA00, s8  }
0xd: {  	s7 =	sadd.s32 s6, s7;
	s19 =	sadd.s32 $0x3A00, s8;
	[dreg:$0x6] =	wrdreg s17  }
0xe: {  	s20 =	sadd.s32 $0x17A00, s8;
	s10 =	sadd.s32 s18, s3;
	[dreg:$0x7] =	wrdreg s19  }
0xf: {  	s8 =	sadd.s32 $0x72000, s8;
	s7 =	sshll.u32 s7, $0x3;
	[dreg:$0x8] =	wrdreg s20  }
0x10: {  	s11 =	sadd.s32 $0x2000, s10;
	s12 =	sadd.s32 $0x4000, s10;
	s13 =	sadd.s32 $0x6000, s10  }
0x11: {  	[dreg:$0x9] =	wrdreg s8;
	s7 =	sadd.s32 s7, s0;
	s0 =	sadd.s32 $0x71A00, s0  }
0x12: {  	s14 =	sadd.s32 $0x8000, s10;
	[dreg:$0x5] =	wrdreg s0;
	s26 =	sadd.s32 $0x21A00, s7  }
0x13: {  	s0 =	ssub.s32 s9, s15;
	s7 =	sadd.s32 $0x49A00, s7;
	[dreg:$0xa] =	wrdreg s26  }
0x14: {  	s20 =	simm.s32 $0x2;
	[dreg:$0xb] =	wrdreg s7;
	s0 =	smax.u32 s0, $0x1  }
0x15: {  	v1 =	vimm.f32 $0.0e+00;
	v0 =	vmov s22;
	s15 =	sadd.s32 s6, s4;
	s26 =	simm.s32 $0x1;
	[dreg:$0xc] =	wrdreg s0  }
.LBB2_1:
0x16: {  	s0 =	rddreg [dreg:$0x6]  }
0x17: {  	[tilespmem:s5], [sflag:$0x2] =	stream.linear.gather [hbm4b:s0+s5], $0x5000, $0x38;
	[tilespmem:$0x1FB00] =	vst v63  }
0x18: {  	_ =	swait.ge [sflag:s20], $0x5000  }
0x19: {  	[sflag:s20] =	ssyncset.done $0x0  }
0x1a: {  	s2 =	simm.s32 $0x5000;
	s19 =	rddreg [dreg:$0x7];
	[sflag:s20] =	ssyncadd.s32 $0xFFFFB000  }
0x1b: {  	[tilespmem:s2], [sflag:$0x2] =	stream.linear.gather [hbm4b:s19+s5], $0x5000, $0x38;
	[tilespmem:$0x1FB00] =	vst v63  }
0x1c: {  	_ =	swait.ge [sflag:s20], $0x5000  }
0x1d: {  	[sflag:s20] =	ssyncset.done $0x0  }
0x1e: {  	s22 =	simm.s32 $0xA000;
	s21 =	rddreg [dreg:$0x8];
	[sflag:s20] =	ssyncadd.s32 $0xFFFFB000  }
0x1f: {  	[tilespmem:s22], [sflag:$0x2] =	stream.linear.gather [hbm4b:s21+s5], $0x5000, $0x38;
	[tilespmem:$0x1FB00] =	vst v63  }
0x20: {  	_ =	swait.ge [sflag:s20], $0x5000  }
0x21: {  	[sflag:s20] =	ssyncset.done $0x0  }
0x22: {  	s0 =	simm.s32 $0x0;
	s2 =	simm.s32 $0x100;
	[sflag:s20] =	ssyncadd.s32 $0xFFFFB000  }
.LBB2_2:
0x23: {  	p2 =	sne.s32 s2, $0x7F00;
	[tilespmem:s0+$0x10E30] =	vst v1;
	s6 =	smov.u32 s2;
	s2 =	sadd.s32 $0x100, s2  }
.Ltmp0:
0x24: {  	[tilespmem:s0+$0x10E20] =	vst v1;
	(pc) =	sbr.rel @p2 .LBB2_2-.Ltmp0, $3  }
0x25: {  	[tilespmem:s0+$0x10E00] =	vst v1  }
0x26: {  	[tilespmem:s0+$0x10E10] =	vst v1;
	_ =	sdelay $0x1  }
0x27: {  	s0 =	sshra.s32 s6, $0x2  }
0x28: {  	[tilespmem:s0+$0x10E30] =	vst v1  }
0x29: {  	[tilespmem:s0+$0x10E20] =	vst v1  }
0x2a: {  	[tilespmem:s0+$0x10E00] =	vst v1  }
0x2b: {  	[tilespmem:s0+$0x10E10] =	vst v1  }
0x2c: {  	[tilespmem:$0x12E00] =	vst v1  }
0x2d: {  	[tilespmem:$0x12E10] =	vst v1  }
0x2e: {  	[tilespmem:$0x12E20] =	vst v1  }
0x2f: {  	[tilespmem:$0x12E30] =	vst v1  }
0x30: {  	[tilespmem:$0x12E40] =	vst v1  }
0x31: {  	[tilespmem:$0x12E50] =	vst v1  }
0x32: {  	[tilespmem:$0x12E60] =	vst v1  }
0x33: {  	[tilespmem:$0x12E70] =	vst v1  }
0x34: {  	[tilespmem:$0x12E80] =	vst v1  }
0x35: {  	[tilespmem:$0x12E90] =	vst v1  }
0x36: {  	[tilespmem:$0x12EA0] =	vst v1  }
0x37: {  	[tilespmem:$0x12EB0] =	vst v1  }
0x38: {  	[tilespmem:$0x12EC0] =	vst v1  }
0x39: {  	[tilespmem:$0x12ED0] =	vst v1  }
0x3a: {  	[tilespmem:$0x12EE0] =	vst v1  }
0x3b: {  	[tilespmem:$0x12EF0] =	vst v1  }
0x3c: {  	[tilespmem:$0x12F00] =	vst v1  }
0x3d: {  	[tilespmem:$0x12F10] =	vst v1  }
0x3e: {  	[tilespmem:$0x12F20] =	vst v1  }
0x3f: {  	[tilespmem:$0x12F30] =	vst v1  }
0x40: {  	[tilespmem:$0x12F40] =	vst v1  }
0x41: {  	[tilespmem:$0x12F50] =	vst v1  }
0x42: {  	[tilespmem:$0x12F60] =	vst v1  }
0x43: {  	[tilespmem:$0x12F70] =	vst v1  }
0x44: {  	[tilespmem:$0x12F80] =	vst v1  }
0x45: {  	[tilespmem:$0x12F90] =	vst v1  }
0x46: {  	[tilespmem:$0x12FA0] =	vst v1  }
0x47: {  	[tilespmem:$0x12FB0] =	vst v1  }
0x48: {  	[tilespmem:$0x12FC0] =	vst v1  }
0x49: {  	[tilespmem:$0x12FD0] =	vst v1  }
0x4a: {  	[tilespmem:$0x12FE0] =	vst v1  }
0x4b: {  	[tilespmem:$0x12FF0] =	vst v1  }
0x4c: {  	[tilespmem:$0x13000] =	vst v1  }
0x4d: {  	[tilespmem:$0x13010] =	vst v1  }
0x4e: {  	[tilespmem:$0x13020] =	vst v1  }
0x4f: {  	[tilespmem:$0x13030] =	vst v1  }
0x50: {  	[tilespmem:$0x13040] =	vst v1  }
0x51: {  	[tilespmem:$0x13050] =	vst v1  }
0x52: {  	[tilespmem:$0x13060] =	vst v1  }
0x53: {  	[tilespmem:$0x13070] =	vst v1  }
0x54: {  	[spmem:s10] =	stream.linear.scatter [tilespmem:s23], [sflag:$0x2], $0x2000, $0x38;
	[tilespmem:$0x1FB00] =	vst v63  }
0x55: {  	_ =	swait.ge [sflag:s20], $0x2000  }
0x56: {  	[sflag:s20] =	ssyncset.done $0x0  }
0x57: {  	[sflag:s20] =	ssyncadd.s32 $0xFFFFE000  }
0x58: {  	[spmem:s11] =	stream.linear.scatter [tilespmem:s23], [sflag:$0x2], $0x2000, $0x38;
	[tilespmem:$0x1FB00] =	vst v63  }
0x59: {  	_ =	swait.ge [sflag:s20], $0x2000  }
0x5a: {  	[sflag:s20] =	ssyncset.done $0x0  }
0x5b: {  	[sflag:s20] =	ssyncadd.s32 $0xFFFFE000  }
0x5c: {  	[spmem:s12] =	stream.linear.scatter [tilespmem:s23], [sflag:$0x2], $0x2000, $0x38;
	[tilespmem:$0x1FB00] =	vst v63  }
0x5d: {  	_ =	swait.ge [sflag:s20], $0x2000  }
0x5e: {  	[sflag:s20] =	ssyncset.done $0x0  }
0x5f: {  	[sflag:s20] =	ssyncadd.s32 $0xFFFFE000  }
0x60: {  	[spmem:s13] =	stream.linear.scatter [tilespmem:s23], [sflag:$0x2], $0x2000, $0x38;
	[tilespmem:$0x1FB00] =	vst v63  }
0x61: {  	_ =	swait.ge [sflag:s20], $0x2000  }
0x62: {  	[sflag:s20] =	ssyncset.done $0x0  }
0x63: {  	[sflag:s20] =	ssyncadd.s32 $0xFFFFE000  }
0x64: {  	[spmem:s14] =	stream.linear.scatter [tilespmem:s23], [sflag:$0x2], $0x2000, $0x38;
	[tilespmem:$0x1FB00] =	vst v63  }
0x65: {  	_ =	swait.ge [sflag:s20], $0x2000  }
0x66: {  	[sflag:s20] =	ssyncset.done $0x0  }
0x67: {  	[sflag:s20] =	ssyncadd.s32 $0xFFFFE000  }
0x68: {  	[spmem:s15] =	stream.linear.scatter [tilespmem:s24], [sflag:$0x2], $0x280, $0x38;
	[tilespmem:$0x1FB00] =	vst v63  }
0x69: {  	_ =	swait.ge [sflag:s20], $0x280  }
0x6a: {  	[sflag:s20] =	ssyncset.done $0x0  }
0x6b: {  	[sflag:s20] =	ssyncadd.s32 $0xFFFFFD80  }
0x6c: {  	s17 =	simm.s32 $0xA000;
	s2 =	simm.s32 $0x5000;
	[bflag:$0x0] =	sbarrier.arrive $0xFFFF  }
0x6d: {  	[spmem:s4] =	stream.indirect.scatter.add.f32 [tilespmem:s17], [sflag:$0x1], $0x1, s2, s25, $0xb8;
	[tilespmem:$0x1FB00] =	vst v63  }
0x6e: {  	s18 =	simm.s32 $0xA050;
	s19 =	simm.s32 $0x5050  }
0x6f: {  	[spmem:s4] =	stream.indirect.scatter.add.f32 [tilespmem:s18], [sflag:$0x1], $0x1, s19, s25, $0xb8;
	[tilespmem:$0x1FB00] =	vst v63  }
0x70: {  	s21 =	simm.s32 $0xA0A0;
	s22 =	simm.s32 $0x50A0  }
0x71: {  	[spmem:s4] =	stream.indirect.scatter.add.f32 [tilespmem:s21], [sflag:$0x1], $0x1, s22, s25, $0xb8;
	[tilespmem:$0x1FB00] =	vst v63  }
0x72: {  	s6 =	simm.s32 $0xA0F0;
	s7 =	simm.s32 $0x50F0  }
0x73: {  	[spmem:s4] =	stream.indirect.scatter.add.f32 [tilespmem:s6], [sflag:$0x1], $0x1, s7, s25, $0xb8;
	[tilespmem:$0x1FB00] =	vst v63  }
0x74: {  	s8 =	simm.s32 $0xA140;
	s9 =	simm.s32 $0x5140  }
0x75: {  	[spmem:s4] =	stream.indirect.scatter.add.f32 [tilespmem:s8], [sflag:$0x1], $0x1, s9, s25, $0xb8;
	[tilespmem:$0x1FB00] =	vst v63  }
0x76: {  	s16 =	simm.s32 $0xA190;
	s17 =	simm.s32 $0x5190  }
0x77: {  	[spmem:s4] =	stream.indirect.scatter.add.f32 [tilespmem:s16], [sflag:$0x1], $0x1, s17, s25, $0xb8;
	[tilespmem:$0x1FB00] =	vst v63  }
0x78: {  	s18 =	simm.s32 $0xA1E0;
	s19 =	simm.s32 $0x51E0  }
0x79: {  	[spmem:s4] =	stream.indirect.scatter.add.f32 [tilespmem:s18], [sflag:$0x1], $0x1, s19, s25, $0xb8;
	[tilespmem:$0x1FB00] =	vst v63  }
0x7a: {  	s21 =	simm.s32 $0xA230;
	s22 =	simm.s32 $0x5230  }
0x7b: {  	[spmem:s4] =	stream.indirect.scatter.add.f32 [tilespmem:s21], [sflag:$0x1], $0x1, s22, s25, $0xb8;
	[tilespmem:$0x1FB00] =	vst v63  }
0x7c: {  	_ =	swait.ge [sflag:s26], $0x50  }
0x7d: {  	[sflag:s26] =	ssyncset.done $0x0  }
0x7e: {  	[sflag:s26] =	ssyncadd.s32 $0xFFFFFFB0  }
0x7f: {  	_ =	swait.ge [sflag:s26], $0x50  }
0x80: {  	[sflag:s26] =	ssyncset.done $0x0  }
0x81: {  	[sflag:s26] =	ssyncadd.s32 $0xFFFFFFB0  }
0x82: {  	_ =	swait.ge [sflag:s26], $0x50  }
0x83: {  	[sflag:s26] =	ssyncset.done $0x0  }
0x84: {  	[sflag:s26] =	ssyncadd.s32 $0xFFFFFFB0  }
0x85: {  	_ =	swait.ge [sflag:s26], $0x50  }
0x86: {  	[sflag:s26] =	ssyncset.done $0x0  }
0x87: {  	[sflag:s26] =	ssyncadd.s32 $0xFFFFFFB0  }
0x88: {  	_ =	swait.ge [sflag:s26], $0x50  }
0x89: {  	[sflag:s26] =	ssyncset.done $0x0  }
0x8a: {  	[sflag:s26] =	ssyncadd.s32 $0xFFFFFFB0  }
0x8b: {  	_ =	swait.ge [sflag:s26], $0x50  }
0x8c: {  	[sflag:s26] =	ssyncset.done $0x0  }
0x8d: {  	[sflag:s26] =	ssyncadd.s32 $0xFFFFFFB0  }
0x8e: {  	_ =	swait.ge [sflag:s26], $0x50  }
0x8f: {  	[sflag:s26] =	ssyncset.done $0x0  }
0x90: {  	[sflag:s26] =	ssyncadd.s32 $0xFFFFFFB0  }
0x91: {  	_ =	swait.ge [sflag:s26], $0x50  }
0x92: {  	s7 =	simm.s32 $0x1400;
	s6 =	simm.s32 $0x280;
	[sflag:s26] =	ssyncset.done $0x0  }
.LBB2_4:
0x93: {  	s2 =	sadd.s32 $0xA000, s6  }
0x94: {  	s8 =	sadd.s32 $0x5000, s6;
	[sflag:s26] =	ssyncadd.s32 $0xFFFFFFB0;
	s0 =	smov.u32 s7  }
0x95: {  	[spmem:s4] =	stream.indirect.scatter.add.f32 [tilespmem:s2], [sflag:$0x1], $0x1, s8, s25, $0xb8;
	[tilespmem:$0x1FB00] =	vst v63  }
0x96: {  	s9 =	sadd.s32 $0x5050, s6;
	s2 =	sadd.s32 $0xA00, s7;
	s8 =	sadd.s32 $0xA050, s6  }
0x97: {  	[spmem:s4] =	stream.indirect.scatter.add.f32 [tilespmem:s8], [sflag:$0x1], $0x1, s9, s25, $0xb8;
	[tilespmem:$0x1FB00] =	vst v63  }
0x98: {  	p2 =	sne.s32 s7, $0x13600;
	s7 =	sadd.s32 $0xA0A0, s6;
	s8 =	sadd.s32 $0x50A0, s6  }
0x99: {  	[spmem:s4] =	stream.indirect.scatter.add.f32 [tilespmem:s7], [sflag:$0x1], $0x1, s8, s25, $0xb8;
	[tilespmem:$0x1FB00] =	vst v63  }
0x9a: {  	s7 =	sadd.s32 $0xA0F0, s6;
	s8 =	sadd.s32 $0x50F0, s6  }
0x9b: {  	[spmem:s4] =	stream.indirect.scatter.add.f32 [tilespmem:s7], [sflag:$0x1], $0x1, s8, s25, $0xb8;
	[tilespmem:$0x1FB00] =	vst v63  }
0x9c: {  	s7 =	sadd.s32 $0xA140, s6;
	s8 =	sadd.s32 $0x5140, s6  }
0x9d: {  	[spmem:s4] =	stream.indirect.scatter.add.f32 [tilespmem:s7], [sflag:$0x1], $0x1, s8, s25, $0xb8;
	[tilespmem:$0x1FB00] =	vst v63  }
0x9e: {  	s7 =	sadd.s32 $0xA190, s6;
	s8 =	sadd.s32 $0x5190, s6  }
0x9f: {  	[spmem:s4] =	stream.indirect.scatter.add.f32 [tilespmem:s7], [sflag:$0x1], $0x1, s8, s25, $0xb8;
	[tilespmem:$0x1FB00] =	vst v63  }
0xa0: {  	s7 =	sadd.s32 $0xA1E0, s6;
	s8 =	sadd.s32 $0x51E0, s6  }
0xa1: {  	[spmem:s4] =	stream.indirect.scatter.add.f32 [tilespmem:s7], [sflag:$0x1], $0x1, s8, s25, $0xb8;
	[tilespmem:$0x1FB00] =	vst v63  }
0xa2: {  	s7 =	sadd.s32 $0xA230, s6;
	s6 =	sadd.s32 $0x5230, s6  }
0xa3: {  	[spmem:s4] =	stream.indirect.scatter.add.f32 [tilespmem:s7], [sflag:$0x1], $0x1, s6, s25, $0xb8;
	[tilespmem:$0x1FB00] =	vst v63  }
0xa4: {  	_ =	swait.ge [sflag:s26], $0x50  }
0xa5: {  	[sflag:s26] =	ssyncset.done $0x0  }
0xa6: {  	[sflag:s26] =	ssyncadd.s32 $0xFFFFFFB0  }
0xa7: {  	_ =	swait.ge [sflag:s26], $0x50  }
0xa8: {  	[sflag:s26] =	ssyncset.done $0x0  }
0xa9: {  	[sflag:s26] =	ssyncadd.s32 $0xFFFFFFB0  }
0xaa: {  	_ =	swait.ge [sflag:s26], $0x50  }
0xab: {  	[sflag:s26] =	ssyncset.done $0x0  }
0xac: {  	[sflag:s26] =	ssyncadd.s32 $0xFFFFFFB0  }
0xad: {  	_ =	swait.ge [sflag:s26], $0x50  }
0xae: {  	[sflag:s26] =	ssyncset.done $0x0  }
0xaf: {  	[sflag:s26] =	ssyncadd.s32 $0xFFFFFFB0  }
0xb0: {  	_ =	swait.ge [sflag:s26], $0x50  }
0xb1: {  	[sflag:s26] =	ssyncset.done $0x0  }
0xb2: {  	[sflag:s26] =	ssyncadd.s32 $0xFFFFFFB0  }
0xb3: {  	_ =	swait.ge [sflag:s26], $0x50  }
0xb4: {  	[sflag:s26] =	ssyncset.done $0x0  }
0xb5: {  	[sflag:s26] =	ssyncadd.s32 $0xFFFFFFB0  }
.Ltmp1:
0xb6: {  	_ =	swait.ge [sflag:s26], $0x50;
	(pc) =	sbr.rel @p2 .LBB2_4-.Ltmp1, $4  }
0xb7: {  	[sflag:s26] =	ssyncset.done $0x0  }
0xb8: {  	[sflag:s26] =	ssyncadd.s32 $0xFFFFFFB0  }
0xb9: {  	_ =	swait.ge [sflag:s26], $0x50  }
0xba: {  	s6 =	sshra.s32 s0, $0x2;
	s7 =	smov.u32 s2;
	[sflag:s26] =	ssyncset.done $0x0  }
0xbb: {  	s0 =	sadd.s32 $0xA000, s6;
	s2 =	sadd.s32 $0x5000, s6;
	[sflag:s26] =	ssyncadd.s32 $0xFFFFFFB0  }
0xbc: {  	[spmem:s4] =	stream.indirect.scatter.add.f32 [tilespmem:s0], [sflag:$0x1], $0x1, s2, s25, $0xb8;
	[tilespmem:$0x1FB00] =	vst v63  }
0xbd: {  	s18 =	sadd.s32 $0xA050, s6;
	s19 =	sadd.s32 $0x5050, s6  }
0xbe: {  	[spmem:s4] =	stream.indirect.scatter.add.f32 [tilespmem:s18], [sflag:$0x1], $0x1, s19, s25, $0xb8;
	[tilespmem:$0x1FB00] =	vst v63  }
0xbf: {  	s21 =	sadd.s32 $0xA0A0, s6;
	s22 =	sadd.s32 $0x50A0, s6  }
0xc0: {  	[spmem:s4] =	stream.indirect.scatter.add.f32 [tilespmem:s21], [sflag:$0x1], $0x1, s22, s25, $0xb8;
	[tilespmem:$0x1FB00] =	vst v63  }
0xc1: {  	s7 =	sadd.s32 $0x50F0, s6;
	s2 =	sadd.s32 $0xA0F0, s6  }
0xc2: {  	[spmem:s4] =	stream.indirect.scatter.add.f32 [tilespmem:s2], [sflag:$0x1], $0x1, s7, s25, $0xb8;
	[tilespmem:$0x1FB00] =	vst v63  }
0xc3: {  	s8 =	sadd.s32 $0xA140, s6;
	s9 =	sadd.s32 $0x5140, s6  }
0xc4: {  	[spmem:s4] =	stream.indirect.scatter.add.f32 [tilespmem:s8], [sflag:$0x1], $0x1, s9, s25, $0xb8;
	[tilespmem:$0x1FB00] =	vst v63  }
0xc5: {  	s16 =	sadd.s32 $0xA190, s6;
	s17 =	sadd.s32 $0x5190, s6  }
0xc6: {  	[spmem:s4] =	stream.indirect.scatter.add.f32 [tilespmem:s16], [sflag:$0x1], $0x1, s17, s25, $0xb8;
	[tilespmem:$0x1FB00] =	vst v63  }
0xc7: {  	s18 =	sadd.s32 $0xA1E0, s6;
	s19 =	sadd.s32 $0x51E0, s6  }
0xc8: {  	[spmem:s4] =	stream.indirect.scatter.add.f32 [tilespmem:s18], [sflag:$0x1], $0x1, s19, s25, $0xb8;
	[tilespmem:$0x1FB00] =	vst v63  }
0xc9: {  	s21 =	sadd.s32 $0xA230, s6;
	s22 =	sadd.s32 $0x5230, s6  }
0xca: {  	[spmem:s4] =	stream.indirect.scatter.add.f32 [tilespmem:s21], [sflag:$0x1], $0x1, s22, s25, $0xb8;
	[tilespmem:$0x1FB00] =	vst v63  }
0xcb: {  	_ =	swait.ge [sflag:s26], $0x50  }
0xcc: {  	[sflag:s26] =	ssyncset.done $0x0  }
0xcd: {  	[sflag:s26] =	ssyncadd.s32 $0xFFFFFFB0  }
0xce: {  	_ =	swait.ge [sflag:s26], $0x50  }
0xcf: {  	[sflag:s26] =	ssyncset.done $0x0  }
0xd0: {  	[sflag:s26] =	ssyncadd.s32 $0xFFFFFFB0  }
0xd1: {  	_ =	swait.ge [sflag:s26], $0x50  }
0xd2: {  	[sflag:s26] =	ssyncset.done $0x0  }
0xd3: {  	[sflag:s26] =	ssyncadd.s32 $0xFFFFFFB0  }
0xd4: {  	_ =	swait.ge [sflag:s26], $0x50  }
0xd5: {  	[sflag:s26] =	ssyncset.done $0x0  }
0xd6: {  	[sflag:s26] =	ssyncadd.s32 $0xFFFFFFB0  }
0xd7: {  	_ =	swait.ge [sflag:s26], $0x50  }
0xd8: {  	[sflag:s26] =	ssyncset.done $0x0  }
0xd9: {  	[sflag:s26] =	ssyncadd.s32 $0xFFFFFFB0  }
0xda: {  	_ =	swait.ge [sflag:s26], $0x50  }
0xdb: {  	[sflag:s26] =	ssyncset.done $0x0  }
0xdc: {  	[sflag:s26] =	ssyncadd.s32 $0xFFFFFFB0  }
0xdd: {  	_ =	swait.ge [sflag:s26], $0x50  }
0xde: {  	[sflag:s26] =	ssyncset.done $0x0  }
0xdf: {  	[sflag:s26] =	ssyncadd.s32 $0xFFFFFFB0  }
0xe0: {  	_ =	swait.ge [sflag:s26], $0x50  }
0xe1: {  	[sflag:s26] =	ssyncset.done $0x0  }
0xe2: {  	[sflag:s26] =	ssyncadd.s32 $0xFFFFFFB0  }
0xe3: {  	[bflag:$0x0] =	sbarrier.arrive $0xFFFF  }
0xe4: {  	[tilespmem:s24], [sflag:$0x2] =	stream.linear.gather [spmem:s15], $0x280, $0x38;
	[tilespmem:$0x1FB00] =	vst v63  }
0xe5: {  	_ =	swait.ge [sflag:s20], $0x280  }
0xe6: {  	[sflag:s20] =	ssyncset.done $0x0  }
0xe7: {  	s2 =	simm.s32 $0x0;
	s21 =	simm.s32 $0x40;
	[sflag:s20] =	ssyncadd.s32 $0xFFFFFD80  }
.LBB2_6:
0xe8: {  	p2 =	sne.s32 s21, $0x9C0;
	v2 =	vld [tilespmem:s2+$0x12E00];
	_ =	sdelay $0x4  }
0xe9: {  	v2 =	vadd.f32 $1.000000000e+00, v2;
	_ =	sdelay $0x1  }
0xea: {  	v3 =	vadd.f32 $1.000000000e+00, v2;
	_ =	sdelay $0x1  }
0xeb: {  	v3 =	vmul.f32 $5.000000000e-01, v3;
	_ =	sdelay $0x1  }
0xec: {  	(erf) = vrcp.f32 v3;
	_ =	sdelay $0x8  }
0xed: {  	v4 =	vpop (erf)  }
0xee: {  	v4 =	vmul.f32 v4, v2;
	_ =	sdelay $0x1  }
0xef: {  	v3 =	vadd.f32 v4, v3;
	_ =	sdelay $0x1  }
0xf0: {  	v3 =	vmul.f32 $5.000000000e-01, v3;
	_ =	sdelay $0x1  }
0xf1: {  	(erf) = vrcp.f32 v3;
	_ =	sdelay $0x8  }
0xf2: {  	v4 =	vpop (erf)  }
0xf3: {  	v4 =	vmul.f32 v4, v2;
	_ =	sdelay $0x1  }
0xf4: {  	v3 =	vadd.f32 v4, v3;
	_ =	sdelay $0x1  }
0xf5: {  	v3 =	vmul.f32 $5.000000000e-01, v3;
	_ =	sdelay $0x1  }
0xf6: {  	(erf) = vrcp.f32 v3;
	_ =	sdelay $0x8  }
0xf7: {  	v4 =	vpop (erf)  }
0xf8: {  	v4 =	vmul.f32 v4, v2;
	_ =	sdelay $0x1  }
0xf9: {  	v3 =	vadd.f32 v4, v3;
	_ =	sdelay $0x1  }
0xfa: {  	v3 =	vmul.f32 $5.000000000e-01, v3;
	_ =	sdelay $0x1  }
0xfb: {  	(erf) = vrcp.f32 v3;
	_ =	sdelay $0x8  }
0xfc: {  	v4 =	vpop (erf)  }
0xfd: {  	v4 =	vmul.f32 v4, v2;
	_ =	sdelay $0x1  }
0xfe: {  	v3 =	vadd.f32 v4, v3;
	_ =	sdelay $0x1  }
0xff: {  	v3 =	vmul.f32 $5.000000000e-01, v3;
	_ =	sdelay $0x1  }
0x100: {  	(erf) = vrcp.f32 v3;
	_ =	sdelay $0x8  }
0x101: {  	v4 =	vpop (erf)  }
0x102: {  	v4 =	vmul.f32 v4, v2;
	_ =	sdelay $0x1  }
0x103: {  	v3 =	vadd.f32 v4, v3;
	_ =	sdelay $0x1  }
0x104: {  	v3 =	vmul.f32 $5.000000000e-01, v3;
	_ =	sdelay $0x1  }
0x105: {  	(erf) = vrcp.f32 v3;
	_ =	sdelay $0x8  }
0x106: {  	v4 =	vpop (erf)  }
0x107: {  	v4 =	vmul.f32 v4, v2;
	_ =	sdelay $0x1  }
0x108: {  	v3 =	vadd.f32 v4, v3;
	_ =	sdelay $0x1  }
0x109: {  	v3 =	vmul.f32 $5.000000000e-01, v3;
	_ =	sdelay $0x1  }
0x10a: {  	(erf) = vrcp.f32 v3;
	_ =	sdelay $0x8  }
0x10b: {  	v4 =	vpop (erf)  }
0x10c: {  	v4 =	vmul.f32 v4, v2;
	_ =	sdelay $0x1  }
0x10d: {  	v3 =	vadd.f32 v4, v3;
	_ =	sdelay $0x1  }
0x10e: {  	v3 =	vmul.f32 $5.000000000e-01, v3;
	_ =	sdelay $0x1  }
0x10f: {  	(erf) = vrcp.f32 v3;
	_ =	sdelay $0x8  }
0x110: {  	v4 =	vpop (erf)  }
0x111: {  	v4 =	vmul.f32 v4, v2;
	_ =	sdelay $0x1  }
0x112: {  	v3 =	vadd.f32 v4, v3;
	_ =	sdelay $0x1  }
0x113: {  	v3 =	vmul.f32 $5.000000000e-01, v3;
	_ =	sdelay $0x1  }
0x114: {  	(erf) = vrcp.f32 v3;
	_ =	sdelay $0x8  }
0x115: {  	v4 =	vpop (erf)  }
0x116: {  	v4 =	vmul.f32 v4, v2;
	_ =	sdelay $0x1  }
0x117: {  	v3 =	vadd.f32 v4, v3;
	_ =	sdelay $0x1  }
0x118: {  	v3 =	vmul.f32 $5.000000000e-01, v3;
	_ =	sdelay $0x1  }
0x119: {  	(erf) = vrcp.f32 v3;
	_ =	sdelay $0x8  }
0x11a: {  	v4 =	vpop (erf)  }
0x11b: {  	v4 =	vmul.f32 v4, v2;
	_ =	sdelay $0x1  }
0x11c: {  	v3 =	vadd.f32 v4, v3;
	_ =	sdelay $0x1  }
0x11d: {  	v3 =	vmul.f32 $5.000000000e-01, v3;
	_ =	sdelay $0x1  }
0x11e: {  	(erf) = vrcp.f32 v3;
	_ =	sdelay $0x8  }
0x11f: {  	v4 =	vpop (erf)  }
0x120: {  	v4 =	vmul.f32 v4, v2;
	_ =	sdelay $0x1  }
0x121: {  	v3 =	vadd.f32 v4, v3;
	_ =	sdelay $0x1  }
0x122: {  	v3 =	vmul.f32 $5.000000000e-01, v3;
	_ =	sdelay $0x1  }
0x123: {  	(erf) = vrcp.f32 v3;
	_ =	sdelay $0x8  }
0x124: {  	v4 =	vpop (erf)  }
0x125: {  	v4 =	vmul.f32 v4, v2;
	_ =	sdelay $0x1  }
0x126: {  	v3 =	vadd.f32 v4, v3;
	_ =	sdelay $0x1  }
0x127: {  	v3 =	vmul.f32 $5.000000000e-01, v3;
	_ =	sdelay $0x1  }
0x128: {  	(erf) = vrcp.f32 v3;
	_ =	sdelay $0x8  }
0x129: {  	v4 =	vpop (erf)  }
0x12a: {  	v4 =	vmul.f32 v4, v2;
	_ =	sdelay $0x1  }
0x12b: {  	v3 =	vadd.f32 v4, v3;
	_ =	sdelay $0x1  }
0x12c: {  	v3 =	vmul.f32 $5.000000000e-01, v3;
	_ =	sdelay $0x1  }
0x12d: {  	(erf) = vrcp.f32 v3;
	_ =	sdelay $0x8  }
0x12e: {  	v4 =	vpop (erf)  }
0x12f: {  	v4 =	vmul.f32 v4, v2;
	_ =	sdelay $0x1  }
0x130: {  	v3 =	vadd.f32 v4, v3;
	_ =	sdelay $0x1  }
0x131: {  	v3 =	vmul.f32 $5.000000000e-01, v3;
	_ =	sdelay $0x1  }
0x132: {  	(erf) = vrcp.f32 v3;
	_ =	sdelay $0x8  }
0x133: {  	v4 =	vpop (erf)  }
0x134: {  	v4 =	vmul.f32 v4, v2;
	_ =	sdelay $0x1  }
0x135: {  	v3 =	vadd.f32 v4, v3;
	_ =	sdelay $0x1  }
0x136: {  	v3 =	vmul.f32 $5.000000000e-01, v3;
	_ =	sdelay $0x1  }
0x137: {  	(erf) = vrcp.f32 v3;
	_ =	sdelay $0x8  }
0x138: {  	v4 =	vpop (erf)  }
0x139: {  	v4 =	vmul.f32 v4, v2;
	_ =	sdelay $0x1  }
0x13a: {  	v3 =	vadd.f32 v4, v3;
	_ =	sdelay $0x1  }
0x13b: {  	v3 =	vmul.f32 $5.000000000e-01, v3;
	_ =	sdelay $0x1  }
0x13c: {  	(erf) = vrcp.f32 v3;
	_ =	sdelay $0x8  }
0x13d: {  	v4 =	vpop (erf)  }
0x13e: {  	v4 =	vmul.f32 v4, v2;
	_ =	sdelay $0x1  }
0x13f: {  	v3 =	vadd.f32 v4, v3;
	_ =	sdelay $0x1  }
0x140: {  	v3 =	vmul.f32 $5.000000000e-01, v3;
	_ =	sdelay $0x1  }
0x141: {  	(erf) = vrcp.f32 v3;
	_ =	sdelay $0x8  }
0x142: {  	v4 =	vpop (erf)  }
0x143: {  	v4 =	vmul.f32 v4, v2;
	_ =	sdelay $0x1  }
0x144: {  	v3 =	vadd.f32 v4, v3;
	_ =	sdelay $0x1  }
0x145: {  	v3 =	vmul.f32 $5.000000000e-01, v3;
	_ =	sdelay $0x1  }
0x146: {  	(erf) = vrcp.f32 v3;
	_ =	sdelay $0x8  }
0x147: {  	v4 =	vpop (erf)  }
0x148: {  	v4 =	vmul.f32 v4, v2;
	_ =	sdelay $0x1  }
0x149: {  	v3 =	vadd.f32 v4, v3;
	_ =	sdelay $0x1  }
0x14a: {  	v3 =	vmul.f32 $5.000000000e-01, v3;
	_ =	sdelay $0x1  }
0x14b: {  	(erf) = vrcp.f32 v3;
	_ =	sdelay $0x8  }
0x14c: {  	v4 =	vpop (erf)  }
0x14d: {  	v4 =	vmul.f32 v4, v2;
	_ =	sdelay $0x1  }
0x14e: {  	v3 =	vadd.f32 v4, v3;
	_ =	sdelay $0x1  }
0x14f: {  	v3 =	vmul.f32 $5.000000000e-01, v3;
	_ =	sdelay $0x1  }
0x150: {  	(erf) = vrcp.f32 v3;
	_ =	sdelay $0x8  }
0x151: {  	v4 =	vpop (erf)  }
0x152: {  	v4 =	vmul.f32 v4, v2;
	_ =	sdelay $0x1  }
0x153: {  	v3 =	vadd.f32 v4, v3;
	_ =	sdelay $0x1  }
0x154: {  	v3 =	vmul.f32 $5.000000000e-01, v3;
	_ =	sdelay $0x1  }
0x155: {  	(erf) = vrcp.f32 v3;
	_ =	sdelay $0x8  }
0x156: {  	v4 =	vpop (erf)  }
0x157: {  	v4 =	vmul.f32 v4, v2;
	_ =	sdelay $0x1  }
0x158: {  	v3 =	vadd.f32 v4, v3;
	_ =	sdelay $0x1  }
0x159: {  	v3 =	vmul.f32 $5.000000000e-01, v3;
	_ =	sdelay $0x1  }
0x15a: {  	(erf) = vrcp.f32 v3;
	_ =	sdelay $0x8  }
0x15b: {  	v4 =	vpop (erf)  }
0x15c: {  	v4 =	vmul.f32 v4, v2;
	_ =	sdelay $0x1  }
0x15d: {  	v3 =	vadd.f32 v4, v3;
	_ =	sdelay $0x1  }
0x15e: {  	v3 =	vmul.f32 $5.000000000e-01, v3;
	_ =	sdelay $0x1  }
0x15f: {  	(erf) = vrcp.f32 v3;
	_ =	sdelay $0x8  }
0x160: {  	v4 =	vpop (erf)  }
0x161: {  	v2 =	vmul.f32 v4, v2;
	_ =	sdelay $0x1  }
0x162: {  	v2 =	vadd.f32 v2, v3;
	_ =	sdelay $0x1  }
0x163: {  	v2 =	vmul.f32 $5.000000000e-01, v2;
	_ =	sdelay $0x1  }
0x164: {  	(erf) = vrcp.f32 v2;
	_ =	sdelay $0x5  }
.Ltmp2:
0x165: {  	(pc) =	sbr.rel @p2 .LBB2_6-.Ltmp2, $3  }
0x166: {  	_ =	sdelay $0x1  }
0x167: {  	v2 =	vpop (erf)  }
0x168: {  	[tilespmem:s2+$0x12E00] =	vst v2;
	s2 =	sshra.s32 s21, $0x2;
	s21 =	sadd.s32 $0x40, s21  }
0x169: {  	v2 =	vld [tilespmem:s2+$0x12E00];
	_ =	sdelay $0x4  }
0x16a: {  	v2 =	vadd.f32 $1.000000000e+00, v2;
	_ =	sdelay $0x1  }
0x16b: {  	v3 =	vadd.f32 $1.000000000e+00, v2;
	_ =	sdelay $0x1  }
0x16c: {  	v3 =	vmul.f32 $5.000000000e-01, v3;
	_ =	sdelay $0x1  }
0x16d: {  	(erf) = vrcp.f32 v3;
	_ =	sdelay $0x8  }
0x16e: {  	v4 =	vpop (erf)  }
0x16f: {  	v4 =	vmul.f32 v4, v2;
	_ =	sdelay $0x1  }
0x170: {  	v3 =	vadd.f32 v4, v3;
	_ =	sdelay $0x1  }
0x171: {  	v3 =	vmul.f32 $5.000000000e-01, v3;
	_ =	sdelay $0x1  }
0x172: {  	(erf) = vrcp.f32 v3;
	_ =	sdelay $0x8  }
0x173: {  	v4 =	vpop (erf)  }
0x174: {  	v4 =	vmul.f32 v4, v2;
	_ =	sdelay $0x1  }
0x175: {  	v3 =	vadd.f32 v4, v3;
	_ =	sdelay $0x1  }
0x176: {  	v3 =	vmul.f32 $5.000000000e-01, v3;
	_ =	sdelay $0x1  }
0x177: {  	(erf) = vrcp.f32 v3;
	_ =	sdelay $0x8  }
0x178: {  	v4 =	vpop (erf)  }
0x179: {  	v4 =	vmul.f32 v4, v2;
	_ =	sdelay $0x1  }
0x17a: {  	v3 =	vadd.f32 v4, v3;
	_ =	sdelay $0x1  }
0x17b: {  	v3 =	vmul.f32 $5.000000000e-01, v3;
	_ =	sdelay $0x1  }
0x17c: {  	(erf) = vrcp.f32 v3;
	_ =	sdelay $0x8  }
0x17d: {  	v4 =	vpop (erf)  }
0x17e: {  	v4 =	vmul.f32 v4, v2;
	_ =	sdelay $0x1  }
0x17f: {  	v3 =	vadd.f32 v4, v3;
	_ =	sdelay $0x1  }
0x180: {  	v3 =	vmul.f32 $5.000000000e-01, v3;
	_ =	sdelay $0x1  }
0x181: {  	(erf) = vrcp.f32 v3;
	_ =	sdelay $0x8  }
0x182: {  	v4 =	vpop (erf)  }
0x183: {  	v4 =	vmul.f32 v4, v2;
	_ =	sdelay $0x1  }
0x184: {  	v3 =	vadd.f32 v4, v3;
	_ =	sdelay $0x1  }
0x185: {  	v3 =	vmul.f32 $5.000000000e-01, v3;
	_ =	sdelay $0x1  }
0x186: {  	(erf) = vrcp.f32 v3;
	_ =	sdelay $0x8  }
0x187: {  	v4 =	vpop (erf)  }
0x188: {  	v4 =	vmul.f32 v4, v2;
	_ =	sdelay $0x1  }
0x189: {  	v3 =	vadd.f32 v4, v3;
	_ =	sdelay $0x1  }
0x18a: {  	v3 =	vmul.f32 $5.000000000e-01, v3;
	_ =	sdelay $0x1  }
0x18b: {  	(erf) = vrcp.f32 v3;
	_ =	sdelay $0x8  }
0x18c: {  	v4 =	vpop (erf)  }
0x18d: {  	v4 =	vmul.f32 v4, v2;
	_ =	sdelay $0x1  }
0x18e: {  	v3 =	vadd.f32 v4, v3;
	_ =	sdelay $0x1  }
0x18f: {  	v3 =	vmul.f32 $5.000000000e-01, v3;
	_ =	sdelay $0x1  }
0x190: {  	(erf) = vrcp.f32 v3;
	_ =	sdelay $0x8  }
0x191: {  	v4 =	vpop (erf)  }
0x192: {  	v4 =	vmul.f32 v4, v2;
	_ =	sdelay $0x1  }
0x193: {  	v3 =	vadd.f32 v4, v3;
	_ =	sdelay $0x1  }
0x194: {  	v3 =	vmul.f32 $5.000000000e-01, v3;
	_ =	sdelay $0x1  }
0x195: {  	(erf) = vrcp.f32 v3;
	_ =	sdelay $0x8  }
0x196: {  	v4 =	vpop (erf)  }
0x197: {  	v4 =	vmul.f32 v4, v2;
	_ =	sdelay $0x1  }
0x198: {  	v3 =	vadd.f32 v4, v3;
	_ =	sdelay $0x1  }
0x199: {  	v3 =	vmul.f32 $5.000000000e-01, v3;
	_ =	sdelay $0x1  }
0x19a: {  	(erf) = vrcp.f32 v3;
	_ =	sdelay $0x8  }
0x19b: {  	v4 =	vpop (erf)  }
0x19c: {  	v4 =	vmul.f32 v4, v2;
	_ =	sdelay $0x1  }
0x19d: {  	v3 =	vadd.f32 v4, v3;
	_ =	sdelay $0x1  }
0x19e: {  	v3 =	vmul.f32 $5.000000000e-01, v3;
	_ =	sdelay $0x1  }
0x19f: {  	(erf) = vrcp.f32 v3;
	_ =	sdelay $0x8  }
0x1a0: {  	v4 =	vpop (erf)  }
0x1a1: {  	v4 =	vmul.f32 v4, v2;
	_ =	sdelay $0x1  }
0x1a2: {  	v3 =	vadd.f32 v4, v3;
	_ =	sdelay $0x1  }
0x1a3: {  	v3 =	vmul.f32 $5.000000000e-01, v3;
	_ =	sdelay $0x1  }
0x1a4: {  	(erf) = vrcp.f32 v3;
	_ =	sdelay $0x8  }
0x1a5: {  	v4 =	vpop (erf)  }
0x1a6: {  	v4 =	vmul.f32 v4, v2;
	_ =	sdelay $0x1  }
0x1a7: {  	v3 =	vadd.f32 v4, v3;
	_ =	sdelay $0x1  }
0x1a8: {  	v3 =	vmul.f32 $5.000000000e-01, v3;
	_ =	sdelay $0x1  }
0x1a9: {  	(erf) = vrcp.f32 v3;
	_ =	sdelay $0x8  }
0x1aa: {  	v4 =	vpop (erf)  }
0x1ab: {  	v4 =	vmul.f32 v4, v2;
	_ =	sdelay $0x1  }
0x1ac: {  	v3 =	vadd.f32 v4, v3;
	_ =	sdelay $0x1  }
0x1ad: {  	v3 =	vmul.f32 $5.000000000e-01, v3;
	_ =	sdelay $0x1  }
0x1ae: {  	(erf) = vrcp.f32 v3;
	_ =	sdelay $0x8  }
0x1af: {  	v4 =	vpop (erf)  }
0x1b0: {  	v4 =	vmul.f32 v4, v2;
	_ =	sdelay $0x1  }
0x1b1: {  	v3 =	vadd.f32 v4, v3;
	_ =	sdelay $0x1  }
0x1b2: {  	v3 =	vmul.f32 $5.000000000e-01, v3;
	_ =	sdelay $0x1  }
0x1b3: {  	(erf) = vrcp.f32 v3;
	_ =	sdelay $0x8  }
0x1b4: {  	v4 =	vpop (erf)  }
0x1b5: {  	v4 =	vmul.f32 v4, v2;
	_ =	sdelay $0x1  }
0x1b6: {  	v3 =	vadd.f32 v4, v3;
	_ =	sdelay $0x1  }
0x1b7: {  	v3 =	vmul.f32 $5.000000000e-01, v3;
	_ =	sdelay $0x1  }
0x1b8: {  	(erf) = vrcp.f32 v3;
	_ =	sdelay $0x8  }
0x1b9: {  	v4 =	vpop (erf)  }
0x1ba: {  	v4 =	vmul.f32 v4, v2;
	_ =	sdelay $0x1  }
0x1bb: {  	v3 =	vadd.f32 v4, v3;
	_ =	sdelay $0x1  }
0x1bc: {  	v3 =	vmul.f32 $5.000000000e-01, v3;
	_ =	sdelay $0x1  }
0x1bd: {  	(erf) = vrcp.f32 v3;
	_ =	sdelay $0x8  }
0x1be: {  	v4 =	vpop (erf)  }
0x1bf: {  	v4 =	vmul.f32 v4, v2;
	_ =	sdelay $0x1  }
0x1c0: {  	v3 =	vadd.f32 v4, v3;
	_ =	sdelay $0x1  }
0x1c1: {  	v3 =	vmul.f32 $5.000000000e-01, v3;
	_ =	sdelay $0x1  }
0x1c2: {  	(erf) = vrcp.f32 v3;
	_ =	sdelay $0x8  }
0x1c3: {  	v4 =	vpop (erf)  }
0x1c4: {  	v4 =	vmul.f32 v4, v2;
	_ =	sdelay $0x1  }
0x1c5: {  	v3 =	vadd.f32 v4, v3;
	_ =	sdelay $0x1  }
0x1c6: {  	v3 =	vmul.f32 $5.000000000e-01, v3;
	_ =	sdelay $0x1  }
0x1c7: {  	(erf) = vrcp.f32 v3;
	_ =	sdelay $0x8  }
0x1c8: {  	v4 =	vpop (erf)  }
0x1c9: {  	v4 =	vmul.f32 v4, v2;
	_ =	sdelay $0x1  }
0x1ca: {  	v3 =	vadd.f32 v4, v3;
	_ =	sdelay $0x1  }
0x1cb: {  	v3 =	vmul.f32 $5.000000000e-01, v3;
	_ =	sdelay $0x1  }
0x1cc: {  	(erf) = vrcp.f32 v3;
	_ =	sdelay $0x8  }
0x1cd: {  	v4 =	vpop (erf)  }
0x1ce: {  	v4 =	vmul.f32 v4, v2;
	_ =	sdelay $0x1  }
0x1cf: {  	v3 =	vadd.f32 v4, v3;
	_ =	sdelay $0x1  }
0x1d0: {  	v3 =	vmul.f32 $5.000000000e-01, v3;
	_ =	sdelay $0x1  }
0x1d1: {  	(erf) = vrcp.f32 v3;
	_ =	sdelay $0x8  }
0x1d2: {  	v4 =	vpop (erf)  }
0x1d3: {  	v4 =	vmul.f32 v4, v2;
	_ =	sdelay $0x1  }
0x1d4: {  	v3 =	vadd.f32 v4, v3;
	_ =	sdelay $0x1  }
0x1d5: {  	v3 =	vmul.f32 $5.000000000e-01, v3;
	_ =	sdelay $0x1  }
0x1d6: {  	(erf) = vrcp.f32 v3;
	_ =	sdelay $0x8  }
0x1d7: {  	v4 =	vpop (erf)  }
0x1d8: {  	v4 =	vmul.f32 v4, v2;
	_ =	sdelay $0x1  }
0x1d9: {  	v3 =	vadd.f32 v4, v3;
	_ =	sdelay $0x1  }
0x1da: {  	v3 =	vmul.f32 $5.000000000e-01, v3;
	_ =	sdelay $0x1  }
0x1db: {  	(erf) = vrcp.f32 v3;
	_ =	sdelay $0x8  }
0x1dc: {  	v4 =	vpop (erf)  }
0x1dd: {  	v4 =	vmul.f32 v4, v2;
	_ =	sdelay $0x1  }
0x1de: {  	v3 =	vadd.f32 v4, v3;
	_ =	sdelay $0x1  }
0x1df: {  	v3 =	vmul.f32 $5.000000000e-01, v3;
	_ =	sdelay $0x1  }
0x1e0: {  	(erf) = vrcp.f32 v3;
	_ =	sdelay $0x8  }
0x1e1: {  	v4 =	vpop (erf)  }
0x1e2: {  	v2 =	vmul.f32 v4, v2;
	_ =	sdelay $0x1  }
0x1e3: {  	v2 =	vadd.f32 v2, v3;
	_ =	sdelay $0x1  }
0x1e4: {  	v2 =	vmul.f32 $5.000000000e-01, v2;
	_ =	sdelay $0x1  }
0x1e5: {  	(erf) = vrcp.f32 v2;
	_ =	sdelay $0x8  }
0x1e6: {  	v2 =	vpop (erf)  }
0x1e7: {  	[tilespmem:s2+$0x12E00] =	vst v2  }
0x1e8: {  	[spmem:s15] =	stream.linear.scatter [tilespmem:s24], [sflag:$0x2], $0x280, $0x38;
	[tilespmem:$0x1FB00] =	vst v63  }
0x1e9: {  	_ =	swait.ge [sflag:s20], $0x280  }
0x1ea: {  	[sflag:s20] =	ssyncset.done $0x0  }
0x1eb: {  	[sflag:s20] =	ssyncadd.s32 $0xFFFFFD80  }
0x1ec: {  	[bflag:$0x0] =	sbarrier.arrive $0xFFFF  }
0x1ed: {  	[tilespmem:s28], [sflag:$0x2] =	stream.linear.gather [spmem:s4], $0x2800, $0x38;
	[tilespmem:$0x1FB00] =	vst v63  }
0x1ee: {  	_ =	swait.ge [sflag:s20], $0x2800  }
0x1ef: {  	s0 =	simm.s32 @!p0 $0x0;
	[sflag:s20] =	ssyncset.done $0x0  }
0x1f0: {  	s2 =	simm.s32 @!p0 $0x13080;
	s6 =	rddreg [dreg:$0x5];
	[sflag:s20] =	ssyncadd.s32 $0xFFFFD800  }
0x1f1: {  	[hbm4b:s6+s0] =	stream.linear.scatter @!p0 [tilespmem:s2], [sflag:$0x2], $0x2800, $0x38;
	[tilespmem:$0x1FB00] =	vst v63  }
0x1f2: {  	s0 =	simm.s32 @!p0 $0x2  }
0x1f3: {  	_ =	swait.ge @!p0 [sflag:s0], $0x2800  }
0x1f4: {  	[sflag:s0] =	ssyncset.done @!p0 $0x0  }
0x1f5: {  	[sflag:s0] =	ssyncadd.s32 @!p0 $0xFFFFD800;
	s0 =	simm.s32 $0x0  }
0x1f6: {  	v2 =	vld [tilespmem:s0+$0x0];
	_ =	sdelay $0x1  }
0x1f7: {  	v3 =	vld [tilespmem:s0+$0x5000];
	_ =	sdelay $0x4  }
0x1f8: {  	v4 =	vld [tilespmem:s0+$0xA000]  }
0x1f9: {  	v2 =	vld.idx.msk [tilespmem:v2+s28+$0x0], $0xffff  }
0x1fa: {  	v5 =	vld [tilespmem:s0+$0x10]  }
0x1fb: {  	v3 =	vld.idx.msk [tilespmem:v3+s28+$0x0], $0xffff  }
0x1fc: {  	v6 =	vld [tilespmem:s0+$0x5010];
	_ =	sdelay $0x1  }
0x1fd: {  	v2 =	vmul.f32 v2, v4;
	_ =	sdelay $0x1  }
0x1fe: {  	v2 =	vmul.f32 v3, v2;
	_ =	sdelay $0x1  }
0x1ff: {  	v3 =	vld [tilespmem:s0+$0xA010];
	[tilespmem:s0+$0xA000] =	vst v2  }
0x200: {  	v2 =	vld.idx.msk [tilespmem:v5+s28+$0x0], $0xffff  }
0x201: {  	v4 =	vld.idx.msk [tilespmem:v6+s28+$0x0], $0xffff  }
0x202: {  	v5 =	vld [tilespmem:s0+$0x20]  }
0x203: {  	v6 =	vld [tilespmem:s0+$0x5020];
	_ =	sdelay $0x1  }
0x204: {  	v2 =	vmul.f32 v2, v3;
	_ =	sdelay $0x1  }
0x205: {  	v2 =	vmul.f32 v4, v2;
	_ =	sdelay $0x1  }
0x206: {  	v3 =	vld [tilespmem:s0+$0xA020];
	[tilespmem:s0+$0xA010] =	vst v2  }
0x207: {  	v2 =	vld.idx.msk [tilespmem:v5+s28+$0x0], $0xffff  }
0x208: {  	v4 =	vld.idx.msk [tilespmem:v6+s28+$0x0], $0xffff  }
0x209: {  	v5 =	vld [tilespmem:s0+$0x30]  }
0x20a: {  	v6 =	vld [tilespmem:s0+$0x5030];
	_ =	sdelay $0x1  }
0x20b: {  	v2 =	vmul.f32 v2, v3;
	_ =	sdelay $0x1  }
0x20c: {  	v2 =	vmul.f32 v4, v2;
	_ =	sdelay $0x1  }
0x20d: {  	v3 =	vld [tilespmem:s0+$0xA030];
	[tilespmem:s0+$0xA020] =	vst v2  }
0x20e: {  	v2 =	vld.idx.msk [tilespmem:v5+s28+$0x0], $0xffff  }
0x20f: {  	v4 =	vld.idx.msk [tilespmem:v6+s28+$0x0], $0xffff  }
0x210: {  	v5 =	vld [tilespmem:s0+$0x40]  }
0x211: {  	v6 =	vld [tilespmem:s0+$0x5040];
	_ =	sdelay $0x1  }
0x212: {  	v2 =	vmul.f32 v2, v3;
	_ =	sdelay $0x1  }
0x213: {  	v2 =	vmul.f32 v4, v2;
	_ =	sdelay $0x1  }
0x214: {  	[tilespmem:s0+$0xA030] =	vst v2;
	v2 =	vld [tilespmem:s0+$0xA040]  }
0x215: {  	v4 =	vld.idx.msk [tilespmem:v5+s28+$0x0], $0xffff  }
0x216: {  	s6 =	simm.s32 $0x50;
	s2 =	simm.s32 $0x280;
	v3 =	vld.idx.msk [tilespmem:v6+s28+$0x0], $0xffff  }
.LBB2_8:
0x217: {  	p2 =	sne.s32 s2, $0x13EC0;
	v5 =	vld [tilespmem:s6+$0x0]  }
0x218: {  	v6 =	vld [tilespmem:s6+$0x5000];
	_ =	sdelay $0x1  }
0x219: {  	v2 =	vmul.f32 v4, v2;
	_ =	sdelay $0x1  }
0x21a: {  	v2 =	vmul.f32 v3, v2;
	_ =	sdelay $0x1  }
0x21b: {  	v3 =	vld [tilespmem:s6+$0xA000];
	[tilespmem:s0+$0xA040] =	vst v2;
	s0 =	smov.u32 s6  }
0x21c: {  	v2 =	vld.idx.msk [tilespmem:v5+s28+$0x0], $0xffff  }
0x21d: {  	v4 =	vld.idx.msk [tilespmem:v6+s28+$0x0], $0xffff;
	_ =	sdelay $0x1  }
0x21e: {  	v5 =	vld [tilespmem:s0+$0x10];
	_ =	sdelay $0x1  }
0x21f: {  	v6 =	vld [tilespmem:s0+$0x5010]  }
0x220: {  	v2 =	vmul.f32 v2, v3;
	_ =	sdelay $0x1  }
0x221: {  	v2 =	vmul.f32 v4, v2;
	_ =	sdelay $0x1  }
0x222: {  	[tilespmem:s0+$0xA000] =	vst v2  }
0x223: {  	v2 =	vld.idx.msk [tilespmem:v5+s28+$0x0], $0xffff  }
0x224: {  	v3 =	vld [tilespmem:s0+$0xA010]  }
0x225: {  	v4 =	vld.idx.msk [tilespmem:v6+s28+$0x0], $0xffff  }
0x226: {  	v5 =	vld [tilespmem:s0+$0x20];
	_ =	sdelay $0x1  }
0x227: {  	v6 =	vld [tilespmem:s0+$0x5020]  }
0x228: {  	v2 =	vmul.f32 v2, v3;
	_ =	sdelay $0x1  }
0x229: {  	v2 =	vmul.f32 v4, v2;
	_ =	sdelay $0x1  }
0x22a: {  	[tilespmem:s0+$0xA010] =	vst v2  }
0x22b: {  	v2 =	vld.idx.msk [tilespmem:v5+s28+$0x0], $0xffff  }
0x22c: {  	v3 =	vld [tilespmem:s0+$0xA020]  }
0x22d: {  	v4 =	vld.idx.msk [tilespmem:v6+s28+$0x0], $0xffff  }
0x22e: {  	v5 =	vld [tilespmem:s0+$0x30];
	_ =	sdelay $0x1  }
0x22f: {  	v6 =	vld [tilespmem:s0+$0x5030]  }
0x230: {  	v2 =	vmul.f32 v2, v3;
	_ =	sdelay $0x1  }
0x231: {  	v2 =	vmul.f32 v4, v2;
	_ =	sdelay $0x1  }
0x232: {  	[tilespmem:s0+$0xA020] =	vst v2  }
0x233: {  	v2 =	vld.idx.msk [tilespmem:v5+s28+$0x0], $0xffff  }
0x234: {  	v3 =	vld [tilespmem:s0+$0xA030]  }
0x235: {  	v4 =	vld.idx.msk [tilespmem:v6+s28+$0x0], $0xffff  }
0x236: {  	v5 =	vld [tilespmem:s0+$0x40]  }
0x237: {  	v6 =	vld [tilespmem:s0+$0x5040];
	_ =	sdelay $0x1  }
0x238: {  	v2 =	vmul.f32 v2, v3;
	_ =	sdelay $0x1  }
0x239: {  	v2 =	vmul.f32 v4, v2  }
.Ltmp3:
0x23a: {  	(pc) =	sbr.rel @p2 .LBB2_8-.Ltmp3, $4  }
0x23b: {  	[tilespmem:s0+$0xA030] =	vst v2;
	v2 =	vld [tilespmem:s0+$0xA040]  }
0x23c: {  	v4 =	vld.idx.msk [tilespmem:v5+s28+$0x0], $0xffff  }
0x23d: {  	v3 =	vld.idx.msk [tilespmem:v6+s28+$0x0], $0xffff  }
0x23e: {  	s6 =	sshra.s32 s2, $0x2;
	s2 =	sadd.s32 $0x140, s2  }
0x23f: {  	v5 =	vld [tilespmem:s6+$0x0]  }
0x240: {  	v6 =	vld [tilespmem:s6+$0x5000];
	_ =	sdelay $0x1  }
0x241: {  	v2 =	vmul.f32 v4, v2;
	_ =	sdelay $0x1  }
0x242: {  	v2 =	vmul.f32 v3, v2;
	_ =	sdelay $0x1  }
0x243: {  	v3 =	vld [tilespmem:s6+$0xA000];
	[tilespmem:s0+$0xA040] =	vst v2  }
0x244: {  	v2 =	vld.idx.msk [tilespmem:v5+s28+$0x0], $0xffff  }
0x245: {  	v4 =	vld.idx.msk [tilespmem:v6+s28+$0x0], $0xffff  }
0x246: {  	v5 =	vld [tilespmem:s6+$0x10]  }
0x247: {  	v6 =	vld [tilespmem:s6+$0x5010];
	_ =	sdelay $0x1  }
0x248: {  	v2 =	vmul.f32 v2, v3;
	_ =	sdelay $0x1  }
0x249: {  	v2 =	vmul.f32 v4, v2;
	_ =	sdelay $0x1  }
0x24a: {  	v3 =	vld [tilespmem:s6+$0xA010];
	[tilespmem:s6+$0xA000] =	vst v2  }
0x24b: {  	v2 =	vld.idx.msk [tilespmem:v5+s28+$0x0], $0xffff  }
0x24c: {  	v4 =	vld.idx.msk [tilespmem:v6+s28+$0x0], $0xffff  }
0x24d: {  	v5 =	vld [tilespmem:s6+$0x20]  }
0x24e: {  	v6 =	vld [tilespmem:s6+$0x5020];
	_ =	sdelay $0x1  }
0x24f: {  	v2 =	vmul.f32 v2, v3;
	_ =	sdelay $0x1  }
0x250: {  	v2 =	vmul.f32 v4, v2;
	_ =	sdelay $0x1  }
0x251: {  	v3 =	vld [tilespmem:s6+$0xA020];
	[tilespmem:s6+$0xA010] =	vst v2  }
0x252: {  	v2 =	vld.idx.msk [tilespmem:v5+s28+$0x0], $0xffff  }
0x253: {  	v4 =	vld.idx.msk [tilespmem:v6+s28+$0x0], $0xffff  }
0x254: {  	v5 =	vld [tilespmem:s6+$0x30]  }
0x255: {  	v6 =	vld [tilespmem:s6+$0x5030];
	_ =	sdelay $0x1  }
0x256: {  	v2 =	vmul.f32 v2, v3;
	_ =	sdelay $0x1  }
0x257: {  	v2 =	vmul.f32 v4, v2;
	_ =	sdelay $0x1  }
0x258: {  	v3 =	vld [tilespmem:s6+$0xA030];
	[tilespmem:s6+$0xA020] =	vst v2  }
0x259: {  	v2 =	vld.idx.msk [tilespmem:v5+s28+$0x0], $0xffff  }
0x25a: {  	v4 =	vld.idx.msk [tilespmem:v6+s28+$0x0], $0xffff  }
0x25b: {  	v5 =	vld [tilespmem:s6+$0x40];
	_ =	sdelay $0x1  }
0x25c: {  	v6 =	vld [tilespmem:s6+$0x5040]  }
0x25d: {  	v2 =	vmul.f32 v2, v3;
	_ =	sdelay $0x1  }
0x25e: {  	v2 =	vmul.f32 v4, v2;
	_ =	sdelay $0x1  }
0x25f: {  	[tilespmem:s6+$0xA030] =	vst v2;
	v2 =	vld [tilespmem:s6+$0xA040]  }
0x260: {  	v3 =	vld.idx.msk [tilespmem:v5+s28+$0x0], $0xffff;
	_ =	sdelay $0x1  }
0x261: {  	v4 =	vld.idx.msk [tilespmem:v6+s28+$0x0], $0xffff;
	_ =	sdelay $0x2  }
0x262: {  	v2 =	vmul.f32 v3, v2;
	_ =	sdelay $0x1  }
0x263: {  	v2 =	vmul.f32 v4, v2;
	_ =	sdelay $0x1  }
0x264: {  	s2 =	simm.s32 @!p1 $0xA000;
	s0 =	simm.s32 @!p1 $0x0;
	[tilespmem:s6+$0xA040] =	vst v2;
	s6 =	rddreg [dreg:$0x9]  }
0x265: {  	[hbm4b:s6+s0] =	stream.linear.scatter @!p1 [tilespmem:s2], [sflag:$0x2], $0x5000, $0x38;
	[tilespmem:$0x1FB00] =	vst v63  }
0x266: {  	s0 =	simm.s32 @!p1 $0x2  }
0x267: {  	_ =	swait.ge @!p1 [sflag:s0], $0x5000  }
0x268: {  	[sflag:s0] =	ssyncset.done @!p1 $0x0  }
0x269: {  	[sflag:s0] =	ssyncadd.s32 @!p1 $0xFFFFB000;
	s0 =	simm.s32 $0x0  }
0x26a: {  	v5 =	vld [tilespmem:s0+$0x0]  }
0x26b: {  	v4 =	vld [tilespmem:s0+$0x10]  }
0x26c: {  	v2 =	vld [tilespmem:s0+$0x20]  }
0x26d: {  	s2 =	simm.s32 $0x0;
	s6 =	simm.s32 $0x140;
	v3 =	vld [tilespmem:s0+$0x30]  }
.LBB2_10:
0x26e: {  	p2 =	sne.s32 s6, $0x13EC0;
	v6 =	vld [tilespmem:s0+$0x40]  }
0x26f: {  	v5 =	vadd.s32 v0, v5  }
.Ltmp4:
0x270: {  	s7 =	sshra.s32 s6, $0x2;
	[tilespmem:s0+$0x0] =	vst v5;
	v4 =	vadd.s32 v0, v4;
	(pc) =	sbr.rel @p2 .LBB2_10-.Ltmp4, $4  }
0x271: {  	v5 =	vld [tilespmem:s7+$0x0];
	[tilespmem:s0+$0x10] =	vst v4;
	v2 =	vadd.s32 v0, v2  }
0x272: {  	v4 =	vld [tilespmem:s7+$0x10];
	[tilespmem:s0+$0x20] =	vst v2;
	v3 =	vadd.s32 v0, v3  }
0x273: {  	v2 =	vld [tilespmem:s7+$0x20];
	[tilespmem:s0+$0x30] =	vst v3;
	v6 =	vadd.s32 v0, v6  }
0x274: {  	s6 =	sadd.s32 $0x140, s6;
	v3 =	vld [tilespmem:s7+$0x30];
	[tilespmem:s0+$0x40] =	vst v6;
	s0 =	smov.u32 s7  }
0x275: {  	v6 =	vld [tilespmem:s0+$0x40]  }
0x276: {  	v5 =	vadd.s32 v0, v5  }
0x277: {  	[tilespmem:s0+$0x0] =	vst v5;
	v4 =	vadd.s32 v0, v4  }
0x278: {  	[tilespmem:s0+$0x10] =	vst v4;
	v2 =	vadd.s32 v0, v2  }
0x279: {  	[tilespmem:s0+$0x20] =	vst v2;
	v2 =	vadd.s32 v0, v3  }
0x27a: {  	[tilespmem:s0+$0x30] =	vst v2;
	v2 =	vadd.s32 v0, v6  }
0x27b: {  	[tilespmem:s0+$0x40] =	vst v2  }
.LBB2_12:
0x27c: {  	s0 =	simm.s32 $0x0  }
0x27d: {  	v2 =	vmov s0  }
0x27e: {  	s21 =	smul.u32 $0x50, s2;
	v2 =	vand.u32 $0xFFFFFFFC, v2  }
0x27f: {  	v2 =	vbroadcast v2, $0x0  }
0x280: {  	[tilespmem:s29], [sflag:$0x1] =	stream.indirect.gather [hbm4b:s1+s25], $0x20, s21, s25, $0xb8;
	[tilespmem:$0x1FB00] =	vst v63  }
0x281: {  	_ =	swait.ge [sflag:s26], $0xA00  }
0x282: {  	[sflag:s26] =	ssyncset.done $0x0  }
0x283: {  	s6 =	simm.s32 $0xF040;
	[sflag:s26] =	ssyncadd.s32 $0xFFFFF600  }
0x284: {  	s7 =	sadd.s32 $0xA000, s21;
	v3 =	vld [tilespmem:s6+$0xFFFFFFC0]  }
0x285: {  	v2 =	vld.idx.msk [tilespmem:v2+s7+$0x0], $0xffff;
	_ =	sdelay $0x3  }
0x286: {  	v4 =	vunpack.i.l.bf16.f32 v3  }
0x287: {  	v3 =	vunpack.i.u.bf16.f32 v3;
	v4 =	vmul.f32 v4, v2  }
0x288: {  	s0 =	simm.s32 $0xFA80;
	v3 =	vmul.f32 v3, v2  }
0x289: {  	[tilespmem:s0+$0xFFFFFF80] =	vst v4  }
0x28a: {  	[tilespmem:s0+$0xFFFFFF90] =	vst v3  }
0x28b: {  	v3 =	vld [tilespmem:s6+$0xFFFFFFD0];
	_ =	sdelay $0x1  }
0x28c: {  	s8 =	simm.s32 $0x1  }
0x28d: {  	v4 =	vmov s8  }
0x28e: {  	v4 =	vand.u32 $0xFFFFFFFD, v4  }
0x28f: {  	v4 =	vbroadcast v4, $0x0;
	v5 =	vunpack.i.l.bf16.f32 v3  }
0x290: {  	v3 =	vunpack.i.u.bf16.f32 v3;
	v5 =	vmul.f32 v5, v2  }
0x291: {  	v2 =	vmul.f32 v3, v2  }
0x292: {  	[tilespmem:s0+$0xFFFFFFA0] =	vst v5  }
0x293: {  	[tilespmem:s0+$0xFFFFFFB0] =	vst v2  }
0x294: {  	v2 =	vld [tilespmem:s6+$0xFFFFFFE0]  }
0x295: {  	v3 =	vld.idx.msk [tilespmem:v4+s7+$0x0], $0xffff;
	_ =	sdelay $0x3  }
0x296: {  	v4 =	vunpack.i.l.bf16.f32 v2  }
0x297: {  	v2 =	vunpack.i.u.bf16.f32 v2;
	v4 =	vmul.f32 v4, v3  }
0x298: {  	v2 =	vmul.f32 v2, v3  }
0x299: {  	[tilespmem:s0+$0xFFFFFFC0] =	vst v4  }
0x29a: {  	[tilespmem:s0+$0xFFFFFFD0] =	vst v2  }
0x29b: {  	v2 =	vld [tilespmem:s6+$0xFFFFFFF0];
	_ =	sdelay $0x1  }
0x29c: {  	s19 =	simm.s32 $0x2  }
0x29d: {  	v4 =	vmov s19  }
0x29e: {  	v4 =	vand.u32 $0xFFFFFFFE, v4  }
0x29f: {  	v4 =	vbroadcast v4, $0x0;
	v5 =	vunpack.i.l.bf16.f32 v2  }
0x2a0: {  	v2 =	vunpack.i.u.bf16.f32 v2;
	v5 =	vmul.f32 v5, v3  }
0x2a1: {  	v2 =	vmul.f32 v2, v3  }
0x2a2: {  	[tilespmem:s0+$0xFFFFFFE0] =	vst v5  }
0x2a3: {  	[tilespmem:s0+$0xFFFFFFF0] =	vst v2  }
0x2a4: {  	v2 =	vld [tilespmem:s6+$0x0]  }
0x2a5: {  	v3 =	vld.idx.msk [tilespmem:v4+s7+$0x0], $0xffff;
	_ =	sdelay $0x3  }
0x2a6: {  	v4 =	vunpack.i.l.bf16.f32 v2  }
0x2a7: {  	v2 =	vunpack.i.u.bf16.f32 v2;
	v4 =	vmul.f32 v4, v3  }
0x2a8: {  	v2 =	vmul.f32 v2, v3  }
0x2a9: {  	[tilespmem:s0+$0x0] =	vst v4  }
0x2aa: {  	[tilespmem:s0+$0x10] =	vst v2  }
0x2ab: {  	v2 =	vld [tilespmem:s6+$0x10];
	_ =	sdelay $0x4  }
0x2ac: {  	s22 =	simm.s32 $0x3;
	v4 =	vunpack.i.l.bf16.f32 v2  }
0x2ad: {  	v5 =	vmov s22;
	v2 =	vunpack.i.u.bf16.f32 v2;
	v4 =	vmul.f32 v4, v3  }
0x2ae: {  	v2 =	vmul.f32 v2, v3  }
0x2af: {  	[tilespmem:s0+$0x20] =	vst v4  }
0x2b0: {  	[tilespmem:s0+$0x30] =	vst v2  }
0x2b1: {  	v3 =	vld [tilespmem:s6+$0x20]  }
0x2b2: {  	v2 =	vld.idx.msk [tilespmem:v5+s7+$0x0], $0xffff;
	_ =	sdelay $0x3  }
0x2b3: {  	v5 =	vunpack.i.u.bf16.f32 v3;
	v3 =	vunpack.i.l.bf16.f32 v3  }
0x2b4: {  	s16 =	simm.s32 $0xFA80;
	s9 =	simm.s32 $0xF040;
	s8 =	simm.s32 $0x7;
	v4 =	vmul.f32 v3, v2;
	v3 =	vmul.f32 v5, v2  }
.LBB2_13:
0x2b5: {  	_ = 	snop  }
0x2b6: {  	p2 =	sne.s32 s8, $0x4F;
	s16 =	sadd.s32 $0x100, s16;
	s6 =	sadd.s32 $0x80, s6;
	[tilespmem:s0+$0x40] =	vst v4  }
0x2b7: {  	s17 =	smov.u32 s8;
	s8 =	sadd.s32 $0x4, s8;
	[tilespmem:s0+$0x50] =	vst v3  }
0x2b8: {  	v3 =	vld [tilespmem:s9+$0x30];
	s9 =	smov.u32 s6;
	_ =	sdelay $0x1  }
0x2b9: {  	s18 =	sadd.s32 $0xFFFFFFFD, s17  }
0x2ba: {  	v4 =	vmov s18  }
0x2bb: {  	v4 =	vand.u32 $0xFFFFFFFC, v4  }
0x2bc: {  	v4 =	vbroadcast v4, $0x0;
	v5 =	vunpack.i.u.bf16.f32 v3;
	v3 =	vunpack.i.l.bf16.f32 v3  }
0x2bd: {  	v3 =	vmul.f32 v3, v2;
	v2 =	vmul.f32 v5, v2;
	_ =	sdelay $0x1  }
0x2be: {  	[tilespmem:s0+$0x60] =	vst v3  }
0x2bf: {  	[tilespmem:s0+$0x70] =	vst v2;
	s0 =	smov.u32 s16  }
0x2c0: {  	v2 =	vld [tilespmem:s6+$0xFFFFFFC0]  }
0x2c1: {  	v3 =	vld.idx.msk [tilespmem:v4+s7+$0x0], $0xffff;
	_ =	sdelay $0x4  }
0x2c2: {  	v4 =	vunpack.i.u.bf16.f32 v2;
	v2 =	vunpack.i.l.bf16.f32 v2  }
0x2c3: {  	v2 =	vmul.f32 v2, v3;
	v4 =	vmul.f32 v4, v3;
	_ =	sdelay $0x1  }
0x2c4: {  	[tilespmem:s16+$0xFFFFFF80] =	vst v2  }
0x2c5: {  	[tilespmem:s16+$0xFFFFFF90] =	vst v4  }
0x2c6: {  	v2 =	vld [tilespmem:s6+$0xFFFFFFD0]  }
0x2c7: {  	s18 =	sadd.s32 $0xFFFFFFFE, s17  }
0x2c8: {  	v4 =	vmov s18  }
0x2c9: {  	v4 =	vand.u32 $0xFFFFFFFD, v4  }
0x2ca: {  	v4 =	vbroadcast v4, $0x0  }
0x2cb: {  	v5 =	vunpack.i.u.bf16.f32 v2;
	v2 =	vunpack.i.l.bf16.f32 v2  }
0x2cc: {  	v2 =	vmul.f32 v2, v3;
	v3 =	vmul.f32 v5, v3;
	_ =	sdelay $0x1  }
0x2cd: {  	[tilespmem:s16+$0xFFFFFFA0] =	vst v2  }
0x2ce: {  	[tilespmem:s16+$0xFFFFFFB0] =	vst v3  }
0x2cf: {  	v2 =	vld.idx.msk [tilespmem:v4+s7+$0x0], $0xffff  }
0x2d0: {  	v3 =	vld [tilespmem:s6+$0xFFFFFFE0];
	_ =	sdelay $0x4  }
0x2d1: {  	v4 =	vunpack.i.u.bf16.f32 v3;
	v3 =	vunpack.i.l.bf16.f32 v3  }
0x2d2: {  	v3 =	vmul.f32 v3, v2;
	v4 =	vmul.f32 v4, v2;
	_ =	sdelay $0x1  }
0x2d3: {  	[tilespmem:s16+$0xFFFFFFC0] =	vst v3  }
0x2d4: {  	[tilespmem:s16+$0xFFFFFFD0] =	vst v4  }
0x2d5: {  	v3 =	vld [tilespmem:s6+$0xFFFFFFF0]  }
0x2d6: {  	s18 =	sadd.s32 $0xFFFFFFFF, s17  }
0x2d7: {  	v4 =	vmov s18  }
0x2d8: {  	v4 =	vand.u32 $0xFFFFFFFE, v4  }
0x2d9: {  	v4 =	vbroadcast v4, $0x0  }
0x2da: {  	v5 =	vunpack.i.u.bf16.f32 v3;
	v3 =	vunpack.i.l.bf16.f32 v3  }
0x2db: {  	v3 =	vmul.f32 v3, v2;
	v2 =	vmul.f32 v5, v2;
	_ =	sdelay $0x1  }
0x2dc: {  	[tilespmem:s16+$0xFFFFFFE0] =	vst v3  }
0x2dd: {  	[tilespmem:s16+$0xFFFFFFF0] =	vst v2  }
0x2de: {  	v2 =	vld.idx.msk [tilespmem:v4+s7+$0x0], $0xffff  }
0x2df: {  	v3 =	vld [tilespmem:s6+$0x0];
	_ =	sdelay $0x4  }
0x2e0: {  	v4 =	vunpack.i.u.bf16.f32 v3;
	v3 =	vunpack.i.l.bf16.f32 v3  }
0x2e1: {  	v3 =	vmul.f32 v3, v2;
	v4 =	vmul.f32 v4, v2;
	_ =	sdelay $0x1  }
0x2e2: {  	[tilespmem:s16+$0x0] =	vst v3  }
0x2e3: {  	[tilespmem:s16+$0x10] =	vst v4  }
0x2e4: {  	v3 =	vld [tilespmem:s6+$0x10];
	_ =	sdelay $0x4  }
0x2e5: {  	v5 =	vmov s17;
	v4 =	vunpack.i.u.bf16.f32 v3;
	v3 =	vunpack.i.l.bf16.f32 v3  }
0x2e6: {  	v3 =	vmul.f32 v3, v2;
	v2 =	vmul.f32 v4, v2;
	_ =	sdelay $0x1  }
0x2e7: {  	[tilespmem:s16+$0x20] =	vst v3  }
0x2e8: {  	[tilespmem:s16+$0x30] =	vst v2  }
0x2e9: {  	v2 =	vld.idx.msk [tilespmem:v5+s7+$0x0], $0xffff  }
0x2ea: {  	v3 =	vld [tilespmem:s6+$0x20];
	_ =	sdelay $0x1  }
.Ltmp5:
0x2eb: {  	(pc) =	sbr.rel @p2 .LBB2_13-.Ltmp5, $3  }
0x2ec: {  	_ =	sdelay $0x1  }
0x2ed: {  	v5 =	vunpack.i.u.bf16.f32 v3;
	v3 =	vunpack.i.l.bf16.f32 v3  }
0x2ee: {  	v4 =	vmul.f32 v3, v2;
	v3 =	vmul.f32 v5, v2  }
0x2ef: {  	_ = 	snop  }
0x2f0: {  	[tilespmem:s0+$0x40] =	vst v4  }
0x2f1: {  	[tilespmem:s0+$0x50] =	vst v3  }
0x2f2: {  	v3 =	vld [tilespmem:s9+$0x30];
	_ =	sdelay $0x4  }
0x2f3: {  	v63 =	vunpack.i.l.bf16.f32 v3  }
0x2f4: {  	v3 =	vunpack.i.u.bf16.f32 v3;
	v4 =	vmul.f32 v63, v2  }
0x2f5: {  	s2 =	sadd.s32 $0x1, s2;
	v2 =	vmul.f32 v3, v2  }
0x2f6: {  	p2 =	sne.s32 s2, $0x100;
	[tilespmem:s0+$0x60] =	vst v4  }
.Ltmp6:
0x2f7: {  	s22 =	sadd.s32 $0x5000, s21;
	[tilespmem:s0+$0x70] =	vst v2;
	(pc) =	sbr.rel @p2 .LBB2_12-.Ltmp6, $4  }
0x2f8: {  	[spmem:s3] =	stream.indirect.scatter.add.f32 [tilespmem:s30], [sflag:$0x2], $0x40, s22, s25, $0xb8;
	[tilespmem:$0x1FB00] =	vst v63  }
0x2f9: {  	_ =	swait.ge [sflag:s20], $0x1400  }
0x2fa: {  	[sflag:s20] =	ssyncset.done $0x0  }
0x2fb: {  	[sflag:s20] =	ssyncadd.s32 $0xFFFFEC00  }
0x2fc: {  	s0 =	stileid.u32  }
0x2fd: {  	[bflag:$0x0] =	sbarrier.arrive $0xFFFF;
	s0 =	sshll.u32 s0, $0x6  }
0x2fe: {  	s21 =	sshrl.u32 s10, $0x3;
	s22 =	rddreg [dreg:$0xa];
	s2 =	sor.u32 $0x1C02, s0  }
0x2ff: {  	[hbm:s22], [sflag:s2] =	dma.local [spmem:s21], $0x1400  }
0x300: {  	_ =	swait.ge [sflag:s20], $0x1400  }
0x301: {  	[sflag:s20] =	ssyncset.done $0x0  }
0x302: {  	[sflag:s20] =	ssyncadd.s32 $0xFFFFEC00  }
0x303: {  	[spmem:s10] =	stream.linear.scatter [tilespmem:s23], [sflag:$0x2], $0x2000, $0x38;
	[tilespmem:$0x1FB00] =	vst v63  }
0x304: {  	_ =	swait.ge [sflag:s20], $0x2000  }
0x305: {  	[sflag:s20] =	ssyncset.done $0x0  }
0x306: {  	[sflag:s20] =	ssyncadd.s32 $0xFFFFE000  }
0x307: {  	[spmem:s11] =	stream.linear.scatter [tilespmem:s23], [sflag:$0x2], $0x2000, $0x38;
	[tilespmem:$0x1FB00] =	vst v63  }
0x308: {  	_ =	swait.ge [sflag:s20], $0x2000  }
0x309: {  	[sflag:s20] =	ssyncset.done $0x0  }
0x30a: {  	[sflag:s20] =	ssyncadd.s32 $0xFFFFE000  }
0x30b: {  	[spmem:s12] =	stream.linear.scatter [tilespmem:s23], [sflag:$0x2], $0x2000, $0x38;
	[tilespmem:$0x1FB00] =	vst v63  }
0x30c: {  	_ =	swait.ge [sflag:s20], $0x2000  }
0x30d: {  	[sflag:s20] =	ssyncset.done $0x0  }
0x30e: {  	[sflag:s20] =	ssyncadd.s32 $0xFFFFE000  }
0x30f: {  	[spmem:s13] =	stream.linear.scatter [tilespmem:s23], [sflag:$0x2], $0x2000, $0x38;
	[tilespmem:$0x1FB00] =	vst v63  }
0x310: {  	_ =	swait.ge [sflag:s20], $0x2000  }
0x311: {  	[sflag:s20] =	ssyncset.done $0x0  }
0x312: {  	[sflag:s20] =	ssyncadd.s32 $0xFFFFE000  }
0x313: {  	[spmem:s14] =	stream.linear.scatter [tilespmem:s23], [sflag:$0x2], $0x2000, $0x38;
	[tilespmem:$0x1FB00] =	vst v63  }
0x314: {  	_ =	swait.ge [sflag:s20], $0x2000  }
0x315: {  	[sflag:s20] =	ssyncset.done $0x0  }
0x316: {  	[sflag:s20] =	ssyncadd.s32 $0xFFFFE000  }
0x317: {  	s0 =	simm.s32 $0x0;
	[bflag:$0x0] =	sbarrier.arrive $0xFFFF  }
0x318: {  	v5 =	vld [tilespmem:s0+$0x0]  }
0x319: {  	v4 =	vld [tilespmem:s0+$0x10]  }
0x31a: {  	v2 =	vld [tilespmem:s0+$0x20]  }
0x31b: {  	s6 =	simm.s32 $0x140;
	s22 =	simm.s32 $0x0;
	v3 =	vld [tilespmem:s0+$0x30]  }
.LBB2_16:
0x31c: {  	p2 =	sne.s32 s6, $0x13EC0;
	v6 =	vld [tilespmem:s0+$0x40]  }
0x31d: {  	v5 =	vadd.s32 $0x4E20, v5  }
.Ltmp7:
0x31e: {  	s7 =	sshra.s32 s6, $0x2;
	[tilespmem:s0+$0x0] =	vst v5;
	v4 =	vadd.s32 $0x4E20, v4;
	(pc) =	sbr.rel @p2 .LBB2_16-.Ltmp7, $4  }
0x31f: {  	v5 =	vld [tilespmem:s7+$0x0];
	[tilespmem:s0+$0x10] =	vst v4;
	v2 =	vadd.s32 $0x4E20, v2  }
0x320: {  	v4 =	vld [tilespmem:s7+$0x10];
	[tilespmem:s0+$0x20] =	vst v2;
	v3 =	vadd.s32 $0x4E20, v3  }
0x321: {  	v2 =	vld [tilespmem:s7+$0x20];
	[tilespmem:s0+$0x30] =	vst v3;
	v6 =	vadd.s32 $0x4E20, v6  }
0x322: {  	s6 =	sadd.s32 $0x140, s6;
	v3 =	vld [tilespmem:s7+$0x30];
	[tilespmem:s0+$0x40] =	vst v6;
	s0 =	smov.u32 s7  }
0x323: {  	v6 =	vld [tilespmem:s0+$0x40]  }
0x324: {  	v5 =	vadd.s32 $0x4E20, v5  }
0x325: {  	[tilespmem:s0+$0x0] =	vst v5;
	v4 =	vadd.s32 $0x4E20, v4  }
0x326: {  	[tilespmem:s0+$0x10] =	vst v4;
	v2 =	vadd.s32 $0x4E20, v2  }
0x327: {  	[tilespmem:s0+$0x20] =	vst v2;
	v2 =	vadd.s32 $0x4E20, v3  }
0x328: {  	[tilespmem:s0+$0x30] =	vst v2;
	v2 =	vadd.s32 $0x4E20, v6  }
0x329: {  	[tilespmem:s0+$0x40] =	vst v2  }
.LBB2_18:
0x32a: {  	s0 =	simm.s32 $0x0  }
0x32b: {  	v2 =	vmov s0  }
0x32c: {  	s0 =	smul.u32 $0x50, s22;
	v2 =	vand.u32 $0xFFFFFFFC, v2  }
0x32d: {  	v2 =	vbroadcast v2, $0x0  }
0x32e: {  	[tilespmem:s29], [sflag:$0x1] =	stream.indirect.gather [hbm4b:s1+s25], $0x20, s0, s25, $0xb8;
	[tilespmem:$0x1FB00] =	vst v63  }
0x32f: {  	_ =	swait.ge [sflag:s26], $0xA00  }
0x330: {  	[sflag:s26] =	ssyncset.done $0x0  }
0x331: {  	s7 =	simm.s32 $0xF040;
	[sflag:s26] =	ssyncadd.s32 $0xFFFFF600  }
0x332: {  	s8 =	sadd.s32 $0xA000, s0;
	v3 =	vld [tilespmem:s7+$0xFFFFFFC0]  }
0x333: {  	v2 =	vld.idx.msk [tilespmem:v2+s8+$0x0], $0xffff;
	_ =	sdelay $0x3  }
0x334: {  	v4 =	vunpack.i.l.bf16.f32 v3  }
0x335: {  	v3 =	vunpack.i.u.bf16.f32 v3;
	v4 =	vmul.f32 v4, v2  }
0x336: {  	s6 =	simm.s32 $0xFA80;
	v3 =	vmul.f32 v3, v2  }
0x337: {  	[tilespmem:s6+$0xFFFFFF80] =	vst v4  }
0x338: {  	[tilespmem:s6+$0xFFFFFF90] =	vst v3  }
0x339: {  	v3 =	vld [tilespmem:s7+$0xFFFFFFD0];
	_ =	sdelay $0x1  }
0x33a: {  	s9 =	simm.s32 $0x1  }
0x33b: {  	v4 =	vmov s9  }
0x33c: {  	v4 =	vand.u32 $0xFFFFFFFD, v4  }
0x33d: {  	v4 =	vbroadcast v4, $0x0;
	v5 =	vunpack.i.l.bf16.f32 v3  }
0x33e: {  	v3 =	vunpack.i.u.bf16.f32 v3;
	v5 =	vmul.f32 v5, v2  }
0x33f: {  	v2 =	vmul.f32 v3, v2  }
0x340: {  	[tilespmem:s6+$0xFFFFFFA0] =	vst v5  }
0x341: {  	[tilespmem:s6+$0xFFFFFFB0] =	vst v2  }
0x342: {  	v2 =	vld [tilespmem:s7+$0xFFFFFFE0]  }
0x343: {  	v3 =	vld.idx.msk [tilespmem:v4+s8+$0x0], $0xffff;
	_ =	sdelay $0x3  }
0x344: {  	v4 =	vunpack.i.l.bf16.f32 v2  }
0x345: {  	v2 =	vunpack.i.u.bf16.f32 v2;
	v4 =	vmul.f32 v4, v3  }
0x346: {  	v2 =	vmul.f32 v2, v3  }
0x347: {  	[tilespmem:s6+$0xFFFFFFC0] =	vst v4  }
0x348: {  	[tilespmem:s6+$0xFFFFFFD0] =	vst v2  }
0x349: {  	v2 =	vld [tilespmem:s7+$0xFFFFFFF0];
	_ =	sdelay $0x1  }
0x34a: {  	s18 =	simm.s32 $0x2  }
0x34b: {  	v4 =	vmov s18  }
0x34c: {  	v4 =	vand.u32 $0xFFFFFFFE, v4  }
0x34d: {  	v4 =	vbroadcast v4, $0x0;
	v5 =	vunpack.i.l.bf16.f32 v2  }
0x34e: {  	v2 =	vunpack.i.u.bf16.f32 v2;
	v5 =	vmul.f32 v5, v3  }
0x34f: {  	v2 =	vmul.f32 v2, v3  }
0x350: {  	[tilespmem:s6+$0xFFFFFFE0] =	vst v5  }
0x351: {  	[tilespmem:s6+$0xFFFFFFF0] =	vst v2  }
0x352: {  	v2 =	vld [tilespmem:s7+$0x0]  }
0x353: {  	v3 =	vld.idx.msk [tilespmem:v4+s8+$0x0], $0xffff;
	_ =	sdelay $0x3  }
0x354: {  	v4 =	vunpack.i.l.bf16.f32 v2  }
0x355: {  	v2 =	vunpack.i.u.bf16.f32 v2;
	v4 =	vmul.f32 v4, v3  }
0x356: {  	v2 =	vmul.f32 v2, v3  }
0x357: {  	[tilespmem:s6+$0x0] =	vst v4  }
0x358: {  	[tilespmem:s6+$0x10] =	vst v2  }
0x359: {  	v2 =	vld [tilespmem:s7+$0x10];
	_ =	sdelay $0x4  }
0x35a: {  	s19 =	simm.s32 $0x3;
	v4 =	vunpack.i.l.bf16.f32 v2  }
0x35b: {  	v5 =	vmov s19;
	v2 =	vunpack.i.u.bf16.f32 v2;
	v4 =	vmul.f32 v4, v3  }
0x35c: {  	v2 =	vmul.f32 v2, v3  }
0x35d: {  	[tilespmem:s6+$0x20] =	vst v4  }
0x35e: {  	[tilespmem:s6+$0x30] =	vst v2  }
0x35f: {  	v3 =	vld [tilespmem:s7+$0x20]  }
0x360: {  	v2 =	vld.idx.msk [tilespmem:v5+s8+$0x0], $0xffff;
	_ =	sdelay $0x3  }
0x361: {  	v5 =	vunpack.i.u.bf16.f32 v3;
	v3 =	vunpack.i.l.bf16.f32 v3  }
0x362: {  	s17 =	simm.s32 $0xFA80;
	s16 =	simm.s32 $0xF040;
	s9 =	simm.s32 $0x7;
	v4 =	vmul.f32 v3, v2;
	v3 =	vmul.f32 v5, v2  }
.LBB2_19:
0x363: {  	_ = 	snop  }
0x364: {  	p2 =	sne.s32 s9, $0x4F;
	s17 =	sadd.s32 $0x100, s17;
	s7 =	sadd.s32 $0x80, s7;
	[tilespmem:s6+$0x40] =	vst v4  }
0x365: {  	s18 =	smov.u32 s9;
	s9 =	sadd.s32 $0x4, s9;
	[tilespmem:s6+$0x50] =	vst v3  }
0x366: {  	v3 =	vld [tilespmem:s16+$0x30];
	s16 =	smov.u32 s7;
	_ =	sdelay $0x1  }
0x367: {  	s19 =	sadd.s32 $0xFFFFFFFD, s18  }
0x368: {  	v4 =	vmov s19  }
0x369: {  	v4 =	vand.u32 $0xFFFFFFFC, v4  }
0x36a: {  	v4 =	vbroadcast v4, $0x0;
	v5 =	vunpack.i.u.bf16.f32 v3;
	v3 =	vunpack.i.l.bf16.f32 v3  }
0x36b: {  	v3 =	vmul.f32 v3, v2;
	v2 =	vmul.f32 v5, v2;
	_ =	sdelay $0x1  }
0x36c: {  	[tilespmem:s6+$0x60] =	vst v3  }
0x36d: {  	[tilespmem:s6+$0x70] =	vst v2;
	s6 =	smov.u32 s17  }
0x36e: {  	v2 =	vld [tilespmem:s7+$0xFFFFFFC0]  }
0x36f: {  	v3 =	vld.idx.msk [tilespmem:v4+s8+$0x0], $0xffff;
	_ =	sdelay $0x4  }
0x370: {  	v4 =	vunpack.i.u.bf16.f32 v2;
	v2 =	vunpack.i.l.bf16.f32 v2  }
0x371: {  	v2 =	vmul.f32 v2, v3;
	v4 =	vmul.f32 v4, v3;
	_ =	sdelay $0x1  }
0x372: {  	[tilespmem:s17+$0xFFFFFF80] =	vst v2  }
0x373: {  	[tilespmem:s17+$0xFFFFFF90] =	vst v4  }
0x374: {  	v2 =	vld [tilespmem:s7+$0xFFFFFFD0]  }
0x375: {  	s19 =	sadd.s32 $0xFFFFFFFE, s18  }
0x376: {  	v4 =	vmov s19  }
0x377: {  	v4 =	vand.u32 $0xFFFFFFFD, v4  }
0x378: {  	v4 =	vbroadcast v4, $0x0  }
0x379: {  	v5 =	vunpack.i.u.bf16.f32 v2;
	v2 =	vunpack.i.l.bf16.f32 v2  }
0x37a: {  	v2 =	vmul.f32 v2, v3;
	v3 =	vmul.f32 v5, v3;
	_ =	sdelay $0x1  }
0x37b: {  	[tilespmem:s17+$0xFFFFFFA0] =	vst v2  }
0x37c: {  	[tilespmem:s17+$0xFFFFFFB0] =	vst v3  }
0x37d: {  	v2 =	vld.idx.msk [tilespmem:v4+s8+$0x0], $0xffff  }
0x37e: {  	v3 =	vld [tilespmem:s7+$0xFFFFFFE0];
	_ =	sdelay $0x4  }
0x37f: {  	v4 =	vunpack.i.u.bf16.f32 v3;
	v3 =	vunpack.i.l.bf16.f32 v3  }
0x380: {  	v3 =	vmul.f32 v3, v2;
	v4 =	vmul.f32 v4, v2;
	_ =	sdelay $0x1  }
0x381: {  	[tilespmem:s17+$0xFFFFFFC0] =	vst v3  }
0x382: {  	[tilespmem:s17+$0xFFFFFFD0] =	vst v4  }
0x383: {  	v3 =	vld [tilespmem:s7+$0xFFFFFFF0]  }
0x384: {  	s19 =	sadd.s32 $0xFFFFFFFF, s18  }
0x385: {  	v4 =	vmov s19  }
0x386: {  	v4 =	vand.u32 $0xFFFFFFFE, v4  }
0x387: {  	v4 =	vbroadcast v4, $0x0  }
0x388: {  	v5 =	vunpack.i.u.bf16.f32 v3;
	v3 =	vunpack.i.l.bf16.f32 v3  }
0x389: {  	v3 =	vmul.f32 v3, v2;
	v2 =	vmul.f32 v5, v2;
	_ =	sdelay $0x1  }
0x38a: {  	[tilespmem:s17+$0xFFFFFFE0] =	vst v3  }
0x38b: {  	[tilespmem:s17+$0xFFFFFFF0] =	vst v2  }
0x38c: {  	v2 =	vld.idx.msk [tilespmem:v4+s8+$0x0], $0xffff  }
0x38d: {  	v3 =	vld [tilespmem:s7+$0x0];
	_ =	sdelay $0x4  }
0x38e: {  	v4 =	vunpack.i.u.bf16.f32 v3;
	v3 =	vunpack.i.l.bf16.f32 v3  }
0x38f: {  	v3 =	vmul.f32 v3, v2;
	v4 =	vmul.f32 v4, v2;
	_ =	sdelay $0x1  }
0x390: {  	[tilespmem:s17+$0x0] =	vst v3  }
0x391: {  	[tilespmem:s17+$0x10] =	vst v4  }
0x392: {  	v3 =	vld [tilespmem:s7+$0x10];
	_ =	sdelay $0x4  }
0x393: {  	v5 =	vmov s18;
	v4 =	vunpack.i.u.bf16.f32 v3;
	v3 =	vunpack.i.l.bf16.f32 v3  }
0x394: {  	v3 =	vmul.f32 v3, v2;
	v2 =	vmul.f32 v4, v2;
	_ =	sdelay $0x1  }
0x395: {  	[tilespmem:s17+$0x20] =	vst v3  }
0x396: {  	[tilespmem:s17+$0x30] =	vst v2  }
0x397: {  	v2 =	vld.idx.msk [tilespmem:v5+s8+$0x0], $0xffff  }
0x398: {  	v3 =	vld [tilespmem:s7+$0x20];
	_ =	sdelay $0x1  }
.Ltmp8:
0x399: {  	(pc) =	sbr.rel @p2 .LBB2_19-.Ltmp8, $3  }
0x39a: {  	_ =	sdelay $0x1  }
0x39b: {  	v5 =	vunpack.i.u.bf16.f32 v3;
	v3 =	vunpack.i.l.bf16.f32 v3  }
0x39c: {  	v4 =	vmul.f32 v3, v2;
	v3 =	vmul.f32 v5, v2  }
0x39d: {  	_ = 	snop  }
0x39e: {  	[tilespmem:s6+$0x40] =	vst v4  }
0x39f: {  	[tilespmem:s6+$0x50] =	vst v3  }
0x3a0: {  	v3 =	vld [tilespmem:s16+$0x30];
	_ =	sdelay $0x4  }
0x3a1: {  	v63 =	vunpack.i.l.bf16.f32 v3  }
0x3a2: {  	v3 =	vunpack.i.u.bf16.f32 v3;
	v4 =	vmul.f32 v63, v2  }
0x3a3: {  	s22 =	sadd.s32 $0x1, s22;
	v2 =	vmul.f32 v3, v2  }
0x3a4: {  	p2 =	sne.s32 s22, $0x100;
	[tilespmem:s6+$0x60] =	vst v4  }
.Ltmp9:
0x3a5: {  	s0 =	sadd.s32 $0x5000, s0;
	[tilespmem:s6+$0x70] =	vst v2;
	(pc) =	sbr.rel @p2 .LBB2_18-.Ltmp9, $4  }
0x3a6: {  	[spmem:s3] =	stream.indirect.scatter.add.f32 [tilespmem:s30], [sflag:$0x2], $0x40, s0, s25, $0xb8;
	[tilespmem:$0x1FB00] =	vst v63  }
0x3a7: {  	_ =	swait.ge [sflag:s20], $0x1400  }
0x3a8: {  	[sflag:s20] =	ssyncset.done $0x0  }
0x3a9: {  	[sflag:s20] =	ssyncadd.s32 $0xFFFFEC00  }
0x3aa: {  	[bflag:$0x0] =	sbarrier.arrive $0xFFFF  }
0x3ab: {  	s0 =	rddreg [dreg:$0xb]  }
0x3ac: {  	[hbm:s0], [sflag:s2] =	dma.local [spmem:s21], $0x1400  }
0x3ad: {  	_ =	swait.ge [sflag:s20], $0x1400  }
0x3ae: {  	s31 =	sadd.s32 $0x1, s31;
	s22 =	rddreg [dreg:$0xc]  }
0x3af: {  	p2 =	sne.s32 s31, s22  }
.Ltmp10:
0x3b0: {  	_ = 	snop;
	(pc) =	sbr.rel @p2 .LBB2_1-.Ltmp10, $3  }
0x3b1: {  	_ =	sdelay $0x1  }
0x3b2: {  	[sflag:s20] =	ssyncset.done $0x0  }
0x3b3: {  	[sflag:s20] =	ssyncadd.s32 $0xFFFFEC00  }
0x3b4: {  	_ =	sfence.sel $0x180000  }
0x3b5: {  	[bflag:$0x0] =	sbarrier.arrive $0xFFFF  }
0x3b6: {  	_ =	strace $0x90000047  }
0x3b7: {  	s0 =	stileid.u32;
	[bflag:$0x2] =	sbarrier.arrive $0xFFFF  }
0x3b8: {  	p0 =	sne.s32 s0, $0x0;
	s0 =	rddreg [dreg:$0x4]  }
0x3b9: {  	s0 =	sadd.s32 @!p0 $0x100000, s0  }
0x3ba: {  	[sflag:s0] =	ssyncadd.tile.s32 @!p0 $0x1;
	_ =	shalt  }
.Lfunc_end2:
_tile_overlayer_lowered:
.L_overlay_start_2:
0x3bb: {  	(tag) =	ssettag $0x2  }
0x3bc: {  	s0 =	rddreg [dreg:$0x0];
	s2 =	stileid.u32  }
0x3bd: {  	s1 =	rddreg [dreg:$0x1];
	p0 =	sne.s32 s2, $0x0  }
0x3be: {  	s3 =	rddreg [dreg:$0x2];
	[bflag:$0x3] =	sbarrier.arrive $0xFFFF;
	s2 =	simm.s32 @!p0 $0x1C02  }
0x3bf: {  	[timem:s3], [sflag:s2] =	dma.local @!p0 [hbm:s0], s1  }
0x3c0: {  	s0 =	simm.s32 @!p0 $0x2  }
0x3c1: {  	_ =	swait.ge @!p0 [sflag:s0], s1  }
0x3c2: {  	s1 =	ssub.s32 @!p0 $0x0, s1;
	[sflag:s0] =	ssyncset.done @!p0 $0x0  }
0x3c3: {  	[sflag:s0] =	ssyncadd.s32 @!p0 s1  }
0x3c4: {  	[bflag:$0x3] =	sbarrier.arrive $0xFFFF  }
0x3c5: {  	_ =	shalt  }

// kernel: kernel.9.cloned.1.call-start
scs
__scs_entry_jumppad:
0x0: {  	(pc) =	sbr.rel $0x88, $3  }
0x1: {  	(tag) =	ssettag $0x0;
	lr =	simm.s32 $0x1  }
0x2: {  	[smem:$0x3F97] =	sst lr;
	_ =	strace $0xD0000000  }
0x3: {  	_ = 	snop  }
0x4: {  	_ = 	snop  }
0x5: {  	_ = 	snop  }
0x6: {  	_ = 	snop  }
0x7: {  	_ = 	snop  }
__scs_overlays_trampoline_lowered:
0x8: {  	[smem:$0x3FA6] =	sst s0  }
0x9: {  	[smem:$0x3FA7] =	sst s1  }
0xa: {  	[smem:$0x3FA8] =	sst s2  }
0xb: {  	[smem:$0x3FA9] =	sst s3  }
0xc: {  	[smem:$0x3FAA] =	sst s4  }
0xd: {  	[smem:$0x3FAB] =	sst s5  }
0xe: {  	[smem:$0x3FAC] =	sst s6  }
0xf: {  	[smem:$0x3FAD] =	sst s7  }
0x10: {  	[smem:$0x3FAE] =	sst s8  }
0x11: {  	[smem:$0x3FAF] =	sst s9;
	s0 =	simm.s32 @!p0 $0x0  }
0x12: {  	s1 =	sld [smem:$0x3F95];
	s0 =	simm.s32 @p0 $0x1  }
0x13: {  	[smem:$0x3FB0] =	sst s0;
	s0 =	simm.s32 @!p1 $0x0  }
0x14: {  	s2 =	sld [smem:$0x3F94];
	s0 =	simm.s32 @p1 $0x1  }
0x15: {  	[smem:$0x3FB1] =	sst s0;
	s0 =	simm.s32 @!p2 $0x0  }
0x16: {  	s3 =	sld [smem:$0x3FDB];
	s0 =	simm.s32 @p2 $0x1  }
0x17: {  	s4 =	simm.s32 $0x1BF5;
	[smem:$0x3FB3] =	sst s0  }
0x18: {  	s0 =	sld [smem:$0x3F96];
	_ =	swait.ge [sflag:s4], $0x0  }
0x19: {  	s7 =	sld [smem:$0x3F97]  }
0x1a: {  	s8 =	sadd.s32 $0xFFFFE003, lr  }
0x1b: {  	s9 =	sadd.s32 $0xFFFFFEF7, lr;
	s5 =	simm.s32 $0xFFFFFFFF;
	p2 =	slt.u32 s8, $0xFFFFF086  }
0x1c: {  	p1 =	slt.u32 s9, $0xF7A;
	s5 =	simm.s32 @!p2 $0x0  }
0x1d: {  	s5 =	simm.s32 @p1 $0x1;
	p0 =	seq.s32 s7, s2  }
0x1e: {  	s7 =	smul.u32 @!p0 $0xF7A, s2;
	p2 =	seq.s32 @!p0 s5, $0x0  }
0x1f: {  	s9 =	smul.u32 $0xF7A, s1;
	s8 =	simm.s32 @!p0 $0x1BF5;
	p2 =	por !p2, p0  }
0x20: {  	[sflag:s8] =	ssyncset.s32 @!p0 $0xFFFFF086;
	s6 =	sadd.s32 @!p0 s3, s7;
	s7 =	simm.s32 @!p0 $0x108  }
0x21: {  	s3 =	sadd.s32 s3, s9;
	s6 =	sadd.s32 @!p0 $0x88, s6;
	s7 =	simm.s32 @p2 $0x1082  }
0x22: {  	[simem:s7], [sflag:s8] =	dma.local @!p0 [hbm:s6], $0xF7A  }
0x23: {  	s9 =	sor.u32 $0xD0000000, s2;
	s6 =	simm.s32 $0x108;
	_ =	swait.ge @!p0 [sflag:s8], $0x0  }
0x24: {  	s3 =	sadd.s32 $0x88, s3;
	s6 =	simm.s32 @!p1 $0x1082;
	[sflag:s4] =	ssyncset.s32 $0xFFFFF086  }
0x25: {  	[simem:s6], [sflag:s4] =	dma.local [hbm:s3], $0xF7A  }
0x26: {  	[smem:$0x3F97] =	sst s1;
	(tag) =	ssettag s2;
	_ =	strace s9  }
0x27: {  	s1 =	sld [smem:$0x3FA7]  }
0x28: {  	s2 =	sld [smem:$0x3FA8]  }
0x29: {  	s4 =	sld [smem:$0x3FAA]  }
0x2a: {  	p0 =	seq.s32 s5, $0x0;
	s5 =	sld [smem:$0x3FAB]  }
0x2b: {  	s6 =	sld [smem:$0x3FAC]  }
0x2c: {  	s7 =	sld [smem:$0x3FAD]  }
0x2d: {  	s3 =	simm.s32 $0x108;
	s8 =	sld [smem:$0x3FAE]  }
0x2e: {  	s3 =	simm.s32 @!p0 $0x1082;
	s9 =	sld [smem:$0x3FAF]  }
0x2f: {  	lr =	sadd.s32 s0, s3;
	s0 =	sld [smem:$0x3FA6]  }
0x30: {  	s3 =	sld [smem:$0x3FA9]  }
0x31: {  	[smem:$0x3FB2] =	sst s10  }
0x32: {  	s10 =	sld [smem:$0x3FB0];
	_ =	sdelay $0x3  }
0x33: {  	p0 =	seq.s32 s10, $0x1;
	s10 =	sld [smem:$0x3FB2];
	_ =	sdelay $0x3  }
0x34: {  	[smem:$0x3FB2] =	sst s10  }
0x35: {  	s10 =	sld [smem:$0x3FB1];
	_ =	sdelay $0x3  }
0x36: {  	p1 =	seq.s32 s10, $0x1;
	s10 =	sld [smem:$0x3FB2];
	_ =	sdelay $0x3  }
0x37: {  	[smem:$0x3FB2] =	sst s10  }
0x38: {  	s10 =	sld [smem:$0x3FB3]  }
0x39: {  	_ = 	snop;
	(pc) =	sbr.ind lr, $3  }
0x3a: {  	_ = 	snop  }
0x3b: {  	_ = 	snop  }
0x3c: {  	p2 =	seq.s32 s10, $0x1;
	s10 =	sld [smem:$0x3FB2]  }
0x3d: {  	_ =	shalt  }
0x3e: {  	_ =	shalt  }
0x3f: {  	_ =	shalt  }
0x40: {  	_ =	shalt  }
0x41: {  	_ =	shalt  }
0x42: {  	_ =	shalt  }
0x43: {  	_ =	shalt  }
0x44: {  	_ =	shalt  }
0x45: {  	_ =	shalt  }
0x46: {  	_ =	shalt  }
0x47: {  	_ =	shalt  }
0x48: {  	_ =	shalt  }
0x49: {  	_ =	shalt  }
0x4a: {  	_ =	shalt  }
0x4b: {  	_ =	shalt  }
0x4c: {  	_ =	shalt  }
0x4d: {  	_ =	shalt  }
0x4e: {  	_ =	shalt  }
0x4f: {  	_ =	shalt  }
0x50: {  	_ =	shalt  }
0x51: {  	_ =	shalt  }
0x52: {  	_ =	shalt  }
0x53: {  	_ =	shalt  }
0x54: {  	_ =	shalt  }
0x55: {  	_ =	shalt  }
0x56: {  	_ =	shalt  }
0x57: {  	_ =	shalt  }
0x58: {  	_ =	shalt  }
0x59: {  	_ =	shalt  }
0x5a: {  	_ =	shalt  }
0x5b: {  	_ =	shalt  }
0x5c: {  	_ =	shalt  }
0x5d: {  	_ =	shalt  }
0x5e: {  	_ =	shalt  }
0x5f: {  	_ =	shalt  }
0x60: {  	_ =	shalt  }
0x61: {  	_ =	shalt  }
0x62: {  	_ =	shalt  }
0x63: {  	_ =	shalt  }
0x64: {  	_ =	shalt  }
0x65: {  	_ =	shalt  }
0x66: {  	_ =	shalt  }
0x67: {  	_ =	shalt  }
0x68: {  	_ =	shalt  }
0x69: {  	_ =	shalt  }
0x6a: {  	_ =	shalt  }
0x6b: {  	_ =	shalt  }
0x6c: {  	_ =	shalt  }
0x6d: {  	_ =	shalt  }
0x6e: {  	_ =	shalt  }
0x6f: {  	_ =	shalt  }
0x70: {  	_ =	shalt  }
0x71: {  	_ =	shalt  }
0x72: {  	_ =	shalt  }
0x73: {  	_ =	shalt  }
0x74: {  	_ =	shalt  }
0x75: {  	_ =	shalt  }
0x76: {  	_ =	shalt  }
0x77: {  	_ =	shalt  }
0x78: {  	_ =	shalt  }
0x79: {  	_ =	shalt  }
0x7a: {  	_ =	shalt  }
0x7b: {  	_ =	shalt  }
0x7c: {  	_ =	shalt  }
0x7d: {  	_ =	shalt  }
0x7e: {  	_ =	shalt  }
0x7f: {  	_ =	shalt  }
0x80: {  	_ =	shalt  }
0x81: {  	_ =	shalt  }
0x82: {  	_ =	shalt  }
0x83: {  	_ =	shalt  }
0x84: {  	_ =	shalt  }
0x85: {  	_ =	shalt  }
0x86: {  	_ =	shalt  }
0x87: {  	_ =	shalt  }
.Lfunc_end0:
.L_simem_size_0:
called_computation.1_lowered:
.L_overlay_start_0:
0x88: {  	s2 =	sld [smem:$0x3FD9]  }
0x89: {  	s3 =	sld [smem:$0x3FFE];
	_ =	sdelay $0x1  }
0x8a: {  	s1 =	srdreg.scid  }
0x8b: {  	s0 =	sand.u32 $0x1, s1  }
0x8c: {  	s17 =	sshll.u32 s0, $0xA;
	s2 =	sadd.s32 s3, s2  }
0x8d: {  	s2 =	sadd.s32 s2, s17  }
0x8e: {  	[smem:$0x3FBE] =	sst s2  }
0x8f: {  	_ = 	snop  }
0x90: {  	s2 =	sld [smem:$0x3FD0];
	(tm) =	ssettm $0x1  }
0x91: {  	s18 =	sld [smem:$0x3FFB];
	_ =	sdelay $0x3  }
0x92: {  	_ =	strace s18  }
0x93: {  	s3 =	sld [smem:$0x3FFC];
	_ =	sdelay $0x3  }
0x94: {  	_ =	strace s3  }
0x95: {  	s3 =	sld [smem:$0x3FFD];
	_ =	sdelay $0x3  }
0x96: {  	_ =	strace s3  }
0x97: {  	_ =	strace $0x8FFFFFFF  }
0x98: {  	s19 =	sld [smem:$0x3FDB];
	_ =	sdelay $0x1  }
0x99: {  	s4 =	simm.s32 $_scs_section_size  }
0x9a: {  	s5 =	simm.s32 $_size__tile_overlayer_lowered;
	s6 =	simm.s32 $_tile_overlayer_lowered  }
0x9b: {  	s22 =	simm.s32 $0x1BFF;
	s21 =	sshll.u32 s6, $0x1;
	s3 =	sadd.s32 s4, s19  }
0x9c: {  	s7 =	simm.s32 $0x0;
	s20 =	sshll.u32 s5, $0x1;
	s5 =	sadd.s32 s21, s3  }
0x9d: {  	[timem:s7], [sflag:s22] =	dma.local [hbm:s5], s20  }
0x9e: {  	_ =	swait.ge [sflag:s22], s20  }
0x9f: {  	s4 =	ssub.s32 $0x0, s20;
	[sflag:s22] =	ssyncset.done $0x0  }
0xa0: {  	[sflag:s22] =	ssyncadd.s32 s4;
	_ =	sdelay $0x1  }
0xa1: {  	s23 =	simm.s32 $0x1B8B  }
0xa2: {  	_ =	swait.ge [sflag:s23], $0x1  }
0xa3: {  	[sflag:s23] =	ssyncset.done $0x0  }
0xa4: {  	s25 =	simm.s32 $0x1B8E;
	s24 =	sld [smem:$0x3FFE];
	[sflag:s23] =	ssyncadd.s32 $0xFFFFFFFF  }
0xa5: {  	s26 =	simm.s32 $execute0_lowered;
	[smem:$0x3FD2] =	sst s25  }
0xa6: {  	s5 =	sshll.u32 s26, $0x1;
	_ =	strace $0x80000049;
	[dreg:$0x1] =	wrdreg $0xFFFFFFFF  }
0xa7: {  	s28 =	simm.s32 $_size_execute0_lowered;
	s3 =	sadd.s32 s3, s5;
	[dreg:$0x0] =	wrdreg $0x0  }
0xa8: {  	s5 =	sshll.u32 s28, $0x1;
	[dreg:$0x2] =	wrdreg s3  }
0xa9: {  	[dreg:$0x3] =	wrdreg s5  }
0xaa: {  	[dreg:$0x4] =	wrdreg $0xC0  }
0xab: {  	_ =	task [dreg:s7], $0x5FFFF  }
0xac: {  	[dreg:$0x1] =	wrdreg $0xFFFFFFFF  }
0xad: {  	[dreg:$0x0] =	wrdreg $0x60  }
0xae: {  	[dreg:$0x2] =	wrdreg s24  }
0xaf: {  	[dreg:$0x3] =	wrdreg s2  }
0xb0: {  	[dreg:$0x4] =	wrdreg $0x12E000  }
0xb1: {  	[dreg:$0x5] =	wrdreg $0x9  }
0xb2: {  	_ =	task.clear_ibuf [dreg:s7], $0x6FFFF;
	_ =	strace $0x90000049  }
0xb3: {  	s29 =	simm.s32 $0x9;
	_ =	strace $0x8000004B  }
0xb4: {  	_ =	swait.ge [sflag:s29], $0x1  }
0xb5: {  	[sflag:s29] =	ssyncadd.s32 $0xFFFFFFFF  }
0xb6: {  	_ =	strace $0x9000004B  }
0xb7: {  	_ =	sfence  }
0xb8: {  	s30 =	sld [smem:$0x0];
	_ =	sdelay $0x2  }
0xb9: {  	s31 =	sshll.u32 s1, $0xD;
	s1 =	sshrl.u32 s1, $0x2  }
0xba: {  	s3 =	sand.u32 $0x4000, s31;
	s1 =	sadd.s32 s1, s30  }
0xbb: {  	s0 =	sor.u32 s3, s0;
	s1 =	sshll.u32 s1, $0x11  }
0xbc: {  	s0 =	sor.u32 s1, s0  }
0xbd: {  	s0 =	sadd.s32 $0x8F2B, s0  }
0xbe: {  	[sflag:s0] =	ssyncadd.remote.s32 $0x1  }
0xbf: {  	_ =	sfence.sel $0xFFFF  }
0xc0: {  	[dreg:$0x0] =	wrdreg $0xFFFFFFFF;
	(pc) =	sbr.abs _section_cstart, $3  }
0xc1: {  	[dreg:$0x1] =	wrdreg $0xFFFFFFFF  }
0xc2: {  	_ =	task.clear_ibuf [dreg:s7], $0x2FFFF;
	_ =	strace $0x9FFFFFFF  }
0xc3: {  	(tm) =	ssettm $0x7FFFFFFF  }
tec
execute0_lowered:
.L_overlay_start_1:
0x0: {  	(tag) =	ssettag $0x1  }
0x1: {  	s0 =	rddreg [dreg:$0x0]  }
0x2: {  	s2 =	rddreg [dreg:$0x1]  }
0x3: {  	s3 =	rddreg [dreg:$0x2]  }
0x4: {  	s1 =	stileid.u32;
	s6 =	srdreg.scid  }
0x5: {  	s4 =	simm.s32 $0x0;
	s15 =	simm.s32 $0x2;
	s18 =	simm.s32 $0x10E00  }
0x6: {  	s19 =	simm.s32 $0x50;
	s20 =	simm.s32 $0xF000;
	s5 =	smul.u32 $0xA00, s1  }
0x7: {  	s21 =	simm.s32 $0x1;
	s22 =	simm.s32 $0xFA00;
	s26 =	smul.u32 $0x1400, s1  }
0x8: {  	s13 =	sand.u32 $0x1, s6;
	[smem:$0x7FF] =	sst s4;
	s8 =	smul.u32 $0x28000, s1  }
0x9: {  	s23 =	simm.s32 $0x0;
	s7 =	smul.u32 $0x14000, s13;
	_ =	strace $0x8000004A  }
0xa: {  	s29 =	ssub.s32 $0x2, s13;
	s16 =	smul.u32 $0x2710, s13;
	s9 =	sadd.s32 s5, s0  }
0xb: {  	s30 =	sshrl.u32 s29, $0x1;
	s31 =	sshrl.u32 s8, $0x2;
	s28 =	sadd.s32 s26, s7  }
0xc: {  	s14 =	ssub.s32 s29, s30;
	s5 =	sadd.s32 $0xDA00, s9;
	s6 =	sadd.s32 s31, s3  }
0xd: {  	s7 =	sadd.s32 $0x3A00, s9;
	s8 =	sadd.s32 $0x72000, s9;
	s0 =	sadd.s32 s28, s0  }
0xe: {  	s9 =	sadd.s32 $0x2000, s6;
	s10 =	sadd.s32 $0x4000, s6;
	s11 =	sadd.s32 $0x6000, s6  }
0xf: {  	v1 =	vimm.f32 $0.0e+00;
	v0 =	vmov s16;
	s12 =	sadd.s32 $0x8000, s6;
	s14 =	smax.u32 s14, $0x1;
	s13 =	sadd.s32 $0x7C000, s0  }
.LBB2_1:
0x10: {  	[tilespmem:s4], [sflag:$0x2] =	stream.linear.gather [hbm4b:s5+s4], $0x5000, $0x38;
	[tilespmem:$0x1CE00] =	vst v63  }
0x11: {  	_ =	swait.ge [sflag:s15], $0x5000  }
0x12: {  	[sflag:s15] =	ssyncset.done $0x0  }
0x13: {  	s0 =	simm.s32 $0x5000;
	[sflag:s15] =	ssyncadd.s32 $0xFFFFB000  }
0x14: {  	[tilespmem:s0], [sflag:$0x2] =	stream.linear.gather [hbm4b:s7+s4], $0x5000, $0x38;
	[tilespmem:$0x1CE00] =	vst v63  }
0x15: {  	_ =	swait.ge [sflag:s15], $0x5000  }
0x16: {  	[sflag:s15] =	ssyncset.done $0x0  }
0x17: {  	s31 =	simm.s32 $0xA000;
	[sflag:s15] =	ssyncadd.s32 $0xFFFFB000  }
0x18: {  	[tilespmem:s31], [sflag:$0x2] =	stream.linear.gather [hbm4b:s8+s4], $0x5000, $0x38;
	[tilespmem:$0x1CE00] =	vst v63  }
0x19: {  	_ =	swait.ge [sflag:s15], $0x5000  }
0x1a: {  	[sflag:s15] =	ssyncset.done $0x0  }
0x1b: {  	s16 =	simm.s32 $0x100;
	s0 =	simm.s32 $0x0;
	[sflag:s15] =	ssyncadd.s32 $0xFFFFB000  }
.LBB2_2:
0x1c: {  	p0 =	sne.s32 s16, $0x7F00;
	[tilespmem:s0+$0x10E30] =	vst v1;
	s24 =	smov.u32 s16;
	s16 =	sadd.s32 $0x100, s16  }
.Ltmp0:
0x1d: {  	[tilespmem:s0+$0x10E20] =	vst v1;
	(pc) =	sbr.rel @p0 .LBB2_2-.Ltmp0, $3  }
0x1e: {  	[tilespmem:s0+$0x10E00] =	vst v1  }
0x1f: {  	[tilespmem:s0+$0x10E10] =	vst v1;
	_ =	sdelay $0x1  }
0x20: {  	s0 =	sshra.s32 s24, $0x2  }
0x21: {  	[tilespmem:s0+$0x10E30] =	vst v1  }
0x22: {  	[tilespmem:s0+$0x10E20] =	vst v1  }
0x23: {  	[tilespmem:s0+$0x10E00] =	vst v1  }
0x24: {  	[tilespmem:s0+$0x10E10] =	vst v1  }
0x25: {  	[spmem:s6] =	stream.linear.scatter [tilespmem:s18], [sflag:$0x2], $0x2000, $0x38;
	[tilespmem:$0x1CE00] =	vst v63  }
0x26: {  	_ =	swait.ge [sflag:s15], $0x2000  }
0x27: {  	[sflag:s15] =	ssyncset.done $0x0  }
0x28: {  	[sflag:s15] =	ssyncadd.s32 $0xFFFFE000  }
0x29: {  	[spmem:s9] =	stream.linear.scatter [tilespmem:s18], [sflag:$0x2], $0x2000, $0x38;
	[tilespmem:$0x1CE00] =	vst v63  }
0x2a: {  	_ =	swait.ge [sflag:s15], $0x2000  }
0x2b: {  	[sflag:s15] =	ssyncset.done $0x0  }
0x2c: {  	[sflag:s15] =	ssyncadd.s32 $0xFFFFE000  }
0x2d: {  	[spmem:s10] =	stream.linear.scatter [tilespmem:s18], [sflag:$0x2], $0x2000, $0x38;
	[tilespmem:$0x1CE00] =	vst v63  }
0x2e: {  	_ =	swait.ge [sflag:s15], $0x2000  }
0x2f: {  	[sflag:s15] =	ssyncset.done $0x0  }
0x30: {  	[sflag:s15] =	ssyncadd.s32 $0xFFFFE000  }
0x31: {  	[spmem:s11] =	stream.linear.scatter [tilespmem:s18], [sflag:$0x2], $0x2000, $0x38;
	[tilespmem:$0x1CE00] =	vst v63  }
0x32: {  	_ =	swait.ge [sflag:s15], $0x2000  }
0x33: {  	[sflag:s15] =	ssyncset.done $0x0  }
0x34: {  	[sflag:s15] =	ssyncadd.s32 $0xFFFFE000  }
0x35: {  	[spmem:s12] =	stream.linear.scatter [tilespmem:s18], [sflag:$0x2], $0x2000, $0x38;
	[tilespmem:$0x1CE00] =	vst v63  }
0x36: {  	_ =	swait.ge [sflag:s15], $0x2000  }
0x37: {  	[sflag:s15] =	ssyncset.done $0x0  }
0x38: {  	s0 =	simm.s32 $0x0;
	[sflag:s15] =	ssyncadd.s32 $0xFFFFE000  }
0x39: {  	v5 =	vld [tilespmem:s0+$0x0]  }
0x3a: {  	v4 =	vld [tilespmem:s0+$0x10]  }
0x3b: {  	v3 =	vld [tilespmem:s0+$0x20]  }
0x3c: {  	s16 =	simm.s32 $0x140;
	v2 =	vld [tilespmem:s0+$0x30]  }
.LBB2_4:
0x3d: {  	p0 =	sne.s32 s16, $0x13EC0;
	v6 =	vld [tilespmem:s0+$0x40]  }
0x3e: {  	v5 =	vadd.s32 v0, v5  }
.Ltmp1:
0x3f: {  	s24 =	sshra.s32 s16, $0x2;
	[tilespmem:s0+$0x0] =	vst v5;
	v4 =	vadd.s32 v0, v4;
	(pc) =	sbr.rel @p0 .LBB2_4-.Ltmp1, $4  }
0x40: {  	v5 =	vld [tilespmem:s24+$0x0];
	[tilespmem:s0+$0x10] =	vst v4;
	v3 =	vadd.s32 v0, v3  }
0x41: {  	v4 =	vld [tilespmem:s24+$0x10];
	[tilespmem:s0+$0x20] =	vst v3;
	v2 =	vadd.s32 v0, v2  }
0x42: {  	v3 =	vld [tilespmem:s24+$0x20];
	[tilespmem:s0+$0x30] =	vst v2;
	v6 =	vadd.s32 v0, v6  }
0x43: {  	s16 =	sadd.s32 $0x140, s16;
	v2 =	vld [tilespmem:s24+$0x30];
	[tilespmem:s0+$0x40] =	vst v6;
	s0 =	smov.u32 s24  }
0x44: {  	v6 =	vld [tilespmem:s0+$0x40]  }
0x45: {  	v5 =	vadd.s32 v0, v5  }
0x46: {  	[tilespmem:s0+$0x0] =	vst v5;
	v4 =	vadd.s32 v0, v4  }
0x47: {  	[tilespmem:s0+$0x10] =	vst v4;
	v3 =	vadd.s32 v0, v3  }
0x48: {  	[tilespmem:s0+$0x20] =	vst v3;
	v2 =	vadd.s32 v0, v2  }
0x49: {  	[tilespmem:s0+$0x30] =	vst v2;
	v2 =	vadd.s32 v0, v6  }
0x4a: {  	[tilespmem:s0+$0x40] =	vst v2  }
0x4b: {  	s24 =	simm.s32 $0x0;
	[bflag:$0x0] =	sbarrier.arrive $0xFFFF  }
.LBB2_6:
0x4c: {  	s0 =	simm.s32 $0x0  }
0x4d: {  	v2 =	vmov s0  }
0x4e: {  	s25 =	smul.u32 $0x50, s24;
	v2 =	vand.u32 $0xFFFFFFFC, v2  }
0x4f: {  	v2 =	vbroadcast v2, $0x0  }
0x50: {  	[tilespmem:s20], [sflag:$0x1] =	stream.indirect.gather [hbm4b:s2+s19], $0x20, s25, s19, $0xb8;
	[tilespmem:$0x1CE00] =	vst v63  }
0x51: {  	_ =	swait.ge [sflag:s21], $0xA00  }
0x52: {  	[sflag:s21] =	ssyncset.done $0x0  }
0x53: {  	s28 =	simm.s32 $0xF040;
	[sflag:s21] =	ssyncadd.s32 $0xFFFFF600  }
0x54: {  	s29 =	sadd.s32 $0xA000, s25;
	v3 =	vld [tilespmem:s28+$0xFFFFFFC0]  }
0x55: {  	v2 =	vld.idx.msk [tilespmem:v2+s29+$0x0], $0xffff;
	_ =	sdelay $0x3  }
0x56: {  	v4 =	vunpack.i.l.bf16.f32 v3  }
0x57: {  	v3 =	vunpack.i.u.bf16.f32 v3;
	v4 =	vmul.f32 v4, v2  }
0x58: {  	s26 =	simm.s32 $0xFA80;
	v3 =	vmul.f32 v3, v2  }
0x59: {  	[tilespmem:s26+$0xFFFFFF80] =	vst v4  }
0x5a: {  	[tilespmem:s26+$0xFFFFFF90] =	vst v3  }
0x5b: {  	v3 =	vld [tilespmem:s28+$0xFFFFFFD0];
	_ =	sdelay $0x1  }
0x5c: {  	s17 =	simm.s32 $0x1  }
0x5d: {  	v4 =	vmov s17  }
0x5e: {  	v4 =	vand.u32 $0xFFFFFFFD, v4  }
0x5f: {  	v4 =	vbroadcast v4, $0x0;
	v5 =	vunpack.i.l.bf16.f32 v3  }
0x60: {  	v3 =	vunpack.i.u.bf16.f32 v3;
	v5 =	vmul.f32 v5, v2  }
0x61: {  	v2 =	vmul.f32 v3, v2  }
0x62: {  	[tilespmem:s26+$0xFFFFFFA0] =	vst v5  }
0x63: {  	[tilespmem:s26+$0xFFFFFFB0] =	vst v2  }
0x64: {  	v2 =	vld [tilespmem:s28+$0xFFFFFFE0]  }
0x65: {  	v3 =	vld.idx.msk [tilespmem:v4+s29+$0x0], $0xffff;
	_ =	sdelay $0x3  }
0x66: {  	v4 =	vunpack.i.l.bf16.f32 v2  }
0x67: {  	v2 =	vunpack.i.u.bf16.f32 v2;
	v4 =	vmul.f32 v4, v3  }
0x68: {  	v2 =	vmul.f32 v2, v3  }
0x69: {  	[tilespmem:s26+$0xFFFFFFC0] =	vst v4  }
0x6a: {  	[tilespmem:s26+$0xFFFFFFD0] =	vst v2  }
0x6b: {  	v2 =	vld [tilespmem:s28+$0xFFFFFFF0];
	_ =	sdelay $0x1  }
0x6c: {  	s16 =	simm.s32 $0x2  }
0x6d: {  	v4 =	vmov s16  }
0x6e: {  	v4 =	vand.u32 $0xFFFFFFFE, v4  }
0x6f: {  	v4 =	vbroadcast v4, $0x0;
	v5 =	vunpack.i.l.bf16.f32 v2  }
0x70: {  	v2 =	vunpack.i.u.bf16.f32 v2;
	v5 =	vmul.f32 v5, v3  }
0x71: {  	v2 =	vmul.f32 v2, v3  }
0x72: {  	[tilespmem:s26+$0xFFFFFFE0] =	vst v5  }
0x73: {  	[tilespmem:s26+$0xFFFFFFF0] =	vst v2  }
0x74: {  	v2 =	vld [tilespmem:s28+$0x0]  }
0x75: {  	v3 =	vld.idx.msk [tilespmem:v4+s29+$0x0], $0xffff;
	_ =	sdelay $0x3  }
0x76: {  	v4 =	vunpack.i.l.bf16.f32 v2  }
0x77: {  	v2 =	vunpack.i.u.bf16.f32 v2;
	v4 =	vmul.f32 v4, v3  }
0x78: {  	v2 =	vmul.f32 v2, v3  }
0x79: {  	[tilespmem:s26+$0x0] =	vst v4  }
0x7a: {  	[tilespmem:s26+$0x10] =	vst v2  }
0x7b: {  	v2 =	vld [tilespmem:s28+$0x10];
	_ =	sdelay $0x4  }
0x7c: {  	s17 =	simm.s32 $0x3;
	v4 =	vunpack.i.l.bf16.f32 v2  }
0x7d: {  	v5 =	vmov s17;
	v2 =	vunpack.i.u.bf16.f32 v2;
	v4 =	vmul.f32 v4, v3  }
0x7e: {  	v2 =	vmul.f32 v2, v3  }
0x7f: {  	[tilespmem:s26+$0x20] =	vst v4  }
0x80: {  	[tilespmem:s26+$0x30] =	vst v2  }
0x81: {  	v3 =	vld [tilespmem:s28+$0x20]  }
0x82: {  	v2 =	vld.idx.msk [tilespmem:v5+s29+$0x0], $0xffff;
	_ =	sdelay $0x3  }
0x83: {  	v5 =	vunpack.i.u.bf16.f32 v3;
	v3 =	vunpack.i.l.bf16.f32 v3  }
0x84: {  	s30 =	simm.s32 $0x7;
	s31 =	simm.s32 $0xF040;
	s0 =	simm.s32 $0xFA80;
	v4 =	vmul.f32 v3, v2;
	v3 =	vmul.f32 v5, v2  }
.LBB2_7:
0x85: {  	_ = 	snop  }
0x86: {  	p0 =	sne.s32 s30, $0x4F;
	s0 =	sadd.s32 $0x100, s0;
	s28 =	sadd.s32 $0x80, s28;
	[tilespmem:s26+$0x40] =	vst v4  }
0x87: {  	s16 =	smov.u32 s30;
	s30 =	sadd.s32 $0x4, s30;
	[tilespmem:s26+$0x50] =	vst v3  }
0x88: {  	v3 =	vld [tilespmem:s31+$0x30];
	s31 =	smov.u32 s28;
	_ =	sdelay $0x1  }
0x89: {  	s17 =	sadd.s32 $0xFFFFFFFD, s16  }
0x8a: {  	v4 =	vmov s17  }
0x8b: {  	v4 =	vand.u32 $0xFFFFFFFC, v4  }
0x8c: {  	v4 =	vbroadcast v4, $0x0;
	v5 =	vunpack.i.u.bf16.f32 v3;
	v3 =	vunpack.i.l.bf16.f32 v3  }
0x8d: {  	v3 =	vmul.f32 v3, v2;
	v2 =	vmul.f32 v5, v2;
	_ =	sdelay $0x1  }
0x8e: {  	[tilespmem:s26+$0x60] =	vst v3  }
0x8f: {  	[tilespmem:s26+$0x70] =	vst v2;
	s26 =	smov.u32 s0  }
0x90: {  	v2 =	vld [tilespmem:s28+$0xFFFFFFC0]  }
0x91: {  	v3 =	vld.idx.msk [tilespmem:v4+s29+$0x0], $0xffff;
	_ =	sdelay $0x4  }
0x92: {  	v4 =	vunpack.i.u.bf16.f32 v2;
	v2 =	vunpack.i.l.bf16.f32 v2  }
0x93: {  	v2 =	vmul.f32 v2, v3;
	v4 =	vmul.f32 v4, v3;
	_ =	sdelay $0x1  }
0x94: {  	[tilespmem:s0+$0xFFFFFF80] =	vst v2  }
0x95: {  	[tilespmem:s0+$0xFFFFFF90] =	vst v4  }
0x96: {  	v2 =	vld [tilespmem:s28+$0xFFFFFFD0]  }
0x97: {  	s17 =	sadd.s32 $0xFFFFFFFE, s16  }
0x98: {  	v4 =	vmov s17  }
0x99: {  	v4 =	vand.u32 $0xFFFFFFFD, v4  }
0x9a: {  	v4 =	vbroadcast v4, $0x0  }
0x9b: {  	v5 =	vunpack.i.u.bf16.f32 v2;
	v2 =	vunpack.i.l.bf16.f32 v2  }
0x9c: {  	v2 =	vmul.f32 v2, v3;
	v3 =	vmul.f32 v5, v3;
	_ =	sdelay $0x1  }
0x9d: {  	[tilespmem:s0+$0xFFFFFFA0] =	vst v2  }
0x9e: {  	[tilespmem:s0+$0xFFFFFFB0] =	vst v3  }
0x9f: {  	v2 =	vld.idx.msk [tilespmem:v4+s29+$0x0], $0xffff  }
0xa0: {  	v3 =	vld [tilespmem:s28+$0xFFFFFFE0];
	_ =	sdelay $0x4  }
0xa1: {  	v4 =	vunpack.i.u.bf16.f32 v3;
	v3 =	vunpack.i.l.bf16.f32 v3  }
0xa2: {  	v3 =	vmul.f32 v3, v2;
	v4 =	vmul.f32 v4, v2;
	_ =	sdelay $0x1  }
0xa3: {  	[tilespmem:s0+$0xFFFFFFC0] =	vst v3  }
0xa4: {  	[tilespmem:s0+$0xFFFFFFD0] =	vst v4  }
0xa5: {  	v3 =	vld [tilespmem:s28+$0xFFFFFFF0]  }
0xa6: {  	s17 =	sadd.s32 $0xFFFFFFFF, s16  }
0xa7: {  	v4 =	vmov s17  }
0xa8: {  	v4 =	vand.u32 $0xFFFFFFFE, v4  }
0xa9: {  	v4 =	vbroadcast v4, $0x0  }
0xaa: {  	v5 =	vunpack.i.u.bf16.f32 v3;
	v3 =	vunpack.i.l.bf16.f32 v3  }
0xab: {  	v3 =	vmul.f32 v3, v2;
	v2 =	vmul.f32 v5, v2;
	_ =	sdelay $0x1  }
0xac: {  	[tilespmem:s0+$0xFFFFFFE0] =	vst v3  }
0xad: {  	[tilespmem:s0+$0xFFFFFFF0] =	vst v2  }
0xae: {  	v2 =	vld.idx.msk [tilespmem:v4+s29+$0x0], $0xffff  }
0xaf: {  	v3 =	vld [tilespmem:s28+$0x0];
	_ =	sdelay $0x4  }
0xb0: {  	v4 =	vunpack.i.u.bf16.f32 v3;
	v3 =	vunpack.i.l.bf16.f32 v3  }
0xb1: {  	v3 =	vmul.f32 v3, v2;
	v4 =	vmul.f32 v4, v2;
	_ =	sdelay $0x1  }
0xb2: {  	[tilespmem:s0+$0x0] =	vst v3  }
0xb3: {  	[tilespmem:s0+$0x10] =	vst v4  }
0xb4: {  	v3 =	vld [tilespmem:s28+$0x10];
	_ =	sdelay $0x4  }
0xb5: {  	v5 =	vmov s16;
	v4 =	vunpack.i.u.bf16.f32 v3;
	v3 =	vunpack.i.l.bf16.f32 v3  }
0xb6: {  	v3 =	vmul.f32 v3, v2;
	v2 =	vmul.f32 v4, v2;
	_ =	sdelay $0x1  }
0xb7: {  	[tilespmem:s0+$0x20] =	vst v3  }
0xb8: {  	[tilespmem:s0+$0x30] =	vst v2  }
0xb9: {  	v2 =	vld.idx.msk [tilespmem:v5+s29+$0x0], $0xffff  }
0xba: {  	v3 =	vld [tilespmem:s28+$0x20];
	_ =	sdelay $0x1  }
.Ltmp2:
0xbb: {  	(pc) =	sbr.rel @p0 .LBB2_7-.Ltmp2, $3  }
0xbc: {  	_ =	sdelay $0x1  }
0xbd: {  	v5 =	vunpack.i.u.bf16.f32 v3;
	v3 =	vunpack.i.l.bf16.f32 v3  }
0xbe: {  	v4 =	vmul.f32 v3, v2;
	v3 =	vmul.f32 v5, v2  }
0xbf: {  	_ = 	snop  }
0xc0: {  	[tilespmem:s26+$0x40] =	vst v4  }
0xc1: {  	[tilespmem:s26+$0x50] =	vst v3  }
0xc2: {  	v3 =	vld [tilespmem:s31+$0x30];
	_ =	sdelay $0x4  }
0xc3: {  	v63 =	vunpack.i.l.bf16.f32 v3  }
0xc4: {  	v3 =	vunpack.i.u.bf16.f32 v3;
	v4 =	vmul.f32 v63, v2  }
0xc5: {  	s24 =	sadd.s32 $0x1, s24;
	v2 =	vmul.f32 v3, v2  }
0xc6: {  	p0 =	sne.s32 s24, $0x100;
	[tilespmem:s26+$0x60] =	vst v4  }
.Ltmp3:
0xc7: {  	s0 =	sadd.s32 $0x5000, s25;
	[tilespmem:s26+$0x70] =	vst v2;
	(pc) =	sbr.rel @p0 .LBB2_6-.Ltmp3, $4  }
0xc8: {  	[spmem:s3] =	stream.indirect.scatter.add.f32 [tilespmem:s22], [sflag:$0x2], $0x40, s0, s19, $0xb8;
	[tilespmem:$0x1CE00] =	vst v63  }
0xc9: {  	_ =	swait.ge [sflag:s15], $0x1400  }
0xca: {  	[sflag:s15] =	ssyncset.done $0x0  }
0xcb: {  	[sflag:s15] =	ssyncadd.s32 $0xFFFFEC00  }
0xcc: {  	s23 =	sadd.s32 $0x1, s23  }
0xcd: {  	s0 =	sshll.u32 s1, $0x6;
	[bflag:$0x0] =	sbarrier.arrive $0xFFFF;
	p0 =	sne.s32 s23, s14  }
.Ltmp4:
0xce: {  	s16 =	sshrl.u32 s6, $0x3;
	s0 =	sor.u32 $0x1C02, s0;
	(pc) =	sbr.rel @p0 .LBB2_1-.Ltmp4, $4  }
0xcf: {  	[hbm:s13], [sflag:s0] =	dma.local [spmem:s16], $0x1400  }
0xd0: {  	_ =	swait.ge [sflag:s15], $0x1400  }
0xd1: {  	[sflag:s15] =	ssyncset.done $0x0  }
0xd2: {  	[sflag:s15] =	ssyncadd.s32 $0xFFFFEC00  }
0xd3: {  	_ =	sfence.sel $0x180000  }
0xd4: {  	[bflag:$0x0] =	sbarrier.arrive $0xFFFF  }
0xd5: {  	_ =	strace $0x9000004A  }
0xd6: {  	[bflag:$0x2] =	sbarrier.arrive $0xFFFF  }
0xd7: {  	p0 =	sne.s32 s1, $0x0;
	s0 =	rddreg [dreg:$0x3]  }
0xd8: {  	s0 =	sadd.s32 @!p0 $0x100000, s0  }
0xd9: {  	[sflag:s0] =	ssyncadd.tile.s32 @!p0 $0x1;
	_ =	shalt  }
.Lfunc_end2:
_tile_overlayer_lowered:
.L_overlay_start_2:
0xda: {  	(tag) =	ssettag $0x2  }
0xdb: {  	s0 =	rddreg [dreg:$0x0];
	s2 =	stileid.u32  }
0xdc: {  	s1 =	rddreg [dreg:$0x1];
	p0 =	sne.s32 s2, $0x0  }
0xdd: {  	s3 =	rddreg [dreg:$0x2];
	[bflag:$0x3] =	sbarrier.arrive $0xFFFF;
	s2 =	simm.s32 @!p0 $0x1C02  }
0xde: {  	[timem:s3], [sflag:s2] =	dma.local @!p0 [hbm:s0], s1  }
0xdf: {  	s0 =	simm.s32 @!p0 $0x2  }
0xe0: {  	_ =	swait.ge @!p0 [sflag:s0], s1  }
0xe1: {  	s1 =	ssub.s32 @!p0 $0x0, s1;
	[sflag:s0] =	ssyncset.done @!p0 $0x0  }
0xe2: {  	[sflag:s0] =	ssyncadd.s32 @!p0 s1  }
0xe3: {  	[bflag:$0x3] =	sbarrier.arrive $0xFFFF  }
0xe4: {  	_ =	shalt  }

</sc_bundles>
